<compile_context>
chip_gen: v7x
topology: tpu7x:2x2x1
jax: 0.10.2.dev20260603
libtpu: 0.0.44.dev20260713+nightly
codegen_flags: <defaults>
</compile_context>

<pallas_src>
import functools

import jax
import jax.numpy as jnp
from jax import lax
from jax.experimental import pallas as pl
from jax.experimental.pallas import tpu as pltpu
from jax.experimental.pallas import tpu_sc as plsc

N_CORES = 2
N_SUB = 16
N_TILES = N_CORES * N_SUB
CHUNK = 128
NBUF = 4
NB = 2


def _round_up(v, m):
    return (v + m - 1) // m * m


def _sc_mesh():
    return plsc.VectorSubcoreMesh(core_axis_name="c", subcore_axis_name="s")



def _deg_body(n_chunks, stripe, dst_hbm, ones_hbm, zeros_hbm, out_hbm,
              ones_v, dsti_v, acc_sh, sem):
    cid = lax.axis_index("c")
    sid = lax.axis_index("s")
    w = cid * N_SUB + sid
    a_rows = stripe * N_SUB
    pltpu.sync_copy(ones_hbm, ones_v)
    pltpu.sync_copy(dst_hbm.at[pl.ds(w * n_chunks, n_chunks)], dsti_v)
    pltpu.sync_copy(zeros_hbm.at[pl.ds(sid * stripe, stripe)],
                    acc_sh.at[pl.ds(sid * stripe, stripe)])
    plsc.subcore_barrier()

    def body(i, carry):
        for b in range(NBUF):
            pltpu.async_copy(ones_v, acc_sh.at[dsti_v.at[i * NBUF + b]],
                             sem, add=True)
        for b in range(NBUF):
            pltpu.make_async_copy(ones_v, acc_sh.at[dsti_v.at[0]], sem).wait()
        return carry

    lax.fori_loop(0, n_chunks // NBUF, body, 0)
    plsc.subcore_barrier()
    pltpu.sync_copy(acc_sh.at[pl.ds(sid * stripe, stripe)],
                    out_hbm.at[pl.ds(cid * a_rows + sid * stripe, stripe)])


def _agg_body(pc, stripe, t_rows, feat_split, table_hbm, pk_hbm, zeros_hbm,
              out_hbm, pki_v, si0, si1, di0, di1, rows0, rows1,
              tab_sh, acc_sh, g0, g1, s0, s1):
    cid = lax.axis_index("c")
    sid = lax.axis_index("s")
    a_rows = stripe * N_SUB
    t_stripe = t_rows // N_SUB
    rows = (rows0, rows1)
    sis = (si0, si1)
    dis = (di0, di1)
    gs = (g0, g1)
    ss = (s0, s1)
    pk_base = sid * pc if feat_split else (cid * N_SUB + sid) * pc
    t_base = cid * t_rows if feat_split else 0
    pltpu.sync_copy(pk_hbm.at[pl.ds(pk_base, pc)], pki_v)
    pltpu.sync_copy(table_hbm.at[pl.ds(t_base + sid * t_stripe, t_stripe)],
                    tab_sh.at[pl.ds(sid * t_stripe, t_stripe)])
    pltpu.sync_copy(zeros_hbm.at[pl.ds(sid * stripe, stripe)],
                    acc_sh.at[pl.ds(sid * stripe, stripe)])
    plsc.subcore_barrier()

    def unpack(c, b):
        for g in range(CHUNK // 16):
            wv = pki_v[c, pl.ds(g * 16, 16)]
            sis[b][pl.ds(g * 16, 16)] = wv & 0xFFFF
            dis[b][pl.ds(g * 16, 16)] = wv >> 16

    unpack(0, 0)
    pltpu.async_copy(tab_sh.at[sis[0]], rows[0], gs[0])

    def body(i, carry):
        for b in range(NB):
            c = i * NB + b
            bn = (b + 1) % NB
            cn = jnp.where(c + 1 < pc, c + 1, 0)

            def _wait_sc():
                pltpu.make_async_copy(rows[bn], acc_sh.at[dis[bn]],
                                      ss[bn]).wait()
            if b == 0:
                @pl.when(i > 0)
                def _():
                    _wait_sc()
            else:
                _wait_sc()
            unpack(cn, bn)
            pltpu.async_copy(tab_sh.at[sis[bn]], rows[bn], gs[bn])
            pltpu.make_async_copy(tab_sh.at[sis[0]], rows[b], gs[b]).wait()
            pltpu.async_copy(rows[b], acc_sh.at[dis[b]], ss[b], add=True)
        return carry

    lax.fori_loop(0, pc // NB, body, 0)
    pltpu.make_async_copy(rows[(pc - 1) % NB], acc_sh.at[dis[0]],
                          ss[(pc - 1) % NB]).wait()
    pltpu.make_async_copy(tab_sh.at[sis[0]], rows[pc % NB], gs[pc % NB]).wait()
    plsc.subcore_barrier()
    pltpu.sync_copy(acc_sh.at[pl.ds(sid * stripe, stripe)],
                    out_hbm.at[pl.ds(cid * a_rows + sid * stripe, stripe)])


def _make_deg_kernel(n_chunks, stripe):
    a_rows = stripe * N_SUB
    return pl.kernel(
        functools.partial(_deg_body, n_chunks, stripe),
        out_type=jax.ShapeDtypeStruct((N_CORES * a_rows, 16), jnp.float32),
        mesh=_sc_mesh(),
        compiler_params=pltpu.CompilerParams(use_tc_tiling_on_sc=False),
        scratch_types=[
            pltpu.VMEM((CHUNK, 16), jnp.float32),
            pltpu.VMEM((n_chunks, CHUNK), jnp.int32),
            pltpu.VMEM_SHARED((a_rows, 16), jnp.float32),
            pltpu.SemaphoreType.DMA,
        ],
    )


def _make_agg_kernel(pc, stripe, t_rows, d, feat_split):
    a_rows = stripe * N_SUB
    return pl.kernel(
        functools.partial(_agg_body, pc, stripe, t_rows, feat_split),
        out_type=jax.ShapeDtypeStruct((N_CORES * a_rows, d), jnp.float32),
        mesh=_sc_mesh(),
        compiler_params=pltpu.CompilerParams(use_tc_tiling_on_sc=False),
        scratch_types=(
            [pltpu.VMEM((pc, CHUNK), jnp.int32)]
            + [pltpu.VMEM((CHUNK,), jnp.int32) for _ in range(4)]
            + [pltpu.VMEM((CHUNK, d), jnp.float32) for _ in range(NB)]
            + [pltpu.VMEM_SHARED((t_rows, d), jnp.float32),
               pltpu.VMEM_SHARED((a_rows, d), jnp.float32)]
            + [pltpu.SemaphoreType.DMA for _ in range(2 * NB)]
        ),
    )



def _tc_scale_body(x_ref, w1_ref, d0_ref, d1_ref, hs_ref, dinv_ref):
    deg = d0_ref[...] + d1_ref[...] + 1.0
    dinv = lax.rsqrt(deg)
    h = jnp.dot(x_ref[...], w1_ref[...], preferred_element_type=jnp.float32)
    hs = h * dinv
    half = hs.shape[1] // 2
    hs_ref[...] = jnp.concatenate([hs[:, :half], hs[:, half:]], axis=0)
    dinv_ref[...] = dinv


def _tc_mid_body(p0_ref, p1_ref, hsa_ref, hsb_ref, dinv_ref, b1_ref, w2_ref,
                 hs2_ref):
    dinv = dinv_ref[...]
    agg = jnp.concatenate([p0_ref[...], p1_ref[...]], axis=1)
    hs1 = jnp.concatenate([hsa_ref[...], hsb_ref[...]], axis=1)
    pre = (agg + hs1) * dinv + b1_ref[...]
    a1 = jnp.maximum(pre, 0.0)
    hs2_ref[...] = jnp.dot(a1, w2_ref[...],
                           preferred_element_type=jnp.float32) * dinv


def _tc_final_body(q0_ref, q1_ref, hs2_ref, dinv_ref, b2_ref, out_ref):
    out_ref[...] = ((q0_ref[...] + q1_ref[...] + hs2_ref[...])
                    * dinv_ref[...] + b2_ref[...])



def kernel(x, edge_index, W1, b1, W2, b2):
    n, in_ch = x.shape
    hid = W1.shape[1]
    out_ch = W2.shape[1]
    e = edge_index.shape[1]

    src = edge_index[0].astype(jnp.int32)
    dst = edge_index[1].astype(jnp.int32)

    e_pad = _round_up(e, N_TILES * CHUNK * NBUF)
    n_chunks = e_pad // (N_TILES * CHUNK)
    pc1 = N_CORES * n_chunks
    dst_p = jnp.concatenate(
        [dst, jnp.full((e_pad - e,), n, jnp.int32)]).reshape(-1, CHUNK)
    packed = jnp.concatenate(
        [src | (dst << 16),
         jnp.full((e_pad - e,), n << 16, jnp.int32)]).reshape(-1, CHUNK)

    a_rows = _round_up(n + 1, N_SUB * 8)
    stripe = a_rows // N_SUB
    half = hid // 2
    d2 = 16

    zeros1 = jnp.zeros((a_rows, half), jnp.float32)
    zeros2 = jnp.zeros((a_rows, d2), jnp.float32)
    ones16 = jnp.ones((CHUNK, 16), jnp.float32)

    degp = _make_deg_kernel(n_chunks, stripe)(dst_p, ones16, zeros2)
    d0 = degp[:n, :1]
    d1 = degp[a_rows:a_rows + n, :1]

    hs_st, dinv = pl.pallas_call(
        _tc_scale_body,
        out_shape=[jax.ShapeDtypeStruct((2 * n, half), jnp.float32),
                   jax.ShapeDtypeStruct((n, 1), jnp.float32)],
    )(x, W1, d0, d1)

    p = _make_agg_kernel(pc1, stripe, n, half, True)(hs_st, packed, zeros1)
    p0 = p[:n]
    p1 = p[a_rows:a_rows + n]

    w2p = jnp.zeros((hid, d2), jnp.float32).at[:, :out_ch].set(W2)
    b1r = b1.reshape(1, hid)
    hs2 = pl.pallas_call(
        _tc_mid_body,
        out_shape=jax.ShapeDtypeStruct((n, d2), jnp.float32),
    )(p0, p1, hs_st[:n], hs_st[n:], dinv, b1r, w2p)

    q = _make_agg_kernel(n_chunks, stripe, n, d2, False)(hs2, packed, zeros2)
    q0 = q[:n]
    q1 = q[a_rows:a_rows + n]

    b2p = jnp.zeros((1, d2), jnp.float32).at[0, :out_ch].set(b2)
    out16 = pl.pallas_call(
        _tc_final_body,
        out_shape=jax.ShapeDtypeStruct((n, d2), jnp.float32),
    )(q0, q1, hs2, dinv, b2p)

    return out16[:, :out_ch]

# --- scband reference (transcript-rebuilt; emitter-appended) ---
"""Pipeline reference for scband-gnnfraud-detector-87686052315771 (READ-ONLY COPY).

The authoritative reference and input builder live on the scoring server;
editing this copy changes nothing except your own understanding.
"""

import jax, jax.numpy as jnp
import numpy as np

N_NODES = 10000
N_EDGES = 320000
IN_CH = 128
HID_CH = 128
OUT_CH = 2


def setup_inputs(seed: int = 0) -> dict:
    key = jax.random.key(seed)
    k1, k2, k3, k4, k5, k6 = jax.random.split(key, 6)
    x = jax.random.normal(k1, (N_NODES, IN_CH), dtype=jnp.float32)
    edge_index = jax.random.randint(k2, (2, N_EDGES), 0, N_NODES, dtype=jnp.int64)
    # GCNConv layer 1 params (glorot-like init)
    s1 = (6.0 / (IN_CH + HID_CH)) ** 0.5
    W1 = jax.random.uniform(k3, (IN_CH, HID_CH), minval=-s1, maxval=s1, dtype=jnp.float32)
    b1 = jnp.zeros((HID_CH,), dtype=jnp.float32)
    # GCNConv layer 2 params
    s2 = (6.0 / (HID_CH + OUT_CH)) ** 0.5
    W2 = jax.random.uniform(k4, (HID_CH, OUT_CH), minval=-s2, maxval=s2, dtype=jnp.float32)
    b2 = jnp.zeros((OUT_CH,), dtype=jnp.float32)
    return {"x": x, "edge_index": edge_index, "W1": W1, "b1": b1, "W2": W2, "b2": b2}


def _gcn_conv(x, src, dst, W, b):
    # x: [N, in], W: [in, out], b: [out]
    N = x.shape[0]
    # symmetric normalization with self-loops already appended to src/dst
    deg = jnp.zeros((N,), dtype=x.dtype).at[dst].add(1.0)
    dinv = jnp.where(deg > 0, deg ** -0.5, 0.0)
    norm = dinv[src] * dinv[dst]
    h = x @ W
    msgs = h[src] * norm[:, None]
    out = jnp.zeros((N, W.shape[1]), dtype=x.dtype).at[dst].add(msgs)
    return out + b


def reference(x, edge_index, W1, b1, W2, b2):
    N = x.shape[0]
    loop = jnp.arange(N, dtype=edge_index.dtype)
    src = jnp.concatenate([edge_index[0], loop])
    dst = jnp.concatenate([edge_index[1], loop])
    h = _gcn_conv(x, src, dst, W1, b1)
    h = jax.nn.relu(h)
    out = _gcn_conv(h, src, dst, W2, b2)
    return out

if __name__ == "__main__":
    import jax
    _d = setup_inputs()
    print(jax.jit(kernel)(*tuple(_d.values())))

</pallas_src>

<mosaic_0001>
#map = affine_map<(d0, d1) -> (0, 0)>
module attributes {stable_mosaic.version = 14 : i64} {
  func.func @_agg_body(%arg0: i32, %arg1: i32, %arg2: memref<20000x64xf32, #tpu.memory_space<hbm>>, %arg3: memref<2560x128xi32, #tpu.memory_space<hbm>>, %arg4: memref<10112x64xf32, #tpu.memory_space<hbm>>, %arg5: memref<20224x64xf32, #tpu.memory_space<hbm>>, %arg6: memref<160x128xi32, #tpu.memory_space<vmem>>, %arg7: memref<128xi32, #tpu.memory_space<vmem>>, %arg8: memref<128xi32, #tpu.memory_space<vmem>>, %arg9: memref<128xi32, #tpu.memory_space<vmem>>, %arg10: memref<128xi32, #tpu.memory_space<vmem>>, %arg11: memref<128x64xf32, #tpu.memory_space<vmem>>, %arg12: memref<128x64xf32, #tpu.memory_space<vmem>>, %arg13: memref<10000x64xf32, #tpu.memory_space<vmem_shared>>, %arg14: memref<10112x64xf32, #tpu.memory_space<vmem_shared>>, %arg15: memref<!tpu.dma_semaphore, #tpu.memory_space<semaphore_mem>>, %arg16: memref<!tpu.dma_semaphore, #tpu.memory_space<semaphore_mem>>, %arg17: memref<!tpu.dma_semaphore, #tpu.memory_space<semaphore_mem>>, %arg18: memref<!tpu.dma_semaphore, #tpu.memory_space<semaphore_mem>>) attributes {dimension_semantics = [#tpu.dimension_semantics<core_parallel>, #tpu.dimension_semantics<subcore_parallel>], iteration_bounds = array<i64: 2, 16>, scalar_prefetch = 0 : i64, scratch_operands = 13 : i64, tpu.core_type = #tpu.core_type<sc_vector_subcore>, window_params = [{transform_indices = #map}, {transform_indices = #map}, {transform_indices = #map}, {transform_indices = #map}]} {
    %mul3A = arith.constant 160 : i32
    %mul3A_0 = arith.muli %arg1, %mul3A : i32
    %mul3A_1 = arith.constant 10000 : i32
    %mul3A_2 = arith.muli %arg0, %mul3A_1 : i32
    "tpu.region"() ({
      %run_scoped3A = tpu.sem_alloc : memref<!tpu.dma_semaphore, #tpu.memory_space<semaphore_mem>>
      %dma_start3A_179 = arith.constant 0 : i32
      %dma_start3A_180 = tpu.memref_slice %arg3[%mul3A_0, %dma_start3A_179] : memref<2560x128xi32, #tpu.memory_space<hbm>> -> memref<160x128xi32, #tpu.memory_space<hbm>>
      %dma_start3A_181 = arith.constant 0 : i32
      %dma_start3A_182 = tpu.memref_slice %arg3[%mul3A_0, %dma_start3A_181] : memref<2560x128xi32, #tpu.memory_space<hbm>> -> memref<160x128xi32, #tpu.memory_space<hbm>>
      tpu.enqueue_dma source(%dma_start3A_182 : memref<160x128xi32, #tpu.memory_space<hbm>>) target(%arg6 : memref<160x128xi32, #tpu.memory_space<vmem>>) target_semaphore(%run_scoped3A : memref<!tpu.dma_semaphore, #tpu.memory_space<semaphore_mem>>)
      %dma_wait3A_183 = arith.constant 0 : i32
      %dma_wait3A_184 = tpu.memref_slice %arg3[%mul3A_0, %dma_wait3A_183] : memref<2560x128xi32, #tpu.memory_space<hbm>> -> memref<160x128xi32, #tpu.memory_space<hbm>>
      %dma_wait3A_185 = arith.constant 0 : i32
      %dma_wait3A_186 = tpu.memref_slice %arg3[%mul3A_0, %dma_wait3A_185] : memref<2560x128xi32, #tpu.memory_space<hbm>> -> memref<160x128xi32, #tpu.memory_space<hbm>>
      tpu.wait_dma2 semaphore(%run_scoped3A : memref<!tpu.dma_semaphore, #tpu.memory_space<semaphore_mem>>) src(%dma_wait3A_186 : memref<160x128xi32, #tpu.memory_space<hbm>>) dst(%arg6 : memref<160x128xi32, #tpu.memory_space<vmem>>)
      tpu.yield
    }) : () -> ()
    %mul3A_3 = arith.constant 625 : i32
    %mul3A_4 = arith.muli %arg1, %mul3A_3 : i32
    %add3A = arith.addi %mul3A_2, %mul3A_4 : i32
    %mul3A_5 = arith.constant 625 : i32
    %mul3A_6 = arith.muli %arg1, %mul3A_5 : i32
    "tpu.region"() ({
      %run_scoped3A = tpu.sem_alloc : memref<!tpu.dma_semaphore, #tpu.memory_space<semaphore_mem>>
      %dma_start3A_179 = arith.constant 0 : i32
      %dma_start3A_180 = tpu.memref_slice %arg13[%mul3A_6, %dma_start3A_179] : memref<10000x64xf32, #tpu.memory_space<vmem_shared>> -> memref<625x64xf32, #tpu.memory_space<vmem_shared>>
      %dma_start3A_181 = arith.constant 0 : i32
      %dma_start3A_182 = tpu.memref_slice %arg2[%add3A, %dma_start3A_181] : memref<20000x64xf32, #tpu.memory_space<hbm>> -> memref<625x64xf32, #tpu.memory_space<hbm>>
      tpu.enqueue_dma source(%dma_start3A_182 : memref<625x64xf32, #tpu.memory_space<hbm>>) target(%dma_start3A_180 : memref<625x64xf32, #tpu.memory_space<vmem_shared>>) target_semaphore(%run_scoped3A : memref<!tpu.dma_semaphore, #tpu.memory_space<semaphore_mem>>)
      %dma_wait3A_183 = arith.constant 0 : i32
      %dma_wait3A_184 = tpu.memref_slice %arg13[%mul3A_6, %dma_wait3A_183] : memref<10000x64xf32, #tpu.memory_space<vmem_shared>> -> memref<625x64xf32, #tpu.memory_space<vmem_shared>>
      %dma_wait3A_185 = arith.constant 0 : i32
      %dma_wait3A_186 = tpu.memref_slice %arg2[%add3A, %dma_wait3A_185] : memref<20000x64xf32, #tpu.memory_space<hbm>> -> memref<625x64xf32, #tpu.memory_space<hbm>>
      tpu.wait_dma2 semaphore(%run_scoped3A : memref<!tpu.dma_semaphore, #tpu.memory_space<semaphore_mem>>) src(%dma_wait3A_186 : memref<625x64xf32, #tpu.memory_space<hbm>>) dst(%dma_wait3A_184 : memref<625x64xf32, #tpu.memory_space<vmem_shared>>)
      tpu.yield
    }) : () -> ()
    %mul3A_7 = arith.constant 632 : i32
    %mul3A_8 = arith.muli %arg1, %mul3A_7 : i32
    %mul3A_9 = arith.constant 632 : i32
    %mul3A_10 = arith.muli %arg1, %mul3A_9 : i32
    "tpu.region"() ({
      %run_scoped3A = tpu.sem_alloc : memref<!tpu.dma_semaphore, #tpu.memory_space<semaphore_mem>>
      %dma_start3A_179 = arith.constant 0 : i32
      %dma_start3A_180 = tpu.memref_slice %arg14[%mul3A_10, %dma_start3A_179] : memref<10112x64xf32, #tpu.memory_space<vmem_shared>> -> memref<632x64xf32, #tpu.memory_space<vmem_shared>>
      %dma_start3A_181 = arith.constant 0 : i32
      %dma_start3A_182 = tpu.memref_slice %arg4[%mul3A_8, %dma_start3A_181] : memref<10112x64xf32, #tpu.memory_space<hbm>> -> memref<632x64xf32, #tpu.memory_space<hbm>>
      tpu.enqueue_dma source(%dma_start3A_182 : memref<632x64xf32, #tpu.memory_space<hbm>>) target(%dma_start3A_180 : memref<632x64xf32, #tpu.memory_space<vmem_shared>>) target_semaphore(%run_scoped3A : memref<!tpu.dma_semaphore, #tpu.memory_space<semaphore_mem>>)
      %dma_wait3A_183 = arith.constant 0 : i32
      %dma_wait3A_184 = tpu.memref_slice %arg14[%mul3A_10, %dma_wait3A_183] : memref<10112x64xf32, #tpu.memory_space<vmem_shared>> -> memref<632x64xf32, #tpu.memory_space<vmem_shared>>
      %dma_wait3A_185 = arith.constant 0 : i32
      %dma_wait3A_186 = tpu.memref_slice %arg4[%mul3A_8, %dma_wait3A_185] : memref<10112x64xf32, #tpu.memory_space<hbm>> -> memref<632x64xf32, #tpu.memory_space<hbm>>
      tpu.wait_dma2 semaphore(%run_scoped3A : memref<!tpu.dma_semaphore, #tpu.memory_space<semaphore_mem>>) src(%dma_wait3A_186 : memref<632x64xf32, #tpu.memory_space<hbm>>) dst(%dma_wait3A_184 : memref<632x64xf32, #tpu.memory_space<vmem_shared>>)
      tpu.yield
    }) : () -> ()
    %barrier3A = arith.constant 0 : index
    tpu.barrier barrier_id(%barrier3A)
    %get3A = arith.constant 0 : i32
    %get3A_11 = arith.index_cast %get3A : i32 to index
    %get3A_12 = arith.constant 0 : index
    %get3A_13 = tpu.vector_load %arg6[%get3A_11, %get3A_12] {strides = array<i32>} : memref<160x128xi32, #tpu.memory_space<vmem>>, vector<1x16xi32>,
    %get3A_14 = vector.shape_cast %get3A_13 : vector<1x16xi32> to vector<16xi32>
    %and3A = arith.constant 65535 : i32
    %and3A_15 = vector.broadcast %and3A : i32 to vector<16xi32>
    %and3A_16 = arith.andi %get3A_14, %and3A_15 : vector<16xi32>
    %swap3A = arith.constant 0 : index
    %swap3A_17 = tpu.vector_load %arg7[%swap3A] {strides = array<i32>} : memref<128xi32, #tpu.memory_space<vmem>>, vector<16xi32>,
    %swap3A_18 = vector.shape_cast %swap3A_17 : vector<16xi32> to vector<16xi32>
    %swap3A_19 = vector.shape_cast %and3A_16 : vector<16xi32> to vector<16xi32>
    tpu.vector_store %arg7[%swap3A], %swap3A_19 {strides = array<i32>} : memref<128xi32, #tpu.memory_space<vmem>>, vector<16xi32>,
    %shift_right_arithmetic3A = arith.constant 16 : i32
    %shift_right_arithmetic3A_20 = vector.broadcast %shift_right_arithmetic3A : i32 to vector<16xi32>
    %shift_right_arithmetic3A_21 = arith.shrsi %get3A_14, %shift_right_arithmetic3A_20 : vector<16xi32>
    %swap3A_22 = arith.constant 0 : index
    %swap3A_23 = tpu.vector_load %arg9[%swap3A_22] {strides = array<i32>} : memref<128xi32, #tpu.memory_space<vmem>>, vector<16xi32>,
    %swap3A_24 = vector.shape_cast %swap3A_23 : vector<16xi32> to vector<16xi32>
    %swap3A_25 = vector.shape_cast %shift_right_arithmetic3A_21 : vector<16xi32> to vector<16xi32>
    tpu.vector_store %arg9[%swap3A_22], %swap3A_25 {strides = array<i32>} : memref<128xi32, #tpu.memory_space<vmem>>, vector<16xi32>,
    %get3A_26 = arith.constant 0 : i32
    %get3A_27 = arith.index_cast %get3A_26 : i32 to index
    %get3A_28 = arith.constant 16 : index
    %get3A_29 = tpu.vector_load %arg6[%get3A_27, %get3A_28] {strides = array<i32>} : memref<160x128xi32, #tpu.memory_space<vmem>>, vector<1x16xi32>,
    %get3A_30 = vector.shape_cast %get3A_29 : vector<1x16xi32> to vector<16xi32>
    %and3A_31 = arith.constant 65535 : i32
    %and3A_32 = vector.broadcast %and3A_31 : i32 to vector<16xi32>
    %and3A_33 = arith.andi %get3A_30, %and3A_32 : vector<16xi32>
    %swap3A_34 = arith.constant 16 : index
    %swap3A_35 = tpu.vector_load %arg7[%swap3A_34] {strides = array<i32>} : memref<128xi32, #tpu.memory_space<vmem>>, vector<16xi32>,
    %swap3A_36 = vector.shape_cast %swap3A_35 : vector<16xi32> to vector<16xi32>
    %swap3A_37 = vector.shape_cast %and3A_33 : vector<16xi32> to vector<16xi32>
    tpu.vector_store %arg7[%swap3A_34], %swap3A_37 {strides = array<i32>} : memref<128xi32, #tpu.memory_space<vmem>>, vector<16xi32>,
    %shift_right_arithmetic3A_38 = arith.constant 16 : i32
    %shift_right_arithmetic3A_39 = vector.broadcast %shift_right_arithmetic3A_38 : i32 to vector<16xi32>
    %shift_right_arithmetic3A_40 = arith.shrsi %get3A_30, %shift_right_arithmetic3A_39 : vector<16xi32>
    %swap3A_41 = arith.constant 16 : index
    %swap3A_42 = tpu.vector_load %arg9[%swap3A_41] {strides = array<i32>} : memref<128xi32, #tpu.memory_space<vmem>>, vector<16xi32>,
    %swap3A_43 = vector.shape_cast %swap3A_42 : vector<16xi32> to vector<16xi32>
    %swap3A_44 = vector.shape_cast %shift_right_arithmetic3A_40 : vector<16xi32> to vector<16xi32>
    tpu.vector_store %arg9[%swap3A_41], %swap3A_44 {strides = array<i32>} : memref<128xi32, #tpu.memory_space<vmem>>, vector<16xi32>,
    %get3A_45 = arith.constant 0 : i32
    %get3A_46 = arith.index_cast %get3A_45 : i32 to index
    %get3A_47 = arith.constant 32 : index
    %get3A_48 = tpu.vector_load %arg6[%get3A_46, %get3A_47] {strides = array<i32>} : memref<160x128xi32, #tpu.memory_space<vmem>>, vector<1x16xi32>,
    %get3A_49 = vector.shape_cast %get3A_48 : vector<1x16xi32> to vector<16xi32>
    %and3A_50 = arith.constant 65535 : i32
    %and3A_51 = vector.broadcast %and3A_50 : i32 to vector<16xi32>
    %and3A_52 = arith.andi %get3A_49, %and3A_51 : vector<16xi32>
    %swap3A_53 = arith.constant 32 : index
    %swap3A_54 = tpu.vector_load %arg7[%swap3A_53] {strides = array<i32>} : memref<128xi32, #tpu.memory_space<vmem>>, vector<16xi32>,
    %swap3A_55 = vector.shape_cast %swap3A_54 : vector<16xi32> to vector<16xi32>
    %swap3A_56 = vector.shape_cast %and3A_52 : vector<16xi32> to vector<16xi32>
    tpu.vector_store %arg7[%swap3A_53], %swap3A_56 {strides = array<i32>} : memref<128xi32, #tpu.memory_space<vmem>>, vector<16xi32>,
    %shift_right_arithmetic3A_57 = arith.constant 16 : i32
    %shift_right_arithmetic3A_58 = vector.broadcast %shift_right_arithmetic3A_57 : i32 to vector<16xi32>
    %shift_right_arithmetic3A_59 = arith.shrsi %get3A_49, %shift_right_arithmetic3A_58 : vector<16xi32>
    %swap3A_60 = arith.constant 32 : index
    %swap3A_61 = tpu.vector_load %arg9[%swap3A_60] {strides = array<i32>} : memref<128xi32, #tpu.memory_space<vmem>>, vector<16xi32>,
    %swap3A_62 = vector.shape_cast %swap3A_61 : vector<16xi32> to vector<16xi32>
    %swap3A_63 = vector.shape_cast %shift_right_arithmetic3A_59 : vector<16xi32> to vector<16xi32>
    tpu.vector_store %arg9[%swap3A_60], %swap3A_63 {strides = array<i32>} : memref<128xi32, #tpu.memory_space<vmem>>, vector<16xi32>,
    %get3A_64 = arith.constant 0 : i32
    %get3A_65 = arith.index_cast %get3A_64 : i32 to index
    %get3A_66 = arith.constant 48 : index
    %get3A_67 = tpu.vector_load %arg6[%get3A_65, %get3A_66] {strides = array<i32>} : memref<160x128xi32, #tpu.memory_space<vmem>>, vector<1x16xi32>,
    %get3A_68 = vector.shape_cast %get3A_67 : vector<1x16xi32> to vector<16xi32>
    %and3A_69 = arith.constant 65535 : i32
    %and3A_70 = vector.broadcast %and3A_69 : i32 to vector<16xi32>
    %and3A_71 = arith.andi %get3A_68, %and3A_70 : vector<16xi32>
    %swap3A_72 = arith.constant 48 : index
    %swap3A_73 = tpu.vector_load %arg7[%swap3A_72] {strides = array<i32>} : memref<128xi32, #tpu.memory_space<vmem>>, vector<16xi32>,
    %swap3A_74 = vector.shape_cast %swap3A_73 : vector<16xi32> to vector<16xi32>
    %swap3A_75 = vector.shape_cast %and3A_71 : vector<16xi32> to vector<16xi32>
    tpu.vector_store %arg7[%swap3A_72], %swap3A_75 {strides = array<i32>} : memref<128xi32, #tpu.memory_space<vmem>>, vector<16xi32>,
    %shift_right_arithmetic3A_76 = arith.constant 16 : i32
    %shift_right_arithmetic3A_77 = vector.broadcast %shift_right_arithmetic3A_76 : i32 to vector<16xi32>
    %shift_right_arithmetic3A_78 = arith.shrsi %get3A_68, %shift_right_arithmetic3A_77 : vector<16xi32>
    %swap3A_79 = arith.constant 48 : index
    %swap3A_80 = tpu.vector_load %arg9[%swap3A_79] {strides = array<i32>} : memref<128xi32, #tpu.memory_space<vmem>>, vector<16xi32>,
    %swap3A_81 = vector.shape_cast %swap3A_80 : vector<16xi32> to vector<16xi32>
    %swap3A_82 = vector.shape_cast %shift_right_arithmetic3A_78 : vector<16xi32> to vector<16xi32>
    tpu.vector_store %arg9[%swap3A_79], %swap3A_82 {strides = array<i32>} : memref<128xi32, #tpu.memory_space<vmem>>, vector<16xi32>,
    %get3A_83 = arith.constant 0 : i32
    %get3A_84 = arith.index_cast %get3A_83 : i32 to index
    %get3A_85 = arith.constant 64 : index
    %get3A_86 = tpu.vector_load %arg6[%get3A_84, %get3A_85] {strides = array<i32>} : memref<160x128xi32, #tpu.memory_space<vmem>>, vector<1x16xi32>,
    %get3A_87 = vector.shape_cast %get3A_86 : vector<1x16xi32> to vector<16xi32>
    %and3A_88 = arith.constant 65535 : i32
    %and3A_89 = vector.broadcast %and3A_88 : i32 to vector<16xi32>
    %and3A_90 = arith.andi %get3A_87, %and3A_89 : vector<16xi32>
    %swap3A_91 = arith.constant 64 : index
    %swap3A_92 = tpu.vector_load %arg7[%swap3A_91] {strides = array<i32>} : memref<128xi32, #tpu.memory_space<vmem>>, vector<16xi32>,
    %swap3A_93 = vector.shape_cast %swap3A_92 : vector<16xi32> to vector<16xi32>
    %swap3A_94 = vector.shape_cast %and3A_90 : vector<16xi32> to vector<16xi32>
    tpu.vector_store %arg7[%swap3A_91], %swap3A_94 {strides = array<i32>} : memref<128xi32, #tpu.memory_space<vmem>>, vector<16xi32>,
    %shift_right_arithmetic3A_95 = arith.constant 16 : i32
    %shift_right_arithmetic3A_96 = vector.broadcast %shift_right_arithmetic3A_95 : i32 to vector<16xi32>
    %shift_right_arithmetic3A_97 = arith.shrsi %get3A_87, %shift_right_arithmetic3A_96 : vector<16xi32>
    %swap3A_98 = arith.constant 64 : index
    %swap3A_99 = tpu.vector_load %arg9[%swap3A_98] {strides = array<i32>} : memref<128xi32, #tpu.memory_space<vmem>>, vector<16xi32>,
    %swap3A_100 = vector.shape_cast %swap3A_99 : vector<16xi32> to vector<16xi32>
    %swap3A_101 = vector.shape_cast %shift_right_arithmetic3A_97 : vector<16xi32> to vector<16xi32>
    tpu.vector_store %arg9[%swap3A_98], %swap3A_101 {strides = array<i32>} : memref<128xi32, #tpu.memory_space<vmem>>, vector<16xi32>,
    %get3A_102 = arith.constant 0 : i32
    %get3A_103 = arith.index_cast %get3A_102 : i32 to index
    %get3A_104 = arith.constant 80 : index
    %get3A_105 = tpu.vector_load %arg6[%get3A_103, %get3A_104] {strides = array<i32>} : memref<160x128xi32, #tpu.memory_space<vmem>>, vector<1x16xi32>,
    %get3A_106 = vector.shape_cast %get3A_105 : vector<1x16xi32> to vector<16xi32>
    %and3A_107 = arith.constant 65535 : i32
    %and3A_108 = vector.broadcast %and3A_107 : i32 to vector<16xi32>
    %and3A_109 = arith.andi %get3A_106, %and3A_108 : vector<16xi32>
    %swap3A_110 = arith.constant 80 : index
    %swap3A_111 = tpu.vector_load %arg7[%swap3A_110] {strides = array<i32>} : memref<128xi32, #tpu.memory_space<vmem>>, vector<16xi32>,
    %swap3A_112 = vector.shape_cast %swap3A_111 : vector<16xi32> to vector<16xi32>
    %swap3A_113 = vector.shape_cast %and3A_109 : vector<16xi32> to vector<16xi32>
    tpu.vector_store %arg7[%swap3A_110], %swap3A_113 {strides = array<i32>} : memref<128xi32, #tpu.memory_space<vmem>>, vector<16xi32>,
    %shift_right_arithmetic3A_114 = arith.constant 16 : i32
    %shift_right_arithmetic3A_115 = vector.broadcast %shift_right_arithmetic3A_114 : i32 to vector<16xi32>
    %shift_right_arithmetic3A_116 = arith.shrsi %get3A_106, %shift_right_arithmetic3A_115 : vector<16xi32>
    %swap3A_117 = arith.constant 80 : index
    %swap3A_118 = tpu.vector_load %arg9[%swap3A_117] {strides = array<i32>} : memref<128xi32, #tpu.memory_space<vmem>>, vector<16xi32>,
    %swap3A_119 = vector.shape_cast %swap3A_118 : vector<16xi32> to vector<16xi32>
    %swap3A_120 = vector.shape_cast %shift_right_arithmetic3A_116 : vector<16xi32> to vector<16xi32>
    tpu.vector_store %arg9[%swap3A_117], %swap3A_120 {strides = array<i32>} : memref<128xi32, #tpu.memory_space<vmem>>, vector<16xi32>,
    %get3A_121 = arith.constant 0 : i32
    %get3A_122 = arith.index_cast %get3A_121 : i32 to index
    %get3A_123 = arith.constant 96 : index
    %get3A_124 = tpu.vector_load %arg6[%get3A_122, %get3A_123] {strides = array<i32>} : memref<160x128xi32, #tpu.memory_space<vmem>>, vector<1x16xi32>,
    %get3A_125 = vector.shape_cast %get3A_124 : vector<1x16xi32> to vector<16xi32>
    %and3A_126 = arith.constant 65535 : i32
    %and3A_127 = vector.broadcast %and3A_126 : i32 to vector<16xi32>
    %and3A_128 = arith.andi %get3A_125, %and3A_127 : vector<16xi32>
    %swap3A_129 = arith.constant 96 : index
    %swap3A_130 = tpu.vector_load %arg7[%swap3A_129] {strides = array<i32>} : memref<128xi32, #tpu.memory_space<vmem>>, vector<16xi32>,
    %swap3A_131 = vector.shape_cast %swap3A_130 : vector<16xi32> to vector<16xi32>
    %swap3A_132 = vector.shape_cast %and3A_128 : vector<16xi32> to vector<16xi32>
    tpu.vector_store %arg7[%swap3A_129], %swap3A_132 {strides = array<i32>} : memref<128xi32, #tpu.memory_space<vmem>>, vector<16xi32>,
    %shift_right_arithmetic3A_133 = arith.constant 16 : i32
    %shift_right_arithmetic3A_134 = vector.broadcast %shift_right_arithmetic3A_133 : i32 to vector<16xi32>
    %shift_right_arithmetic3A_135 = arith.shrsi %get3A_125, %shift_right_arithmetic3A_134 : vector<16xi32>
    %swap3A_136 = arith.constant 96 : index
    %swap3A_137 = tpu.vector_load %arg9[%swap3A_136] {strides = array<i32>} : memref<128xi32, #tpu.memory_space<vmem>>, vector<16xi32>,
    %swap3A_138 = vector.shape_cast %swap3A_137 : vector<16xi32> to vector<16xi32>
    %swap3A_139 = vector.shape_cast %shift_right_arithmetic3A_135 : vector<16xi32> to vector<16xi32>
    tpu.vector_store %arg9[%swap3A_136], %swap3A_139 {strides = array<i32>} : memref<128xi32, #tpu.memory_space<vmem>>, vector<16xi32>,
    %get3A_140 = arith.constant 0 : i32
    %get3A_141 = arith.index_cast %get3A_140 : i32 to index
    %get3A_142 = arith.constant 112 : index
    %get3A_143 = tpu.vector_load %arg6[%get3A_141, %get3A_142] {strides = array<i32>} : memref<160x128xi32, #tpu.memory_space<vmem>>, vector<1x16xi32>,
    %get3A_144 = vector.shape_cast %get3A_143 : vector<1x16xi32> to vector<16xi32>
    %and3A_145 = arith.constant 65535 : i32
    %and3A_146 = vector.broadcast %and3A_145 : i32 to vector<16xi32>
    %and3A_147 = arith.andi %get3A_144, %and3A_146 : vector<16xi32>
    %swap3A_148 = arith.constant 112 : index
    %swap3A_149 = tpu.vector_load %arg7[%swap3A_148] {strides = array<i32>} : memref<128xi32, #tpu.memory_space<vmem>>, vector<16xi32>,
    %swap3A_150 = vector.shape_cast %swap3A_149 : vector<16xi32> to vector<16xi32>
    %swap3A_151 = vector.shape_cast %and3A_147 : vector<16xi32> to vector<16xi32>
    tpu.vector_store %arg7[%swap3A_148], %swap3A_151 {strides = array<i32>} : memref<128xi32, #tpu.memory_space<vmem>>, vector<16xi32>,
    %shift_right_arithmetic3A_152 = arith.constant 16 : i32
    %shift_right_arithmetic3A_153 = vector.broadcast %shift_right_arithmetic3A_152 : i32 to vector<16xi32>
    %shift_right_arithmetic3A_154 = arith.shrsi %get3A_144, %shift_right_arithmetic3A_153 : vector<16xi32>
    %swap3A_155 = arith.constant 112 : index
    %swap3A_156 = tpu.vector_load %arg9[%swap3A_155] {strides = array<i32>} : memref<128xi32, #tpu.memory_space<vmem>>, vector<16xi32>,
    %swap3A_157 = vector.shape_cast %swap3A_156 : vector<16xi32> to vector<16xi32>
    %swap3A_158 = vector.shape_cast %shift_right_arithmetic3A_154 : vector<16xi32> to vector<16xi32>
    tpu.vector_store %arg9[%swap3A_155], %swap3A_158 {strides = array<i32>} : memref<128xi32, #tpu.memory_space<vmem>>, vector<16xi32>,
    %dma_start3A = arith.constant 0 : i32
    %dma_start3A_159 = arith.constant 0 : i32
    %dma_start3A_160 = tpu.memref_slice %arg13[%dma_start3A, %dma_start3A_159] : memref<10000x64xf32, #tpu.memory_space<vmem_shared>> -> memref<10000x64xf32, #tpu.memory_space<vmem_shared>>
    tpu.enqueue_indirect_dma source(%dma_start3A_160 : memref<10000x64xf32, #tpu.memory_space<vmem_shared>>) target(%arg11 : memref<128x64xf32, #tpu.memory_space<vmem>>) offsets(%arg7 : memref<128xi32, #tpu.memory_space<vmem>>) semaphore(%arg15 : memref<!tpu.dma_semaphore, #tpu.memory_space<semaphore_mem>>)
    %scan3A = arith.constant 0 : i32
    %scan3A_161 = arith.constant 0 : i32
    %scan3A_162 = arith.constant 80 : i32
    %scan3A_163 = arith.addi %scan3A_161, %scan3A_162 : i32
    %scan3A_164 = arith.constant 1 : i32
    scf.for %scan3A_179 = %scan3A_161 to %scan3A_163 step %scan3A_164  : i32 {
      %mul3A_180 = arith.constant 2 : i32
      %mul3A_181 = arith.muli %scan3A_179, %mul3A_180 : i32
      %add3A_182 = arith.constant 0 : i32
      %add3A_183 = arith.addi %mul3A_181, %add3A_182 : i32
      %add3A_184 = arith.constant 1 : i32
      %add3A_185 = arith.addi %add3A_183, %add3A_184 : i32
      %lt3A = arith.constant 160 : i32
      %lt3A_186 = arith.cmpi slt, %add3A_185, %lt3A : i32
      %add3A_187 = arith.constant 1 : i32
      %add3A_188 = arith.addi %add3A_183, %add3A_187 : i32
      %jit3A = arith.constant 0 : i32
      %select_n3A = arith.select %lt3A_186, %add3A_188, %jit3A : i32
      %gt3A = arith.constant 0 : i32
      %gt3A_189 = arith.cmpi sgt, %scan3A_179, %gt3A : i32
      %convert_element_type3A = arith.extui %gt3A_189 : i1 to i32
      %cond3A = arith.constant 0 : i32
      %cond3A_190 = arith.cmpi ne, %convert_element_type3A, %cond3A : i32
      scf.if %cond3A_190 {
        %dma_wait3A_512 = arith.constant 0 : i32
        %dma_wait3A_513 = arith.constant 0 : i32
        %dma_wait3A_514 = tpu.memref_slice %arg14[%dma_wait3A_512, %dma_wait3A_513] : memref<10112x64xf32, #tpu.memory_space<vmem_shared>> -> memref<10112x64xf32, #tpu.memory_space<vmem_shared>>
        tpu.wait_indirect_dma semaphore(%arg18 : memref<!tpu.dma_semaphore, #tpu.memory_space<semaphore_mem>>) src(%arg12 : memref<128x64xf32, #tpu.memory_space<vmem>>) dst(%dma_wait3A_514 : memref<10112x64xf32, #tpu.memory_space<vmem_shared>>)
      } else {
      }
      %get3A_191 = arith.index_cast %select_n3A : i32 to index
      %get3A_192 = arith.constant 0 : index
      %get3A_193 = tpu.vector_load %arg6[%get3A_191, %get3A_192] {strides = array<i32>} : memref<160x128xi32, #tpu.memory_space<vmem>>, vector<1x16xi32>,
      %get3A_194 = vector.shape_cast %get3A_193 : vector<1x16xi32> to vector<16xi32>
      %and3A_195 = arith.constant 65535 : i32
      %and3A_196 = vector.broadcast %and3A_195 : i32 to vector<16xi32>
      %and3A_197 = arith.andi %get3A_194, %and3A_196 : vector<16xi32>
      %swap3A_198 = arith.constant 0 : index
      %swap3A_199 = tpu.vector_load %arg8[%swap3A_198] {strides = array<i32>} : memref<128xi32, #tpu.memory_space<vmem>>, vector<16xi32>,
      %swap3A_200 = vector.shape_cast %swap3A_199 : vector<16xi32> to vector<16xi32>
      %swap3A_201 = vector.shape_cast %and3A_197 : vector<16xi32> to vector<16xi32>
      tpu.vector_store %arg8[%swap3A_198], %swap3A_201 {strides = array<i32>} : memref<128xi32, #tpu.memory_space<vmem>>, vector<16xi32>,
      %shift_right_arithmetic3A_202 = arith.constant 16 : i32
      %shift_right_arithmetic3A_203 = vector.broadcast %shift_right_arithmetic3A_202 : i32 to vector<16xi32>
      %shift_right_arithmetic3A_204 = arith.shrsi %get3A_194, %shift_right_arithmetic3A_203 : vector<16xi32>
      %swap3A_205 = arith.constant 0 : index
      %swap3A_206 = tpu.vector_load %arg10[%swap3A_205] {strides = array<i32>} : memref<128xi32, #tpu.memory_space<vmem>>, vector<16xi32>,
      %swap3A_207 = vector.shape_cast %swap3A_206 : vector<16xi32> to vector<16xi32>
      %swap3A_208 = vector.shape_cast %shift_right_arithmetic3A_204 : vector<16xi32> to vector<16xi32>
      tpu.vector_store %arg10[%swap3A_205], %swap3A_208 {strides = array<i32>} : memref<128xi32, #tpu.memory_space<vmem>>, vector<16xi32>,
      %get3A_209 = arith.index_cast %select_n3A : i32 to index
      %get3A_210 = arith.constant 16 : index
      %get3A_211 = tpu.vector_load %arg6[%get3A_209, %get3A_210] {strides = array<i32>} : memref<160x128xi32, #tpu.memory_space<vmem>>, vector<1x16xi32>,
      %get3A_212 = vector.shape_cast %get3A_211 : vector<1x16xi32> to vector<16xi32>
      %and3A_213 = arith.constant 65535 : i32
      %and3A_214 = vector.broadcast %and3A_213 : i32 to vector<16xi32>
      %and3A_215 = arith.andi %get3A_212, %and3A_214 : vector<16xi32>
      %swap3A_216 = arith.constant 16 : index
      %swap3A_217 = tpu.vector_load %arg8[%swap3A_216] {strides = array<i32>} : memref<128xi32, #tpu.memory_space<vmem>>, vector<16xi32>,
      %swap3A_218 = vector.shape_cast %swap3A_217 : vector<16xi32> to vector<16xi32>
      %swap3A_219 = vector.shape_cast %and3A_215 : vector<16xi32> to vector<16xi32>
      tpu.vector_store %arg8[%swap3A_216], %swap3A_219 {strides = array<i32>} : memref<128xi32, #tpu.memory_space<vmem>>, vector<16xi32>,
      %shift_right_arithmetic3A_220 = arith.constant 16 : i32
      %shift_right_arithmetic3A_221 = vector.broadcast %shift_right_arithmetic3A_220 : i32 to vector<16xi32>
      %shift_right_arithmetic3A_222 = arith.shrsi %get3A_212, %shift_right_arithmetic3A_221 : vector<16xi32>
      %swap3A_223 = arith.constant 16 : index
      %swap3A_224 = tpu.vector_load %arg10[%swap3A_223] {strides = array<i32>} : memref<128xi32, #tpu.memory_space<vmem>>, vector<16xi32>,
      %swap3A_225 = vector.shape_cast %swap3A_224 : vector<16xi32> to vector<16xi32>
      %swap3A_226 = vector.shape_cast %shift_right_arithmetic3A_222 : vector<16xi32> to vector<16xi32>
      tpu.vector_store %arg10[%swap3A_223], %swap3A_226 {strides = array<i32>} : memref<128xi32, #tpu.memory_space<vmem>>, vector<16xi32>,
      %get3A_227 = arith.index_cast %select_n3A : i32 to index
      %get3A_228 = arith.constant 32 : index
      %get3A_229 = tpu.vector_load %arg6[%get3A_227, %get3A_228] {strides = array<i32>} : memref<160x128xi32, #tpu.memory_space<vmem>>, vector<1x16xi32>,
      %get3A_230 = vector.shape_cast %get3A_229 : vector<1x16xi32> to vector<16xi32>
      %and3A_231 = arith.constant 65535 : i32
      %and3A_232 = vector.broadcast %and3A_231 : i32 to vector<16xi32>
      %and3A_233 = arith.andi %get3A_230, %and3A_232 : vector<16xi32>
      %swap3A_234 = arith.constant 32 : index
      %swap3A_235 = tpu.vector_load %arg8[%swap3A_234] {strides = array<i32>} : memref<128xi32, #tpu.memory_space<vmem>>, vector<16xi32>,
      %swap3A_236 = vector.shape_cast %swap3A_235 : vector<16xi32> to vector<16xi32>
      %swap3A_237 = vector.shape_cast %and3A_233 : vector<16xi32> to vector<16xi32>
      tpu.vector_store %arg8[%swap3A_234], %swap3A_237 {strides = array<i32>} : memref<128xi32, #tpu.memory_space<vmem>>, vector<16xi32>,
      %shift_right_arithmetic3A_238 = arith.constant 16 : i32
      %shift_right_arithmetic3A_239 = vector.broadcast %shift_right_arithmetic3A_238 : i32 to vector<16xi32>
      %shift_right_arithmetic3A_240 = arith.shrsi %get3A_230, %shift_right_arithmetic3A_239 : vector<16xi32>
      %swap3A_241 = arith.constant 32 : index
      %swap3A_242 = tpu.vector_load %arg10[%swap3A_241] {strides = array<i32>} : memref<128xi32, #tpu.memory_space<vmem>>, vector<16xi32>,
      %swap3A_243 = vector.shape_cast %swap3A_242 : vector<16xi32> to vector<16xi32>
      %swap3A_244 = vector.shape_cast %shift_right_arithmetic3A_240 : vector<16xi32> to vector<16xi32>
      tpu.vector_store %arg10[%swap3A_241], %swap3A_244 {strides = array<i32>} : memref<128xi32, #tpu.memory_space<vmem>>, vector<16xi32>,
      %get3A_245 = arith.index_cast %select_n3A : i32 to index
      %get3A_246 = arith.constant 48 : index
      %get3A_247 = tpu.vector_load %arg6[%get3A_245, %get3A_246] {strides = array<i32>} : memref<160x128xi32, #tpu.memory_space<vmem>>, vector<1x16xi32>,
      %get3A_248 = vector.shape_cast %get3A_247 : vector<1x16xi32> to vector<16xi32>
      %and3A_249 = arith.constant 65535 : i32
      %and3A_250 = vector.broadcast %and3A_249 : i32 to vector<16xi32>
      %and3A_251 = arith.andi %get3A_248, %and3A_250 : vector<16xi32>
      %swap3A_252 = arith.constant 48 : index
      %swap3A_253 = tpu.vector_load %arg8[%swap3A_252] {strides = array<i32>} : memref<128xi32, #tpu.memory_space<vmem>>, vector<16xi32>,
      %swap3A_254 = vector.shape_cast %swap3A_253 : vector<16xi32> to vector<16xi32>
      %swap3A_255 = vector.shape_cast %and3A_251 : vector<16xi32> to vector<16xi32>
      tpu.vector_store %arg8[%swap3A_252], %swap3A_255 {strides = array<i32>} : memref<128xi32, #tpu.memory_space<vmem>>, vector<16xi32>,
      %shift_right_arithmetic3A_256 = arith.constant 16 : i32
      %shift_right_arithmetic3A_257 = vector.broadcast %shift_right_arithmetic3A_256 : i32 to vector<16xi32>
      %shift_right_arithmetic3A_258 = arith.shrsi %get3A_248, %shift_right_arithmetic3A_257 : vector<16xi32>
      %swap3A_259 = arith.constant 48 : index
      %swap3A_260 = tpu.vector_load %arg10[%swap3A_259] {strides = array<i32>} : memref<128xi32, #tpu.memory_space<vmem>>, vector<16xi32>,
      %swap3A_261 = vector.shape_cast %swap3A_260 : vector<16xi32> to vector<16xi32>
      %swap3A_262 = vector.shape_cast %shift_right_arithmetic3A_258 : vector<16xi32> to vector<16xi32>
      tpu.vector_store %arg10[%swap3A_259], %swap3A_262 {strides = array<i32>} : memref<128xi32, #tpu.memory_space<vmem>>, vector<16xi32>,
      %get3A_263 = arith.index_cast %select_n3A : i32 to index
      %get3A_264 = arith.constant 64 : index
      %get3A_265 = tpu.vector_load %arg6[%get3A_263, %get3A_264] {strides = array<i32>} : memref<160x128xi32, #tpu.memory_space<vmem>>, vector<1x16xi32>,
      %get3A_266 = vector.shape_cast %get3A_265 : vector<1x16xi32> to vector<16xi32>
      %and3A_267 = arith.constant 65535 : i32
      %and3A_268 = vector.broadcast %and3A_267 : i32 to vector<16xi32>
      %and3A_269 = arith.andi %get3A_266, %and3A_268 : vector<16xi32>
      %swap3A_270 = arith.constant 64 : index
      %swap3A_271 = tpu.vector_load %arg8[%swap3A_270] {strides = array<i32>} : memref<128xi32, #tpu.memory_space<vmem>>, vector<16xi32>,
      %swap3A_272 = vector.shape_cast %swap3A_271 : vector<16xi32> to vector<16xi32>
      %swap3A_273 = vector.shape_cast %and3A_269 : vector<16xi32> to vector<16xi32>
      tpu.vector_store %arg8[%swap3A_270], %swap3A_273 {strides = array<i32>} : memref<128xi32, #tpu.memory_space<vmem>>, vector<16xi32>,
      %shift_right_arithmetic3A_274 = arith.constant 16 : i32
      %shift_right_arithmetic3A_275 = vector.broadcast %shift_right_arithmetic3A_274 : i32 to vector<16xi32>
      %shift_right_arithmetic3A_276 = arith.shrsi %get3A_266, %shift_right_arithmetic3A_275 : vector<16xi32>
      %swap3A_277 = arith.constant 64 : index
      %swap3A_278 = tpu.vector_load %arg10[%swap3A_277] {strides = array<i32>} : memref<128xi32, #tpu.memory_space<vmem>>, vector<16xi32>,
      %swap3A_279 = vector.shape_cast %swap3A_278 : vector<16xi32> to vector<16xi32>
      %swap3A_280 = vector.shape_cast %shift_right_arithmetic3A_276 : vector<16xi32> to vector<16xi32>
      tpu.vector_store %arg10[%swap3A_277], %swap3A_280 {strides = array<i32>} : memref<128xi32, #tpu.memory_space<vmem>>, vector<16xi32>,
      %get3A_281 = arith.index_cast %select_n3A : i32 to index
      %get3A_282 = arith.constant 80 : index
      %get3A_283 = tpu.vector_load %arg6[%get3A_281, %get3A_282] {strides = array<i32>} : memref<160x128xi32, #tpu.memory_space<vmem>>, vector<1x16xi32>,
      %get3A_284 = vector.shape_cast %get3A_283 : vector<1x16xi32> to vector<16xi32>
      %and3A_285 = arith.constant 65535 : i32
      %and3A_286 = vector.broadcast %and3A_285 : i32 to vector<16xi32>
      %and3A_287 = arith.andi %get3A_284, %and3A_286 : vector<16xi32>
      %swap3A_288 = arith.constant 80 : index
      %swap3A_289 = tpu.vector_load %arg8[%swap3A_288] {strides = array<i32>} : memref<128xi32, #tpu.memory_space<vmem>>, vector<16xi32>,
      %swap3A_290 = vector.shape_cast %swap3A_289 : vector<16xi32> to vector<16xi32>
      %swap3A_291 = vector.shape_cast %and3A_287 : vector<16xi32> to vector<16xi32>
      tpu.vector_store %arg8[%swap3A_288], %swap3A_291 {strides = array<i32>} : memref<128xi32, #tpu.memory_space<vmem>>, vector<16xi32>,
      %shift_right_arithmetic3A_292 = arith.constant 16 : i32
      %shift_right_arithmetic3A_293 = vector.broadcast %shift_right_arithmetic3A_292 : i32 to vector<16xi32>
      %shift_right_arithmetic3A_294 = arith.shrsi %get3A_284, %shift_right_arithmetic3A_293 : vector<16xi32>
      %swap3A_295 = arith.constant 80 : index
      %swap3A_296 = tpu.vector_load %arg10[%swap3A_295] {strides = array<i32>} : memref<128xi32, #tpu.memory_space<vmem>>, vector<16xi32>,
      %swap3A_297 = vector.shape_cast %swap3A_296 : vector<16xi32> to vector<16xi32>
      %swap3A_298 = vector.shape_cast %shift_right_arithmetic3A_294 : vector<16xi32> to vector<16xi32>
      tpu.vector_store %arg10[%swap3A_295], %swap3A_298 {strides = array<i32>} : memref<128xi32, #tpu.memory_space<vmem>>, vector<16xi32>,
      %get3A_299 = arith.index_cast %select_n3A : i32 to index
      %get3A_300 = arith.constant 96 : index
      %get3A_301 = tpu.vector_load %arg6[%get3A_299, %get3A_300] {strides = array<i32>} : memref<160x128xi32, #tpu.memory_space<vmem>>, vector<1x16xi32>,
      %get3A_302 = vector.shape_cast %get3A_301 : vector<1x16xi32> to vector<16xi32>
      %and3A_303 = arith.constant 65535 : i32
      %and3A_304 = vector.broadcast %and3A_303 : i32 to vector<16xi32>
      %and3A_305 = arith.andi %get3A_302, %and3A_304 : vector<16xi32>
      %swap3A_306 = arith.constant 96 : index
      %swap3A_307 = tpu.vector_load %arg8[%swap3A_306] {strides = array<i32>} : memref<128xi32, #tpu.memory_space<vmem>>, vector<16xi32>,
      %swap3A_308 = vector.shape_cast %swap3A_307 : vector<16xi32> to vector<16xi32>
      %swap3A_309 = vector.shape_cast %and3A_305 : vector<16xi32> to vector<16xi32>
      tpu.vector_store %arg8[%swap3A_306], %swap3A_309 {strides = array<i32>} : memref<128xi32, #tpu.memory_space<vmem>>, vector<16xi32>,
      %shift_right_arithmetic3A_310 = arith.constant 16 : i32
      %shift_right_arithmetic3A_311 = vector.broadcast %shift_right_arithmetic3A_310 : i32 to vector<16xi32>
      %shift_right_arithmetic3A_312 = arith.shrsi %get3A_302, %shift_right_arithmetic3A_311 : vector<16xi32>
      %swap3A_313 = arith.constant 96 : index
      %swap3A_314 = tpu.vector_load %arg10[%swap3A_313] {strides = array<i32>} : memref<128xi32, #tpu.memory_space<vmem>>, vector<16xi32>,
      %swap3A_315 = vector.shape_cast %swap3A_314 : vector<16xi32> to vector<16xi32>
      %swap3A_316 = vector.shape_cast %shift_right_arithmetic3A_312 : vector<16xi32> to vector<16xi32>
      tpu.vector_store %arg10[%swap3A_313], %swap3A_316 {strides = array<i32>} : memref<128xi32, #tpu.memory_space<vmem>>, vector<16xi32>,
      %get3A_317 = arith.index_cast %select_n3A : i32 to index
      %get3A_318 = arith.constant 112 : index
      %get3A_319 = tpu.vector_load %arg6[%get3A_317, %get3A_318] {strides = array<i32>} : memref<160x128xi32, #tpu.memory_space<vmem>>, vector<1x16xi32>,
      %get3A_320 = vector.shape_cast %get3A_319 : vector<1x16xi32> to vector<16xi32>
      %and3A_321 = arith.constant 65535 : i32
      %and3A_322 = vector.broadcast %and3A_321 : i32 to vector<16xi32>
      %and3A_323 = arith.andi %get3A_320, %and3A_322 : vector<16xi32>
      %swap3A_324 = arith.constant 112 : index
      %swap3A_325 = tpu.vector_load %arg8[%swap3A_324] {strides = array<i32>} : memref<128xi32, #tpu.memory_space<vmem>>, vector<16xi32>,
      %swap3A_326 = vector.shape_cast %swap3A_325 : vector<16xi32> to vector<16xi32>
      %swap3A_327 = vector.shape_cast %and3A_323 : vector<16xi32> to vector<16xi32>
      tpu.vector_store %arg8[%swap3A_324], %swap3A_327 {strides = array<i32>} : memref<128xi32, #tpu.memory_space<vmem>>, vector<16xi32>,
      %shift_right_arithmetic3A_328 = arith.constant 16 : i32
      %shift_right_arithmetic3A_329 = vector.broadcast %shift_right_arithmetic3A_328 : i32 to vector<16xi32>
      %shift_right_arithmetic3A_330 = arith.shrsi %get3A_320, %shift_right_arithmetic3A_329 : vector<16xi32>
      %swap3A_331 = arith.constant 112 : index
      %swap3A_332 = tpu.vector_load %arg10[%swap3A_331] {strides = array<i32>} : memref<128xi32, #tpu.memory_space<vmem>>, vector<16xi32>,
      %swap3A_333 = vector.shape_cast %swap3A_332 : vector<16xi32> to vector<16xi32>
      %swap3A_334 = vector.shape_cast %shift_right_arithmetic3A_330 : vector<16xi32> to vector<16xi32>
      tpu.vector_store %arg10[%swap3A_331], %swap3A_334 {strides = array<i32>} : memref<128xi32, #tpu.memory_space<vmem>>, vector<16xi32>,
      %dma_start3A_335 = arith.constant 0 : i32
      %dma_start3A_336 = arith.constant 0 : i32
      %dma_start3A_337 = tpu.memref_slice %arg13[%dma_start3A_335, %dma_start3A_336] : memref<10000x64xf32, #tpu.memory_space<vmem_shared>> -> memref<10000x64xf32, #tpu.memory_space<vmem_shared>>
      tpu.enqueue_indirect_dma source(%dma_start3A_337 : memref<10000x64xf32, #tpu.memory_space<vmem_shared>>) target(%arg12 : memref<128x64xf32, #tpu.memory_space<vmem>>) offsets(%arg8 : memref<128xi32, #tpu.memory_space<vmem>>) semaphore(%arg16 : memref<!tpu.dma_semaphore, #tpu.memory_space<semaphore_mem>>)
      %dma_wait3A_338 = arith.constant 0 : i32
      %dma_wait3A_339 = arith.constant 0 : i32
      %dma_wait3A_340 = tpu.memref_slice %arg13[%dma_wait3A_338, %dma_wait3A_339] : memref<10000x64xf32, #tpu.memory_space<vmem_shared>> -> memref<10000x64xf32, #tpu.memory_space<vmem_shared>>
      tpu.wait_indirect_dma semaphore(%arg15 : memref<!tpu.dma_semaphore, #tpu.memory_space<semaphore_mem>>) src(%dma_wait3A_340 : memref<10000x64xf32, #tpu.memory_space<vmem_shared>>) dst(%arg11 : memref<128x64xf32, #tpu.memory_space<vmem>>)
      %dma_start3A_341 = arith.constant 0 : i32
      %dma_start3A_342 = arith.constant 0 : i32
      %dma_start3A_343 = tpu.memref_slice %arg14[%dma_start3A_341, %dma_start3A_342] : memref<10112x64xf32, #tpu.memory_space<vmem_shared>> -> memref<10112x64xf32, #tpu.memory_space<vmem_shared>>
      tpu.enqueue_indirect_dma source(%arg11 : memref<128x64xf32, #tpu.memory_space<vmem>>) target(%dma_start3A_343 : memref<10112x64xf32, #tpu.memory_space<vmem_shared>>) offsets(%arg9 : memref<128xi32, #tpu.memory_space<vmem>>) semaphore(%arg17 : memref<!tpu.dma_semaphore, #tpu.memory_space<semaphore_mem>>) {add = true}
      %mul3A_344 = arith.constant 2 : i32
      %mul3A_345 = arith.muli %scan3A_179, %mul3A_344 : i32
      %add3A_346 = arith.constant 1 : i32
      %add3A_347 = arith.addi %mul3A_345, %add3A_346 : i32
      %add3A_348 = arith.constant 1 : i32
      %add3A_349 = arith.addi %add3A_347, %add3A_348 : i32
      %lt3A_350 = arith.constant 160 : i32
      %lt3A_351 = arith.cmpi slt, %add3A_349, %lt3A_350 : i32
      %add3A_352 = arith.constant 1 : i32
      %add3A_353 = arith.addi %add3A_347, %add3A_352 : i32
      %jit3A_354 = arith.constant 0 : i32
      %select_n3A_355 = arith.select %lt3A_351, %add3A_353, %jit3A_354 : i32
      %dma_wait3A_356 = arith.constant 0 : i32
      %dma_wait3A_357 = arith.constant 0 : i32
      %dma_wait3A_358 = tpu.memref_slice %arg14[%dma_wait3A_356, %dma_wait3A_357] : memref<10112x64xf32, #tpu.memory_space<vmem_shared>> -> memref<10112x64xf32, #tpu.memory_space<vmem_shared>>
      tpu.wait_indirect_dma semaphore(%arg17 : memref<!tpu.dma_semaphore, #tpu.memory_space<semaphore_mem>>) src(%arg11 : memref<128x64xf32, #tpu.memory_space<vmem>>) dst(%dma_wait3A_358 : memref<10112x64xf32, #tpu.memory_space<vmem_shared>>)
      %get3A_359 = arith.index_cast %select_n3A_355 : i32 to index
      %get3A_360 = arith.constant 0 : index
      %get3A_361 = tpu.vector_load %arg6[%get3A_359, %get3A_360] {strides = array<i32>} : memref<160x128xi32, #tpu.memory_space<vmem>>, vector<1x16xi32>,
      %get3A_362 = vector.shape_cast %get3A_361 : vector<1x16xi32> to vector<16xi32>
      %and3A_363 = arith.constant 65535 : i32
      %and3A_364 = vector.broadcast %and3A_363 : i32 to vector<16xi32>
      %and3A_365 = arith.andi %get3A_362, %and3A_364 : vector<16xi32>
      %swap3A_366 = arith.constant 0 : index
      %swap3A_367 = tpu.vector_load %arg7[%swap3A_366] {strides = array<i32>} : memref<128xi32, #tpu.memory_space<vmem>>, vector<16xi32>,
      %swap3A_368 = vector.shape_cast %swap3A_367 : vector<16xi32> to vector<16xi32>
      %swap3A_369 = vector.shape_cast %and3A_365 : vector<16xi32> to vector<16xi32>
      tpu.vector_store %arg7[%swap3A_366], %swap3A_369 {strides = array<i32>} : memref<128xi32, #tpu.memory_space<vmem>>, vector<16xi32>,
      %shift_right_arithmetic3A_370 = arith.constant 16 : i32
      %shift_right_arithmetic3A_371 = vector.broadcast %shift_right_arithmetic3A_370 : i32 to vector<16xi32>
      %shift_right_arithmetic3A_372 = arith.shrsi %get3A_362, %shift_right_arithmetic3A_371 : vector<16xi32>
      %swap3A_373 = arith.constant 0 : index
      %swap3A_374 = tpu.vector_load %arg9[%swap3A_373] {strides = array<i32>} : memref<128xi32, #tpu.memory_space<vmem>>, vector<16xi32>,
      %swap3A_375 = vector.shape_cast %swap3A_374 : vector<16xi32> to vector<16xi32>
      %swap3A_376 = vector.shape_cast %shift_right_arithmetic3A_372 : vector<16xi32> to vector<16xi32>
      tpu.vector_store %arg9[%swap3A_373], %swap3A_376 {strides = array<i32>} : memref<128xi32, #tpu.memory_space<vmem>>, vector<16xi32>,
      %get3A_377 = arith.index_cast %select_n3A_355 : i32 to index
      %get3A_378 = arith.constant 16 : index
      %get3A_379 = tpu.vector_load %arg6[%get3A_377, %get3A_378] {strides = array<i32>} : memref<160x128xi32, #tpu.memory_space<vmem>>, vector<1x16xi32>,
      %get3A_380 = vector.shape_cast %get3A_379 : vector<1x16xi32> to vector<16xi32>
      %and3A_381 = arith.constant 65535 : i32
      %and3A_382 = vector.broadcast %and3A_381 : i32 to vector<16xi32>
      %and3A_383 = arith.andi %get3A_380, %and3A_382 : vector<16xi32>
      %swap3A_384 = arith.constant 16 : index
      %swap3A_385 = tpu.vector_load %arg7[%swap3A_384] {strides = array<i32>} : memref<128xi32, #tpu.memory_space<vmem>>, vector<16xi32>,
      %swap3A_386 = vector.shape_cast %swap3A_385 : vector<16xi32> to vector<16xi32>
      %swap3A_387 = vector.shape_cast %and3A_383 : vector<16xi32> to vector<16xi32>
      tpu.vector_store %arg7[%swap3A_384], %swap3A_387 {strides = array<i32>} : memref<128xi32, #tpu.memory_space<vmem>>, vector<16xi32>,
      %shift_right_arithmetic3A_388 = arith.constant 16 : i32
      %shift_right_arithmetic3A_389 = vector.broadcast %shift_right_arithmetic3A_388 : i32 to vector<16xi32>
      %shift_right_arithmetic3A_390 = arith.shrsi %get3A_380, %shift_right_arithmetic3A_389 : vector<16xi32>
      %swap3A_391 = arith.constant 16 : index
      %swap3A_392 = tpu.vector_load %arg9[%swap3A_391] {strides = array<i32>} : memref<128xi32, #tpu.memory_space<vmem>>, vector<16xi32>,
      %swap3A_393 = vector.shape_cast %swap3A_392 : vector<16xi32> to vector<16xi32>
      %swap3A_394 = vector.shape_cast %shift_right_arithmetic3A_390 : vector<16xi32> to vector<16xi32>
      tpu.vector_store %arg9[%swap3A_391], %swap3A_394 {strides = array<i32>} : memref<128xi32, #tpu.memory_space<vmem>>, vector<16xi32>,
      %get3A_395 = arith.index_cast %select_n3A_355 : i32 to index
      %get3A_396 = arith.constant 32 : index
      %get3A_397 = tpu.vector_load %arg6[%get3A_395, %get3A_396] {strides = array<i32>} : memref<160x128xi32, #tpu.memory_space<vmem>>, vector<1x16xi32>,
      %get3A_398 = vector.shape_cast %get3A_397 : vector<1x16xi32> to vector<16xi32>
      %and3A_399 = arith.constant 65535 : i32
      %and3A_400 = vector.broadcast %and3A_399 : i32 to vector<16xi32>
      %and3A_401 = arith.andi %get3A_398, %and3A_400 : vector<16xi32>
      %swap3A_402 = arith.constant 32 : index
      %swap3A_403 = tpu.vector_load %arg7[%swap3A_402] {strides = array<i32>} : memref<128xi32, #tpu.memory_space<vmem>>, vector<16xi32>,
      %swap3A_404 = vector.shape_cast %swap3A_403 : vector<16xi32> to vector<16xi32>
      %swap3A_405 = vector.shape_cast %and3A_401 : vector<16xi32> to vector<16xi32>
      tpu.vector_store %arg7[%swap3A_402], %swap3A_405 {strides = array<i32>} : memref<128xi32, #tpu.memory_space<vmem>>, vector<16xi32>,
      %shift_right_arithmetic3A_406 = arith.constant 16 : i32
      %shift_right_arithmetic3A_407 = vector.broadcast %shift_right_arithmetic3A_406 : i32 to vector<16xi32>
      %shift_right_arithmetic3A_408 = arith.shrsi %get3A_398, %shift_right_arithmetic3A_407 : vector<16xi32>
      %swap3A_409 = arith.constant 32 : index
      %swap3A_410 = tpu.vector_load %arg9[%swap3A_409] {strides = array<i32>} : memref<128xi32, #tpu.memory_space<vmem>>, vector<16xi32>,
      %swap3A_411 = vector.shape_cast %swap3A_410 : vector<16xi32> to vector<16xi32>
      %swap3A_412 = vector.shape_cast %shift_right_arithmetic3A_408 : vector<16xi32> to vector<16xi32>
      tpu.vector_store %arg9[%swap3A_409], %swap3A_412 {strides = array<i32>} : memref<128xi32, #tpu.memory_space<vmem>>, vector<16xi32>,
      %get3A_413 = arith.index_cast %select_n3A_355 : i32 to index
      %get3A_414 = arith.constant 48 : index
      %get3A_415 = tpu.vector_load %arg6[%get3A_413, %get3A_414] {strides = array<i32>} : memref<160x128xi32, #tpu.memory_space<vmem>>, vector<1x16xi32>,
      %get3A_416 = vector.shape_cast %get3A_415 : vector<1x16xi32> to vector<16xi32>
      %and3A_417 = arith.constant 65535 : i32
      %and3A_418 = vector.broadcast %and3A_417 : i32 to vector<16xi32>
      %and3A_419 = arith.andi %get3A_416, %and3A_418 : vector<16xi32>
      %swap3A_420 = arith.constant 48 : index
      %swap3A_421 = tpu.vector_load %arg7[%swap3A_420] {strides = array<i32>} : memref<128xi32, #tpu.memory_space<vmem>>, vector<16xi32>,
      %swap3A_422 = vector.shape_cast %swap3A_421 : vector<16xi32> to vector<16xi32>
      %swap3A_423 = vector.shape_cast %and3A_419 : vector<16xi32> to vector<16xi32>
      tpu.vector_store %arg7[%swap3A_420], %swap3A_423 {strides = array<i32>} : memref<128xi32, #tpu.memory_space<vmem>>, vector<16xi32>,
      %shift_right_arithmetic3A_424 = arith.constant 16 : i32
      %shift_right_arithmetic3A_425 = vector.broadcast %shift_right_arithmetic3A_424 : i32 to vector<16xi32>
      %shift_right_arithmetic3A_426 = arith.shrsi %get3A_416, %shift_right_arithmetic3A_425 : vector<16xi32>
      %swap3A_427 = arith.constant 48 : index
      %swap3A_428 = tpu.vector_load %arg9[%swap3A_427] {strides = array<i32>} : memref<128xi32, #tpu.memory_space<vmem>>, vector<16xi32>,
      %swap3A_429 = vector.shape_cast %swap3A_428 : vector<16xi32> to vector<16xi32>
      %swap3A_430 = vector.shape_cast %shift_right_arithmetic3A_426 : vector<16xi32> to vector<16xi32>
      tpu.vector_store %arg9[%swap3A_427], %swap3A_430 {strides = array<i32>} : memref<128xi32, #tpu.memory_space<vmem>>, vector<16xi32>,
      %get3A_431 = arith.index_cast %select_n3A_355 : i32 to index
      %get3A_432 = arith.constant 64 : index
      %get3A_433 = tpu.vector_load %arg6[%get3A_431, %get3A_432] {strides = array<i32>} : memref<160x128xi32, #tpu.memory_space<vmem>>, vector<1x16xi32>,
      %get3A_434 = vector.shape_cast %get3A_433 : vector<1x16xi32> to vector<16xi32>
      %and3A_435 = arith.constant 65535 : i32
      %and3A_436 = vector.broadcast %and3A_435 : i32 to vector<16xi32>
      %and3A_437 = arith.andi %get3A_434, %and3A_436 : vector<16xi32>
      %swap3A_438 = arith.constant 64 : index
      %swap3A_439 = tpu.vector_load %arg7[%swap3A_438] {strides = array<i32>} : memref<128xi32, #tpu.memory_space<vmem>>, vector<16xi32>,
      %swap3A_440 = vector.shape_cast %swap3A_439 : vector<16xi32> to vector<16xi32>
      %swap3A_441 = vector.shape_cast %and3A_437 : vector<16xi32> to vector<16xi32>
      tpu.vector_store %arg7[%swap3A_438], %swap3A_441 {strides = array<i32>} : memref<128xi32, #tpu.memory_space<vmem>>, vector<16xi32>,
      %shift_right_arithmetic3A_442 = arith.constant 16 : i32
      %shift_right_arithmetic3A_443 = vector.broadcast %shift_right_arithmetic3A_442 : i32 to vector<16xi32>
      %shift_right_arithmetic3A_444 = arith.shrsi %get3A_434, %shift_right_arithmetic3A_443 : vector<16xi32>
      %swap3A_445 = arith.constant 64 : index
      %swap3A_446 = tpu.vector_load %arg9[%swap3A_445] {strides = array<i32>} : memref<128xi32, #tpu.memory_space<vmem>>, vector<16xi32>,
      %swap3A_447 = vector.shape_cast %swap3A_446 : vector<16xi32> to vector<16xi32>
      %swap3A_448 = vector.shape_cast %shift_right_arithmetic3A_444 : vector<16xi32> to vector<16xi32>
      tpu.vector_store %arg9[%swap3A_445], %swap3A_448 {strides = array<i32>} : memref<128xi32, #tpu.memory_space<vmem>>, vector<16xi32>,
      %get3A_449 = arith.index_cast %select_n3A_355 : i32 to index
      %get3A_450 = arith.constant 80 : index
      %get3A_451 = tpu.vector_load %arg6[%get3A_449, %get3A_450] {strides = array<i32>} : memref<160x128xi32, #tpu.memory_space<vmem>>, vector<1x16xi32>,
      %get3A_452 = vector.shape_cast %get3A_451 : vector<1x16xi32> to vector<16xi32>
      %and3A_453 = arith.constant 65535 : i32
      %and3A_454 = vector.broadcast %and3A_453 : i32 to vector<16xi32>
      %and3A_455 = arith.andi %get3A_452, %and3A_454 : vector<16xi32>
      %swap3A_456 = arith.constant 80 : index
      %swap3A_457 = tpu.vector_load %arg7[%swap3A_456] {strides = array<i32>} : memref<128xi32, #tpu.memory_space<vmem>>, vector<16xi32>,
      %swap3A_458 = vector.shape_cast %swap3A_457 : vector<16xi32> to vector<16xi32>
      %swap3A_459 = vector.shape_cast %and3A_455 : vector<16xi32> to vector<16xi32>
      tpu.vector_store %arg7[%swap3A_456], %swap3A_459 {strides = array<i32>} : memref<128xi32, #tpu.memory_space<vmem>>, vector<16xi32>,
      %shift_right_arithmetic3A_460 = arith.constant 16 : i32
      %shift_right_arithmetic3A_461 = vector.broadcast %shift_right_arithmetic3A_460 : i32 to vector<16xi32>
      %shift_right_arithmetic3A_462 = arith.shrsi %get3A_452, %shift_right_arithmetic3A_461 : vector<16xi32>
      %swap3A_463 = arith.constant 80 : index
      %swap3A_464 = tpu.vector_load %arg9[%swap3A_463] {strides = array<i32>} : memref<128xi32, #tpu.memory_space<vmem>>, vector<16xi32>,
      %swap3A_465 = vector.shape_cast %swap3A_464 : vector<16xi32> to vector<16xi32>
      %swap3A_466 = vector.shape_cast %shift_right_arithmetic3A_462 : vector<16xi32> to vector<16xi32>
      tpu.vector_store %arg9[%swap3A_463], %swap3A_466 {strides = array<i32>} : memref<128xi32, #tpu.memory_space<vmem>>, vector<16xi32>,
      %get3A_467 = arith.index_cast %select_n3A_355 : i32 to index
      %get3A_468 = arith.constant 96 : index
      %get3A_469 = tpu.vector_load %arg6[%get3A_467, %get3A_468] {strides = array<i32>} : memref<160x128xi32, #tpu.memory_space<vmem>>, vector<1x16xi32>,
      %get3A_470 = vector.shape_cast %get3A_469 : vector<1x16xi32> to vector<16xi32>
      %and3A_471 = arith.constant 65535 : i32
      %and3A_472 = vector.broadcast %and3A_471 : i32 to vector<16xi32>
      %and3A_473 = arith.andi %get3A_470, %and3A_472 : vector<16xi32>
      %swap3A_474 = arith.constant 96 : index
      %swap3A_475 = tpu.vector_load %arg7[%swap3A_474] {strides = array<i32>} : memref<128xi32, #tpu.memory_space<vmem>>, vector<16xi32>,
      %swap3A_476 = vector.shape_cast %swap3A_475 : vector<16xi32> to vector<16xi32>
      %swap3A_477 = vector.shape_cast %and3A_473 : vector<16xi32> to vector<16xi32>
      tpu.vector_store %arg7[%swap3A_474], %swap3A_477 {strides = array<i32>} : memref<128xi32, #tpu.memory_space<vmem>>, vector<16xi32>,
      %shift_right_arithmetic3A_478 = arith.constant 16 : i32
      %shift_right_arithmetic3A_479 = vector.broadcast %shift_right_arithmetic3A_478 : i32 to vector<16xi32>
      %shift_right_arithmetic3A_480 = arith.shrsi %get3A_470, %shift_right_arithmetic3A_479 : vector<16xi32>
      %swap3A_481 = arith.constant 96 : index
      %swap3A_482 = tpu.vector_load %arg9[%swap3A_481] {strides = array<i32>} : memref<128xi32, #tpu.memory_space<vmem>>, vector<16xi32>,
      %swap3A_483 = vector.shape_cast %swap3A_482 : vector<16xi32> to vector<16xi32>
      %swap3A_484 = vector.shape_cast %shift_right_arithmetic3A_480 : vector<16xi32> to vector<16xi32>
      tpu.vector_store %arg9[%swap3A_481], %swap3A_484 {strides = array<i32>} : memref<128xi32, #tpu.memory_space<vmem>>, vector<16xi32>,
      %get3A_485 = arith.index_cast %select_n3A_355 : i32 to index
      %get3A_486 = arith.constant 112 : index
      %get3A_487 = tpu.vector_load %arg6[%get3A_485, %get3A_486] {strides = array<i32>} : memref<160x128xi32, #tpu.memory_space<vmem>>, vector<1x16xi32>,
      %get3A_488 = vector.shape_cast %get3A_487 : vector<1x16xi32> to vector<16xi32>
      %and3A_489 = arith.constant 65535 : i32
      %and3A_490 = vector.broadcast %and3A_489 : i32 to vector<16xi32>
      %and3A_491 = arith.andi %get3A_488, %and3A_490 : vector<16xi32>
      %swap3A_492 = arith.constant 112 : index
      %swap3A_493 = tpu.vector_load %arg7[%swap3A_492] {strides = array<i32>} : memref<128xi32, #tpu.memory_space<vmem>>, vector<16xi32>,
      %swap3A_494 = vector.shape_cast %swap3A_493 : vector<16xi32> to vector<16xi32>
      %swap3A_495 = vector.shape_cast %and3A_491 : vector<16xi32> to vector<16xi32>
      tpu.vector_store %arg7[%swap3A_492], %swap3A_495 {strides = array<i32>} : memref<128xi32, #tpu.memory_space<vmem>>, vector<16xi32>,
      %shift_right_arithmetic3A_496 = arith.constant 16 : i32
      %shift_right_arithmetic3A_497 = vector.broadcast %shift_right_arithmetic3A_496 : i32 to vector<16xi32>
      %shift_right_arithmetic3A_498 = arith.shrsi %get3A_488, %shift_right_arithmetic3A_497 : vector<16xi32>
      %swap3A_499 = arith.constant 112 : index
      %swap3A_500 = tpu.vector_load %arg9[%swap3A_499] {strides = array<i32>} : memref<128xi32, #tpu.memory_space<vmem>>, vector<16xi32>,
      %swap3A_501 = vector.shape_cast %swap3A_500 : vector<16xi32> to vector<16xi32>
      %swap3A_502 = vector.shape_cast %shift_right_arithmetic3A_498 : vector<16xi32> to vector<16xi32>
      tpu.vector_store %arg9[%swap3A_499], %swap3A_502 {strides = array<i32>} : memref<128xi32, #tpu.memory_space<vmem>>, vector<16xi32>,
      %dma_start3A_503 = arith.constant 0 : i32
      %dma_start3A_504 = arith.constant 0 : i32
      %dma_start3A_505 = tpu.memref_slice %arg13[%dma_start3A_503, %dma_start3A_504] : memref<10000x64xf32, #tpu.memory_space<vmem_shared>> -> memref<10000x64xf32, #tpu.memory_space<vmem_shared>>
      tpu.enqueue_indirect_dma source(%dma_start3A_505 : memref<10000x64xf32, #tpu.memory_space<vmem_shared>>) target(%arg11 : memref<128x64xf32, #tpu.memory_space<vmem>>) offsets(%arg7 : memref<128xi32, #tpu.memory_space<vmem>>) semaphore(%arg15 : memref<!tpu.dma_semaphore, #tpu.memory_space<semaphore_mem>>)
      %dma_wait3A_506 = arith.constant 0 : i32
      %dma_wait3A_507 = arith.constant 0 : i32
      %dma_wait3A_508 = tpu.memref_slice %arg13[%dma_wait3A_506, %dma_wait3A_507] : memref<10000x64xf32, #tpu.memory_space<vmem_shared>> -> memref<10000x64xf32, #tpu.memory_space<vmem_shared>>
      tpu.wait_indirect_dma semaphore(%arg16 : memref<!tpu.dma_semaphore, #tpu.memory_space<semaphore_mem>>) src(%dma_wait3A_508 : memref<10000x64xf32, #tpu.memory_space<vmem_shared>>) dst(%arg12 : memref<128x64xf32, #tpu.memory_space<vmem>>)
      %dma_start3A_509 = arith.constant 0 : i32
      %dma_start3A_510 = arith.constant 0 : i32
      %dma_start3A_511 = tpu.memref_slice %arg14[%dma_start3A_509, %dma_start3A_510] : memref<10112x64xf32, #tpu.memory_space<vmem_shared>> -> memref<10112x64xf32, #tpu.memory_space<vmem_shared>>
      tpu.enqueue_indirect_dma source(%arg12 : memref<128x64xf32, #tpu.memory_space<vmem>>) target(%dma_start3A_511 : memref<10112x64xf32, #tpu.memory_space<vmem_shared>>) offsets(%arg10 : memref<128xi32, #tpu.memory_space<vmem>>) semaphore(%arg18 : memref<!tpu.dma_semaphore, #tpu.memory_space<semaphore_mem>>) {add = true}
    }
    %scan3A_165 = arith.constant 80 : i32
    %dma_wait3A = arith.constant 0 : i32
    %dma_wait3A_166 = arith.constant 0 : i32
    %dma_wait3A_167 = tpu.memref_slice %arg14[%dma_wait3A, %dma_wait3A_166] : memref<10112x64xf32, #tpu.memory_space<vmem_shared>> -> memref<10112x64xf32, #tpu.memory_space<vmem_shared>>
    tpu.wait_indirect_dma semaphore(%arg18 : memref<!tpu.dma_semaphore, #tpu.memory_space<semaphore_mem>>) src(%arg12 : memref<128x64xf32, #tpu.memory_space<vmem>>) dst(%dma_wait3A_167 : memref<10112x64xf32, #tpu.memory_space<vmem_shared>>)
    %dma_wait3A_168 = arith.constant 0 : i32
    %dma_wait3A_169 = arith.constant 0 : i32
    %dma_wait3A_170 = tpu.memref_slice %arg13[%dma_wait3A_168, %dma_wait3A_169] : memref<10000x64xf32, #tpu.memory_space<vmem_shared>> -> memref<10000x64xf32, #tpu.memory_space<vmem_shared>>
    tpu.wait_indirect_dma semaphore(%arg15 : memref<!tpu.dma_semaphore, #tpu.memory_space<semaphore_mem>>) src(%dma_wait3A_170 : memref<10000x64xf32, #tpu.memory_space<vmem_shared>>) dst(%arg11 : memref<128x64xf32, #tpu.memory_space<vmem>>)
    %barrier3A_171 = arith.constant 0 : index
    tpu.barrier barrier_id(%barrier3A_171)
    %mul3A_172 = arith.constant 632 : i32
    %mul3A_173 = arith.muli %arg1, %mul3A_172 : i32
    %mul3A_174 = arith.constant 10112 : i32
    %mul3A_175 = arith.muli %arg0, %mul3A_174 : i32
    %mul3A_176 = arith.constant 632 : i32
    %mul3A_177 = arith.muli %arg1, %mul3A_176 : i32
    %add3A_178 = arith.addi %mul3A_175, %mul3A_177 : i32
    "tpu.region"() ({
      %run_scoped3A = tpu.sem_alloc : memref<!tpu.dma_semaphore, #tpu.memory_space<semaphore_mem>>
      %dma_start3A_179 = arith.constant 0 : i32
      %dma_start3A_180 = tpu.memref_slice %arg5[%add3A_178, %dma_start3A_179] : memref<20224x64xf32, #tpu.memory_space<hbm>> -> memref<632x64xf32, #tpu.memory_space<hbm>>
      %dma_start3A_181 = arith.constant 0 : i32
      %dma_start3A_182 = tpu.memref_slice %arg14[%mul3A_173, %dma_start3A_181] : memref<10112x64xf32, #tpu.memory_space<vmem_shared>> -> memref<632x64xf32, #tpu.memory_space<vmem_shared>>
      tpu.enqueue_dma source(%dma_start3A_182 : memref<632x64xf32, #tpu.memory_space<vmem_shared>>) target(%dma_start3A_180 : memref<632x64xf32, #tpu.memory_space<hbm>>) target_semaphore(%run_scoped3A : memref<!tpu.dma_semaphore, #tpu.memory_space<semaphore_mem>>)
      %dma_wait3A_183 = arith.constant 0 : i32
      %dma_wait3A_184 = tpu.memref_slice %arg5[%add3A_178, %dma_wait3A_183] : memref<20224x64xf32, #tpu.memory_space<hbm>> -> memref<632x64xf32, #tpu.memory_space<hbm>>
      %dma_wait3A_185 = arith.constant 0 : i32
      %dma_wait3A_186 = tpu.memref_slice %arg14[%mul3A_173, %dma_wait3A_185] : memref<10112x64xf32, #tpu.memory_space<vmem_shared>> -> memref<632x64xf32, #tpu.memory_space<vmem_shared>>
      tpu.wait_dma2 semaphore(%run_scoped3A : memref<!tpu.dma_semaphore, #tpu.memory_space<semaphore_mem>>) src(%dma_wait3A_186 : memref<632x64xf32, #tpu.memory_space<vmem_shared>>) dst(%dma_wait3A_184 : memref<632x64xf32, #tpu.memory_space<hbm>>)
      tpu.yield
    }) : () -> ()
    return
  }
}

#map = affine_map<(d0, d1) -> (0, 0)>
module attributes {stable_mosaic.version = 14 : i64} {
  func.func @_deg_body(%arg0: i32, %arg1: i32, %arg2: memref<2560x128xi32, #tpu.memory_space<hbm>>, %arg3: memref<128x16xf32, #tpu.memory_space<hbm>>, %arg4: memref<10112x16xf32, #tpu.memory_space<hbm>>, %arg5: memref<20224x16xf32, #tpu.memory_space<hbm>>, %arg6: memref<128x16xf32, #tpu.memory_space<vmem>>, %arg7: memref<80x128xi32, #tpu.memory_space<vmem>>, %arg8: memref<10112x16xf32, #tpu.memory_space<vmem_shared>>, %arg9: memref<!tpu.dma_semaphore, #tpu.memory_space<semaphore_mem>>) attributes {dimension_semantics = [#tpu.dimension_semantics<core_parallel>, #tpu.dimension_semantics<subcore_parallel>], iteration_bounds = array<i64: 2, 16>, scalar_prefetch = 0 : i64, scratch_operands = 4 : i64, tpu.core_type = #tpu.core_type<sc_vector_subcore>, window_params = [{transform_indices = #map}, {transform_indices = #map}, {transform_indices = #map}, {transform_indices = #map}]} {
    %mul3A = arith.constant 16 : i32
    %mul3A_0 = arith.muli %arg0, %mul3A : i32
    %add3A = arith.addi %mul3A_0, %arg1 : i32
    "tpu.region"() ({
      %run_scoped3A = tpu.sem_alloc : memref<!tpu.dma_semaphore, #tpu.memory_space<semaphore_mem>>
      tpu.enqueue_dma source(%arg3 : memref<128x16xf32, #tpu.memory_space<hbm>>) target(%arg6 : memref<128x16xf32, #tpu.memory_space<vmem>>) target_semaphore(%run_scoped3A : memref<!tpu.dma_semaphore, #tpu.memory_space<semaphore_mem>>)
      tpu.wait_dma2 semaphore(%run_scoped3A : memref<!tpu.dma_semaphore, #tpu.memory_space<semaphore_mem>>) src(%arg3 : memref<128x16xf32, #tpu.memory_space<hbm>>) dst(%arg6 : memref<128x16xf32, #tpu.memory_space<vmem>>)
      tpu.yield
    }) : () -> ()
    %mul3A_1 = arith.constant 80 : i32
    %mul3A_2 = arith.muli %add3A, %mul3A_1 : i32
    "tpu.region"() ({
      %run_scoped3A = tpu.sem_alloc : memref<!tpu.dma_semaphore, #tpu.memory_space<semaphore_mem>>
      %dma_start3A = arith.constant 0 : i32
      %dma_start3A_20 = tpu.memref_slice %arg2[%mul3A_2, %dma_start3A] : memref<2560x128xi32, #tpu.memory_space<hbm>> -> memref<80x128xi32, #tpu.memory_space<hbm>>
      %dma_start3A_21 = arith.constant 0 : i32
      %dma_start3A_22 = tpu.memref_slice %arg2[%mul3A_2, %dma_start3A_21] : memref<2560x128xi32, #tpu.memory_space<hbm>> -> memref<80x128xi32, #tpu.memory_space<hbm>>
      tpu.enqueue_dma source(%dma_start3A_22 : memref<80x128xi32, #tpu.memory_space<hbm>>) target(%arg7 : memref<80x128xi32, #tpu.memory_space<vmem>>) target_semaphore(%run_scoped3A : memref<!tpu.dma_semaphore, #tpu.memory_space<semaphore_mem>>)
      %dma_wait3A = arith.constant 0 : i32
      %dma_wait3A_23 = tpu.memref_slice %arg2[%mul3A_2, %dma_wait3A] : memref<2560x128xi32, #tpu.memory_space<hbm>> -> memref<80x128xi32, #tpu.memory_space<hbm>>
      %dma_wait3A_24 = arith.constant 0 : i32
      %dma_wait3A_25 = tpu.memref_slice %arg2[%mul3A_2, %dma_wait3A_24] : memref<2560x128xi32, #tpu.memory_space<hbm>> -> memref<80x128xi32, #tpu.memory_space<hbm>>
      tpu.wait_dma2 semaphore(%run_scoped3A : memref<!tpu.dma_semaphore, #tpu.memory_space<semaphore_mem>>) src(%dma_wait3A_25 : memref<80x128xi32, #tpu.memory_space<hbm>>) dst(%arg7 : memref<80x128xi32, #tpu.memory_space<vmem>>)
      tpu.yield
    }) : () -> ()
    %mul3A_3 = arith.constant 632 : i32
    %mul3A_4 = arith.muli %arg1, %mul3A_3 : i32
    %mul3A_5 = arith.constant 632 : i32
    %mul3A_6 = arith.muli %arg1, %mul3A_5 : i32
    "tpu.region"() ({
      %run_scoped3A = tpu.sem_alloc : memref<!tpu.dma_semaphore, #tpu.memory_space<semaphore_mem>>
      %dma_start3A = arith.constant 0 : i32
      %dma_start3A_20 = tpu.memref_slice %arg8[%mul3A_6, %dma_start3A] : memref<10112x16xf32, #tpu.memory_space<vmem_shared>> -> memref<632x16xf32, #tpu.memory_space<vmem_shared>>
      %dma_start3A_21 = arith.constant 0 : i32
      %dma_start3A_22 = tpu.memref_slice %arg4[%mul3A_4, %dma_start3A_21] : memref<10112x16xf32, #tpu.memory_space<hbm>> -> memref<632x16xf32, #tpu.memory_space<hbm>>
      tpu.enqueue_dma source(%dma_start3A_22 : memref<632x16xf32, #tpu.memory_space<hbm>>) target(%dma_start3A_20 : memref<632x16xf32, #tpu.memory_space<vmem_shared>>) target_semaphore(%run_scoped3A : memref<!tpu.dma_semaphore, #tpu.memory_space<semaphore_mem>>)
      %dma_wait3A = arith.constant 0 : i32
      %dma_wait3A_23 = tpu.memref_slice %arg8[%mul3A_6, %dma_wait3A] : memref<10112x16xf32, #tpu.memory_space<vmem_shared>> -> memref<632x16xf32, #tpu.memory_space<vmem_shared>>
      %dma_wait3A_24 = arith.constant 0 : i32
      %dma_wait3A_25 = tpu.memref_slice %arg4[%mul3A_4, %dma_wait3A_24] : memref<10112x16xf32, #tpu.memory_space<hbm>> -> memref<632x16xf32, #tpu.memory_space<hbm>>
      tpu.wait_dma2 semaphore(%run_scoped3A : memref<!tpu.dma_semaphore, #tpu.memory_space<semaphore_mem>>) src(%dma_wait3A_25 : memref<632x16xf32, #tpu.memory_space<hbm>>) dst(%dma_wait3A_23 : memref<632x16xf32, #tpu.memory_space<vmem_shared>>)
      tpu.yield
    }) : () -> ()
    %barrier3A = arith.constant 0 : index
    tpu.barrier barrier_id(%barrier3A)
    %scan3A = arith.constant 0 : i32
    %scan3A_7 = arith.constant 0 : i32
    %scan3A_8 = arith.constant 20 : i32
    %scan3A_9 = arith.addi %scan3A_7, %scan3A_8 : i32
    %scan3A_10 = arith.constant 1 : i32
    scf.for %scan3A_20 = %scan3A_7 to %scan3A_9 step %scan3A_10  : i32 {
      %mul3A_21 = arith.constant 4 : i32
      %mul3A_22 = arith.muli %scan3A_20, %mul3A_21 : i32
      %add3A_23 = arith.constant 0 : i32
      %add3A_24 = arith.addi %mul3A_22, %add3A_23 : i32
      %dma_start3A = arith.constant 0 : i32
      %dma_start3A_25 = tpu.memref_slice %arg7[%add3A_24, %dma_start3A] : memref<80x128xi32, #tpu.memory_space<vmem>> -> memref<1x128xi32, #tpu.memory_space<vmem>>
      %dma_start3A_26 = tpu.memref_squeeze %dma_start3A_25 : memref<1x128xi32, #tpu.memory_space<vmem>> -> memref<128xi32, #tpu.memory_space<vmem>>
      %dma_start3A_27 = arith.constant 0 : i32
      %dma_start3A_28 = arith.constant 0 : i32
      %dma_start3A_29 = tpu.memref_slice %arg8[%dma_start3A_27, %dma_start3A_28] : memref<10112x16xf32, #tpu.memory_space<vmem_shared>> -> memref<10112x16xf32, #tpu.memory_space<vmem_shared>>
      tpu.enqueue_indirect_dma source(%arg6 : memref<128x16xf32, #tpu.memory_space<vmem>>) target(%dma_start3A_29 : memref<10112x16xf32, #tpu.memory_space<vmem_shared>>) offsets(%dma_start3A_26 : memref<128xi32, #tpu.memory_space<vmem>>) semaphore(%arg9 : memref<!tpu.dma_semaphore, #tpu.memory_space<semaphore_mem>>) {add = true}
      %mul3A_30 = arith.constant 4 : i32
      %mul3A_31 = arith.muli %scan3A_20, %mul3A_30 : i32
      %add3A_32 = arith.constant 1 : i32
      %add3A_33 = arith.addi %mul3A_31, %add3A_32 : i32
      %dma_start3A_34 = arith.constant 0 : i32
      %dma_start3A_35 = tpu.memref_slice %arg7[%add3A_33, %dma_start3A_34] : memref<80x128xi32, #tpu.memory_space<vmem>> -> memref<1x128xi32, #tpu.memory_space<vmem>>
      %dma_start3A_36 = tpu.memref_squeeze %dma_start3A_35 : memref<1x128xi32, #tpu.memory_space<vmem>> -> memref<128xi32, #tpu.memory_space<vmem>>
      %dma_start3A_37 = arith.constant 0 : i32
      %dma_start3A_38 = arith.constant 0 : i32
      %dma_start3A_39 = tpu.memref_slice %arg8[%dma_start3A_37, %dma_start3A_38] : memref<10112x16xf32, #tpu.memory_space<vmem_shared>> -> memref<10112x16xf32, #tpu.memory_space<vmem_shared>>
      tpu.enqueue_indirect_dma source(%arg6 : memref<128x16xf32, #tpu.memory_space<vmem>>) target(%dma_start3A_39 : memref<10112x16xf32, #tpu.memory_space<vmem_shared>>) offsets(%dma_start3A_36 : memref<128xi32, #tpu.memory_space<vmem>>) semaphore(%arg9 : memref<!tpu.dma_semaphore, #tpu.memory_space<semaphore_mem>>) {add = true}
      %mul3A_40 = arith.constant 4 : i32
      %mul3A_41 = arith.muli %scan3A_20, %mul3A_40 : i32
      %add3A_42 = arith.constant 2 : i32
      %add3A_43 = arith.addi %mul3A_41, %add3A_42 : i32
      %dma_start3A_44 = arith.constant 0 : i32
      %dma_start3A_45 = tpu.memref_slice %arg7[%add3A_43, %dma_start3A_44] : memref<80x128xi32, #tpu.memory_space<vmem>> -> memref<1x128xi32, #tpu.memory_space<vmem>>
      %dma_start3A_46 = tpu.memref_squeeze %dma_start3A_45 : memref<1x128xi32, #tpu.memory_space<vmem>> -> memref<128xi32, #tpu.memory_space<vmem>>
      %dma_start3A_47 = arith.constant 0 : i32
      %dma_start3A_48 = arith.constant 0 : i32
      %dma_start3A_49 = tpu.memref_slice %arg8[%dma_start3A_47, %dma_start3A_48] : memref<10112x16xf32, #tpu.memory_space<vmem_shared>> -> memref<10112x16xf32, #tpu.memory_space<vmem_shared>>
      tpu.enqueue_indirect_dma source(%arg6 : memref<128x16xf32, #tpu.memory_space<vmem>>) target(%dma_start3A_49 : memref<10112x16xf32, #tpu.memory_space<vmem_shared>>) offsets(%dma_start3A_46 : memref<128xi32, #tpu.memory_space<vmem>>) semaphore(%arg9 : memref<!tpu.dma_semaphore, #tpu.memory_space<semaphore_mem>>) {add = true}
      %mul3A_50 = arith.constant 4 : i32
      %mul3A_51 = arith.muli %scan3A_20, %mul3A_50 : i32
      %add3A_52 = arith.constant 3 : i32
      %add3A_53 = arith.addi %mul3A_51, %add3A_52 : i32
      %dma_start3A_54 = arith.constant 0 : i32
      %dma_start3A_55 = tpu.memref_slice %arg7[%add3A_53, %dma_start3A_54] : memref<80x128xi32, #tpu.memory_space<vmem>> -> memref<1x128xi32, #tpu.memory_space<vmem>>
      %dma_start3A_56 = tpu.memref_squeeze %dma_start3A_55 : memref<1x128xi32, #tpu.memory_space<vmem>> -> memref<128xi32, #tpu.memory_space<vmem>>
      %dma_start3A_57 = arith.constant 0 : i32
      %dma_start3A_58 = arith.constant 0 : i32
      %dma_start3A_59 = tpu.memref_slice %arg8[%dma_start3A_57, %dma_start3A_58] : memref<10112x16xf32, #tpu.memory_space<vmem_shared>> -> memref<10112x16xf32, #tpu.memory_space<vmem_shared>>
      tpu.enqueue_indirect_dma source(%arg6 : memref<128x16xf32, #tpu.memory_space<vmem>>) target(%dma_start3A_59 : memref<10112x16xf32, #tpu.memory_space<vmem_shared>>) offsets(%dma_start3A_56 : memref<128xi32, #tpu.memory_space<vmem>>) semaphore(%arg9 : memref<!tpu.dma_semaphore, #tpu.memory_space<semaphore_mem>>) {add = true}
      %dma_wait3A = arith.constant 0 : i32
      %dma_wait3A_60 = arith.constant 0 : i32
      %dma_wait3A_61 = tpu.memref_slice %arg7[%dma_wait3A, %dma_wait3A_60] : memref<80x128xi32, #tpu.memory_space<vmem>> -> memref<1x128xi32, #tpu.memory_space<vmem>>
      %dma_wait3A_62 = tpu.memref_squeeze %dma_wait3A_61 : memref<1x128xi32, #tpu.memory_space<vmem>> -> memref<128xi32, #tpu.memory_space<vmem>>
      %dma_wait3A_63 = arith.constant 0 : i32
      %dma_wait3A_64 = arith.constant 0 : i32
      %dma_wait3A_65 = tpu.memref_slice %arg8[%dma_wait3A_63, %dma_wait3A_64] : memref<10112x16xf32, #tpu.memory_space<vmem_shared>> -> memref<10112x16xf32, #tpu.memory_space<vmem_shared>>
      tpu.wait_indirect_dma semaphore(%arg9 : memref<!tpu.dma_semaphore, #tpu.memory_space<semaphore_mem>>) src(%arg6 : memref<128x16xf32, #tpu.memory_space<vmem>>) dst(%dma_wait3A_65 : memref<10112x16xf32, #tpu.memory_space<vmem_shared>>)
      %dma_wait3A_66 = arith.constant 0 : i32
      %dma_wait3A_67 = arith.constant 0 : i32
      %dma_wait3A_68 = tpu.memref_slice %arg7[%dma_wait3A_66, %dma_wait3A_67] : memref<80x128xi32, #tpu.memory_space<vmem>> -> memref<1x128xi32, #tpu.memory_space<vmem>>
      %dma_wait3A_69 = tpu.memref_squeeze %dma_wait3A_68 : memref<1x128xi32, #tpu.memory_space<vmem>> -> memref<128xi32, #tpu.memory_space<vmem>>
      %dma_wait3A_70 = arith.constant 0 : i32
      %dma_wait3A_71 = arith.constant 0 : i32
      %dma_wait3A_72 = tpu.memref_slice %arg8[%dma_wait3A_70, %dma_wait3A_71] : memref<10112x16xf32, #tpu.memory_space<vmem_shared>> -> memref<10112x16xf32, #tpu.memory_space<vmem_shared>>
      tpu.wait_indirect_dma semaphore(%arg9 : memref<!tpu.dma_semaphore, #tpu.memory_space<semaphore_mem>>) src(%arg6 : memref<128x16xf32, #tpu.memory_space<vmem>>) dst(%dma_wait3A_72 : memref<10112x16xf32, #tpu.memory_space<vmem_shared>>)
      %dma_wait3A_73 = arith.constant 0 : i32
      %dma_wait3A_74 = arith.constant 0 : i32
      %dma_wait3A_75 = tpu.memref_slice %arg7[%dma_wait3A_73, %dma_wait3A_74] : memref<80x128xi32, #tpu.memory_space<vmem>> -> memref<1x128xi32, #tpu.memory_space<vmem>>
      %dma_wait3A_76 = tpu.memref_squeeze %dma_wait3A_75 : memref<1x128xi32, #tpu.memory_space<vmem>> -> memref<128xi32, #tpu.memory_space<vmem>>
      %dma_wait3A_77 = arith.constant 0 : i32
      %dma_wait3A_78 = arith.constant 0 : i32
      %dma_wait3A_79 = tpu.memref_slice %arg8[%dma_wait3A_77, %dma_wait3A_78] : memref<10112x16xf32, #tpu.memory_space<vmem_shared>> -> memref<10112x16xf32, #tpu.memory_space<vmem_shared>>
      tpu.wait_indirect_dma semaphore(%arg9 : memref<!tpu.dma_semaphore, #tpu.memory_space<semaphore_mem>>) src(%arg6 : memref<128x16xf32, #tpu.memory_space<vmem>>) dst(%dma_wait3A_79 : memref<10112x16xf32, #tpu.memory_space<vmem_shared>>)
      %dma_wait3A_80 = arith.constant 0 : i32
      %dma_wait3A_81 = arith.constant 0 : i32
      %dma_wait3A_82 = tpu.memref_slice %arg7[%dma_wait3A_80, %dma_wait3A_81] : memref<80x128xi32, #tpu.memory_space<vmem>> -> memref<1x128xi32, #tpu.memory_space<vmem>>
      %dma_wait3A_83 = tpu.memref_squeeze %dma_wait3A_82 : memref<1x128xi32, #tpu.memory_space<vmem>> -> memref<128xi32, #tpu.memory_space<vmem>>
      %dma_wait3A_84 = arith.constant 0 : i32
      %dma_wait3A_85 = arith.constant 0 : i32
      %dma_wait3A_86 = tpu.memref_slice %arg8[%dma_wait3A_84, %dma_wait3A_85] : memref<10112x16xf32, #tpu.memory_space<vmem_shared>> -> memref<10112x16xf32, #tpu.memory_space<vmem_shared>>
      tpu.wait_indirect_dma semaphore(%arg9 : memref<!tpu.dma_semaphore, #tpu.memory_space<semaphore_mem>>) src(%arg6 : memref<128x16xf32, #tpu.memory_space<vmem>>) dst(%dma_wait3A_86 : memref<10112x16xf32, #tpu.memory_space<vmem_shared>>)
    }
    %scan3A_11 = arith.constant 20 : i32
    %barrier3A_12 = arith.constant 0 : index
    tpu.barrier barrier_id(%barrier3A_12)
    %mul3A_13 = arith.constant 632 : i32
    %mul3A_14 = arith.muli %arg1, %mul3A_13 : i32
    %mul3A_15 = arith.constant 10112 : i32
    %mul3A_16 = arith.muli %arg0, %mul3A_15 : i32
    %mul3A_17 = arith.constant 632 : i32
    %mul3A_18 = arith.muli %arg1, %mul3A_17 : i32
    %add3A_19 = arith.addi %mul3A_16, %mul3A_18 : i32
    "tpu.region"() ({
      %run_scoped3A = tpu.sem_alloc : memref<!tpu.dma_semaphore, #tpu.memory_space<semaphore_mem>>
      %dma_start3A = arith.constant 0 : i32
      %dma_start3A_20 = tpu.memref_slice %arg5[%add3A_19, %dma_start3A] : memref<20224x16xf32, #tpu.memory_space<hbm>> -> memref<632x16xf32, #tpu.memory_space<hbm>>
      %dma_start3A_21 = arith.constant 0 : i32
      %dma_start3A_22 = tpu.memref_slice %arg8[%mul3A_14, %dma_start3A_21] : memref<10112x16xf32, #tpu.memory_space<vmem_shared>> -> memref<632x16xf32, #tpu.memory_space<vmem_shared>>
      tpu.enqueue_dma source(%dma_start3A_22 : memref<632x16xf32, #tpu.memory_space<vmem_shared>>) target(%dma_start3A_20 : memref<632x16xf32, #tpu.memory_space<hbm>>) target_semaphore(%run_scoped3A : memref<!tpu.dma_semaphore, #tpu.memory_space<semaphore_mem>>)
      %dma_wait3A = arith.constant 0 : i32
      %dma_wait3A_23 = tpu.memref_slice %arg5[%add3A_19, %dma_wait3A] : memref<20224x16xf32, #tpu.memory_space<hbm>> -> memref<632x16xf32, #tpu.memory_space<hbm>>
      %dma_wait3A_24 = arith.constant 0 : i32
      %dma_wait3A_25 = tpu.memref_slice %arg8[%mul3A_14, %dma_wait3A_24] : memref<10112x16xf32, #tpu.memory_space<vmem_shared>> -> memref<632x16xf32, #tpu.memory_space<vmem_shared>>
      tpu.wait_dma2 semaphore(%run_scoped3A : memref<!tpu.dma_semaphore, #tpu.memory_space<semaphore_mem>>) src(%dma_wait3A_25 : memref<632x16xf32, #tpu.memory_space<vmem_shared>>) dst(%dma_wait3A_23 : memref<632x16xf32, #tpu.memory_space<hbm>>)
      tpu.yield
    }) : () -> ()
    return
  }
}

#map = affine_map<(d0, d1) -> (0, 0)>
module attributes {stable_mosaic.version = 14 : i64} {
  func.func @_agg_body(%arg0: i32, %arg1: i32, %arg2: memref<10000x16xf32, #tpu.memory_space<hbm>>, %arg3: memref<2560x128xi32, #tpu.memory_space<hbm>>, %arg4: memref<10112x16xf32, #tpu.memory_space<hbm>>, %arg5: memref<20224x16xf32, #tpu.memory_space<hbm>>, %arg6: memref<80x128xi32, #tpu.memory_space<vmem>>, %arg7: memref<128xi32, #tpu.memory_space<vmem>>, %arg8: memref<128xi32, #tpu.memory_space<vmem>>, %arg9: memref<128xi32, #tpu.memory_space<vmem>>, %arg10: memref<128xi32, #tpu.memory_space<vmem>>, %arg11: memref<128x16xf32, #tpu.memory_space<vmem>>, %arg12: memref<128x16xf32, #tpu.memory_space<vmem>>, %arg13: memref<10000x16xf32, #tpu.memory_space<vmem_shared>>, %arg14: memref<10112x16xf32, #tpu.memory_space<vmem_shared>>, %arg15: memref<!tpu.dma_semaphore, #tpu.memory_space<semaphore_mem>>, %arg16: memref<!tpu.dma_semaphore, #tpu.memory_space<semaphore_mem>>, %arg17: memref<!tpu.dma_semaphore, #tpu.memory_space<semaphore_mem>>, %arg18: memref<!tpu.dma_semaphore, #tpu.memory_space<semaphore_mem>>) attributes {dimension_semantics = [#tpu.dimension_semantics<core_parallel>, #tpu.dimension_semantics<subcore_parallel>], iteration_bounds = array<i64: 2, 16>, scalar_prefetch = 0 : i64, scratch_operands = 13 : i64, tpu.core_type = #tpu.core_type<sc_vector_subcore>, window_params = [{transform_indices = #map}, {transform_indices = #map}, {transform_indices = #map}, {transform_indices = #map}]} {
    %mul3A = arith.constant 16 : i32
    %mul3A_0 = arith.muli %arg0, %mul3A : i32
    %add3A = arith.addi %mul3A_0, %arg1 : i32
    %mul3A_1 = arith.constant 80 : i32
    %mul3A_2 = arith.muli %add3A, %mul3A_1 : i32
    "tpu.region"() ({
      %run_scoped3A = tpu.sem_alloc : memref<!tpu.dma_semaphore, #tpu.memory_space<semaphore_mem>>
      %dma_start3A_181 = arith.constant 0 : i32
      %dma_start3A_182 = tpu.memref_slice %arg3[%mul3A_2, %dma_start3A_181] : memref<2560x128xi32, #tpu.memory_space<hbm>> -> memref<80x128xi32, #tpu.memory_space<hbm>>
      %dma_start3A_183 = arith.constant 0 : i32
      %dma_start3A_184 = tpu.memref_slice %arg3[%mul3A_2, %dma_start3A_183] : memref<2560x128xi32, #tpu.memory_space<hbm>> -> memref<80x128xi32, #tpu.memory_space<hbm>>
      tpu.enqueue_dma source(%dma_start3A_184 : memref<80x128xi32, #tpu.memory_space<hbm>>) target(%arg6 : memref<80x128xi32, #tpu.memory_space<vmem>>) target_semaphore(%run_scoped3A : memref<!tpu.dma_semaphore, #tpu.memory_space<semaphore_mem>>)
      %dma_wait3A_185 = arith.constant 0 : i32
      %dma_wait3A_186 = tpu.memref_slice %arg3[%mul3A_2, %dma_wait3A_185] : memref<2560x128xi32, #tpu.memory_space<hbm>> -> memref<80x128xi32, #tpu.memory_space<hbm>>
      %dma_wait3A_187 = arith.constant 0 : i32
      %dma_wait3A_188 = tpu.memref_slice %arg3[%mul3A_2, %dma_wait3A_187] : memref<2560x128xi32, #tpu.memory_space<hbm>> -> memref<80x128xi32, #tpu.memory_space<hbm>>
      tpu.wait_dma2 semaphore(%run_scoped3A : memref<!tpu.dma_semaphore, #tpu.memory_space<semaphore_mem>>) src(%dma_wait3A_188 : memref<80x128xi32, #tpu.memory_space<hbm>>) dst(%arg6 : memref<80x128xi32, #tpu.memory_space<vmem>>)
      tpu.yield
    }) : () -> ()
    %mul3A_3 = arith.constant 625 : i32
    %mul3A_4 = arith.muli %arg1, %mul3A_3 : i32
    %add3A_5 = arith.constant 0 : i32
    %add3A_6 = arith.addi %add3A_5, %mul3A_4 : i32
    %mul3A_7 = arith.constant 625 : i32
    %mul3A_8 = arith.muli %arg1, %mul3A_7 : i32
    "tpu.region"() ({
      %run_scoped3A = tpu.sem_alloc : memref<!tpu.dma_semaphore, #tpu.memory_space<semaphore_mem>>
      %dma_start3A_181 = arith.constant 0 : i32
      %dma_start3A_182 = tpu.memref_slice %arg13[%mul3A_8, %dma_start3A_181] : memref<10000x16xf32, #tpu.memory_space<vmem_shared>> -> memref<625x16xf32, #tpu.memory_space<vmem_shared>>
      %dma_start3A_183 = arith.constant 0 : i32
      %dma_start3A_184 = tpu.memref_slice %arg2[%add3A_6, %dma_start3A_183] : memref<10000x16xf32, #tpu.memory_space<hbm>> -> memref<625x16xf32, #tpu.memory_space<hbm>>
      tpu.enqueue_dma source(%dma_start3A_184 : memref<625x16xf32, #tpu.memory_space<hbm>>) target(%dma_start3A_182 : memref<625x16xf32, #tpu.memory_space<vmem_shared>>) target_semaphore(%run_scoped3A : memref<!tpu.dma_semaphore, #tpu.memory_space<semaphore_mem>>)
      %dma_wait3A_185 = arith.constant 0 : i32
      %dma_wait3A_186 = tpu.memref_slice %arg13[%mul3A_8, %dma_wait3A_185] : memref<10000x16xf32, #tpu.memory_space<vmem_shared>> -> memref<625x16xf32, #tpu.memory_space<vmem_shared>>
      %dma_wait3A_187 = arith.constant 0 : i32
      %dma_wait3A_188 = tpu.memref_slice %arg2[%add3A_6, %dma_wait3A_187] : memref<10000x16xf32, #tpu.memory_space<hbm>> -> memref<625x16xf32, #tpu.memory_space<hbm>>
      tpu.wait_dma2 semaphore(%run_scoped3A : memref<!tpu.dma_semaphore, #tpu.memory_space<semaphore_mem>>) src(%dma_wait3A_188 : memref<625x16xf32, #tpu.memory_space<hbm>>) dst(%dma_wait3A_186 : memref<625x16xf32, #tpu.memory_space<vmem_shared>>)
      tpu.yield
    }) : () -> ()
    %mul3A_9 = arith.constant 632 : i32
    %mul3A_10 = arith.muli %arg1, %mul3A_9 : i32
    %mul3A_11 = arith.constant 632 : i32
    %mul3A_12 = arith.muli %arg1, %mul3A_11 : i32
    "tpu.region"() ({
      %run_scoped3A = tpu.sem_alloc : memref<!tpu.dma_semaphore, #tpu.memory_space<semaphore_mem>>
      %dma_start3A_181 = arith.constant 0 : i32
      %dma_start3A_182 = tpu.memref_slice %arg14[%mul3A_12, %dma_start3A_181] : memref<10112x16xf32, #tpu.memory_space<vmem_shared>> -> memref<632x16xf32, #tpu.memory_space<vmem_shared>>
      %dma_start3A_183 = arith.constant 0 : i32
      %dma_start3A_184 = tpu.memref_slice %arg4[%mul3A_10, %dma_start3A_183] : memref<10112x16xf32, #tpu.memory_space<hbm>> -> memref<632x16xf32, #tpu.memory_space<hbm>>
      tpu.enqueue_dma source(%dma_start3A_184 : memref<632x16xf32, #tpu.memory_space<hbm>>) target(%dma_start3A_182 : memref<632x16xf32, #tpu.memory_space<vmem_shared>>) target_semaphore(%run_scoped3A : memref<!tpu.dma_semaphore, #tpu.memory_space<semaphore_mem>>)
      %dma_wait3A_185 = arith.constant 0 : i32
      %dma_wait3A_186 = tpu.memref_slice %arg14[%mul3A_12, %dma_wait3A_185] : memref<10112x16xf32, #tpu.memory_space<vmem_shared>> -> memref<632x16xf32, #tpu.memory_space<vmem_shared>>
      %dma_wait3A_187 = arith.constant 0 : i32
      %dma_wait3A_188 = tpu.memref_slice %arg4[%mul3A_10, %dma_wait3A_187] : memref<10112x16xf32, #tpu.memory_space<hbm>> -> memref<632x16xf32, #tpu.memory_space<hbm>>
      tpu.wait_dma2 semaphore(%run_scoped3A : memref<!tpu.dma_semaphore, #tpu.memory_space<semaphore_mem>>) src(%dma_wait3A_188 : memref<632x16xf32, #tpu.memory_space<hbm>>) dst(%dma_wait3A_186 : memref<632x16xf32, #tpu.memory_space<vmem_shared>>)
      tpu.yield
    }) : () -> ()
    %barrier3A = arith.constant 0 : index
    tpu.barrier barrier_id(%barrier3A)
    %get3A = arith.constant 0 : i32
    %get3A_13 = arith.index_cast %get3A : i32 to index
    %get3A_14 = arith.constant 0 : index
    %get3A_15 = tpu.vector_load %arg6[%get3A_13, %get3A_14] {strides = array<i32>} : memref<80x128xi32, #tpu.memory_space<vmem>>, vector<1x16xi32>,
    %get3A_16 = vector.shape_cast %get3A_15 : vector<1x16xi32> to vector<16xi32>
    %and3A = arith.constant 65535 : i32
    %and3A_17 = vector.broadcast %and3A : i32 to vector<16xi32>
    %and3A_18 = arith.andi %get3A_16, %and3A_17 : vector<16xi32>
    %swap3A = arith.constant 0 : index
    %swap3A_19 = tpu.vector_load %arg7[%swap3A] {strides = array<i32>} : memref<128xi32, #tpu.memory_space<vmem>>, vector<16xi32>,
    %swap3A_20 = vector.shape_cast %swap3A_19 : vector<16xi32> to vector<16xi32>
    %swap3A_21 = vector.shape_cast %and3A_18 : vector<16xi32> to vector<16xi32>
    tpu.vector_store %arg7[%swap3A], %swap3A_21 {strides = array<i32>} : memref<128xi32, #tpu.memory_space<vmem>>, vector<16xi32>,
    %shift_right_arithmetic3A = arith.constant 16 : i32
    %shift_right_arithmetic3A_22 = vector.broadcast %shift_right_arithmetic3A : i32 to vector<16xi32>
    %shift_right_arithmetic3A_23 = arith.shrsi %get3A_16, %shift_right_arithmetic3A_22 : vector<16xi32>
    %swap3A_24 = arith.constant 0 : index
    %swap3A_25 = tpu.vector_load %arg9[%swap3A_24] {strides = array<i32>} : memref<128xi32, #tpu.memory_space<vmem>>, vector<16xi32>,
    %swap3A_26 = vector.shape_cast %swap3A_25 : vector<16xi32> to vector<16xi32>
    %swap3A_27 = vector.shape_cast %shift_right_arithmetic3A_23 : vector<16xi32> to vector<16xi32>
    tpu.vector_store %arg9[%swap3A_24], %swap3A_27 {strides = array<i32>} : memref<128xi32, #tpu.memory_space<vmem>>, vector<16xi32>,
    %get3A_28 = arith.constant 0 : i32
    %get3A_29 = arith.index_cast %get3A_28 : i32 to index
    %get3A_30 = arith.constant 16 : index
    %get3A_31 = tpu.vector_load %arg6[%get3A_29, %get3A_30] {strides = array<i32>} : memref<80x128xi32, #tpu.memory_space<vmem>>, vector<1x16xi32>,
    %get3A_32 = vector.shape_cast %get3A_31 : vector<1x16xi32> to vector<16xi32>
    %and3A_33 = arith.constant 65535 : i32
    %and3A_34 = vector.broadcast %and3A_33 : i32 to vector<16xi32>
    %and3A_35 = arith.andi %get3A_32, %and3A_34 : vector<16xi32>
    %swap3A_36 = arith.constant 16 : index
    %swap3A_37 = tpu.vector_load %arg7[%swap3A_36] {strides = array<i32>} : memref<128xi32, #tpu.memory_space<vmem>>, vector<16xi32>,
    %swap3A_38 = vector.shape_cast %swap3A_37 : vector<16xi32> to vector<16xi32>
    %swap3A_39 = vector.shape_cast %and3A_35 : vector<16xi32> to vector<16xi32>
    tpu.vector_store %arg7[%swap3A_36], %swap3A_39 {strides = array<i32>} : memref<128xi32, #tpu.memory_space<vmem>>, vector<16xi32>,
    %shift_right_arithmetic3A_40 = arith.constant 16 : i32
    %shift_right_arithmetic3A_41 = vector.broadcast %shift_right_arithmetic3A_40 : i32 to vector<16xi32>
    %shift_right_arithmetic3A_42 = arith.shrsi %get3A_32, %shift_right_arithmetic3A_41 : vector<16xi32>
    %swap3A_43 = arith.constant 16 : index
    %swap3A_44 = tpu.vector_load %arg9[%swap3A_43] {strides = array<i32>} : memref<128xi32, #tpu.memory_space<vmem>>, vector<16xi32>,
    %swap3A_45 = vector.shape_cast %swap3A_44 : vector<16xi32> to vector<16xi32>
    %swap3A_46 = vector.shape_cast %shift_right_arithmetic3A_42 : vector<16xi32> to vector<16xi32>
    tpu.vector_store %arg9[%swap3A_43], %swap3A_46 {strides = array<i32>} : memref<128xi32, #tpu.memory_space<vmem>>, vector<16xi32>,
    %get3A_47 = arith.constant 0 : i32
    %get3A_48 = arith.index_cast %get3A_47 : i32 to index
    %get3A_49 = arith.constant 32 : index
    %get3A_50 = tpu.vector_load %arg6[%get3A_48, %get3A_49] {strides = array<i32>} : memref<80x128xi32, #tpu.memory_space<vmem>>, vector<1x16xi32>,
    %get3A_51 = vector.shape_cast %get3A_50 : vector<1x16xi32> to vector<16xi32>
    %and3A_52 = arith.constant 65535 : i32
    %and3A_53 = vector.broadcast %and3A_52 : i32 to vector<16xi32>
    %and3A_54 = arith.andi %get3A_51, %and3A_53 : vector<16xi32>
    %swap3A_55 = arith.constant 32 : index
    %swap3A_56 = tpu.vector_load %arg7[%swap3A_55] {strides = array<i32>} : memref<128xi32, #tpu.memory_space<vmem>>, vector<16xi32>,
    %swap3A_57 = vector.shape_cast %swap3A_56 : vector<16xi32> to vector<16xi32>
    %swap3A_58 = vector.shape_cast %and3A_54 : vector<16xi32> to vector<16xi32>
    tpu.vector_store %arg7[%swap3A_55], %swap3A_58 {strides = array<i32>} : memref<128xi32, #tpu.memory_space<vmem>>, vector<16xi32>,
    %shift_right_arithmetic3A_59 = arith.constant 16 : i32
    %shift_right_arithmetic3A_60 = vector.broadcast %shift_right_arithmetic3A_59 : i32 to vector<16xi32>
    %shift_right_arithmetic3A_61 = arith.shrsi %get3A_51, %shift_right_arithmetic3A_60 : vector<16xi32>
    %swap3A_62 = arith.constant 32 : index
    %swap3A_63 = tpu.vector_load %arg9[%swap3A_62] {strides = array<i32>} : memref<128xi32, #tpu.memory_space<vmem>>, vector<16xi32>,
    %swap3A_64 = vector.shape_cast %swap3A_63 : vector<16xi32> to vector<16xi32>
    %swap3A_65 = vector.shape_cast %shift_right_arithmetic3A_61 : vector<16xi32> to vector<16xi32>
    tpu.vector_store %arg9[%swap3A_62], %swap3A_65 {strides = array<i32>} : memref<128xi32, #tpu.memory_space<vmem>>, vector<16xi32>,
    %get3A_66 = arith.constant 0 : i32
    %get3A_67 = arith.index_cast %get3A_66 : i32 to index
    %get3A_68 = arith.constant 48 : index
    %get3A_69 = tpu.vector_load %arg6[%get3A_67, %get3A_68] {strides = array<i32>} : memref<80x128xi32, #tpu.memory_space<vmem>>, vector<1x16xi32>,
    %get3A_70 = vector.shape_cast %get3A_69 : vector<1x16xi32> to vector<16xi32>
    %and3A_71 = arith.constant 65535 : i32
    %and3A_72 = vector.broadcast %and3A_71 : i32 to vector<16xi32>
    %and3A_73 = arith.andi %get3A_70, %and3A_72 : vector<16xi32>
    %swap3A_74 = arith.constant 48 : index
    %swap3A_75 = tpu.vector_load %arg7[%swap3A_74] {strides = array<i32>} : memref<128xi32, #tpu.memory_space<vmem>>, vector<16xi32>,
    %swap3A_76 = vector.shape_cast %swap3A_75 : vector<16xi32> to vector<16xi32>
    %swap3A_77 = vector.shape_cast %and3A_73 : vector<16xi32> to vector<16xi32>
    tpu.vector_store %arg7[%swap3A_74], %swap3A_77 {strides = array<i32>} : memref<128xi32, #tpu.memory_space<vmem>>, vector<16xi32>,
    %shift_right_arithmetic3A_78 = arith.constant 16 : i32
    %shift_right_arithmetic3A_79 = vector.broadcast %shift_right_arithmetic3A_78 : i32 to vector<16xi32>
    %shift_right_arithmetic3A_80 = arith.shrsi %get3A_70, %shift_right_arithmetic3A_79 : vector<16xi32>
    %swap3A_81 = arith.constant 48 : index
    %swap3A_82 = tpu.vector_load %arg9[%swap3A_81] {strides = array<i32>} : memref<128xi32, #tpu.memory_space<vmem>>, vector<16xi32>,
    %swap3A_83 = vector.shape_cast %swap3A_82 : vector<16xi32> to vector<16xi32>
    %swap3A_84 = vector.shape_cast %shift_right_arithmetic3A_80 : vector<16xi32> to vector<16xi32>
    tpu.vector_store %arg9[%swap3A_81], %swap3A_84 {strides = array<i32>} : memref<128xi32, #tpu.memory_space<vmem>>, vector<16xi32>,
    %get3A_85 = arith.constant 0 : i32
    %get3A_86 = arith.index_cast %get3A_85 : i32 to index
    %get3A_87 = arith.constant 64 : index
    %get3A_88 = tpu.vector_load %arg6[%get3A_86, %get3A_87] {strides = array<i32>} : memref<80x128xi32, #tpu.memory_space<vmem>>, vector<1x16xi32>,
    %get3A_89 = vector.shape_cast %get3A_88 : vector<1x16xi32> to vector<16xi32>
    %and3A_90 = arith.constant 65535 : i32
    %and3A_91 = vector.broadcast %and3A_90 : i32 to vector<16xi32>
    %and3A_92 = arith.andi %get3A_89, %and3A_91 : vector<16xi32>
    %swap3A_93 = arith.constant 64 : index
    %swap3A_94 = tpu.vector_load %arg7[%swap3A_93] {strides = array<i32>} : memref<128xi32, #tpu.memory_space<vmem>>, vector<16xi32>,
    %swap3A_95 = vector.shape_cast %swap3A_94 : vector<16xi32> to vector<16xi32>
    %swap3A_96 = vector.shape_cast %and3A_92 : vector<16xi32> to vector<16xi32>
    tpu.vector_store %arg7[%swap3A_93], %swap3A_96 {strides = array<i32>} : memref<128xi32, #tpu.memory_space<vmem>>, vector<16xi32>,
    %shift_right_arithmetic3A_97 = arith.constant 16 : i32
    %shift_right_arithmetic3A_98 = vector.broadcast %shift_right_arithmetic3A_97 : i32 to vector<16xi32>
    %shift_right_arithmetic3A_99 = arith.shrsi %get3A_89, %shift_right_arithmetic3A_98 : vector<16xi32>
    %swap3A_100 = arith.constant 64 : index
    %swap3A_101 = tpu.vector_load %arg9[%swap3A_100] {strides = array<i32>} : memref<128xi32, #tpu.memory_space<vmem>>, vector<16xi32>,
    %swap3A_102 = vector.shape_cast %swap3A_101 : vector<16xi32> to vector<16xi32>
    %swap3A_103 = vector.shape_cast %shift_right_arithmetic3A_99 : vector<16xi32> to vector<16xi32>
    tpu.vector_store %arg9[%swap3A_100], %swap3A_103 {strides = array<i32>} : memref<128xi32, #tpu.memory_space<vmem>>, vector<16xi32>,
    %get3A_104 = arith.constant 0 : i32
    %get3A_105 = arith.index_cast %get3A_104 : i32 to index
    %get3A_106 = arith.constant 80 : index
    %get3A_107 = tpu.vector_load %arg6[%get3A_105, %get3A_106] {strides = array<i32>} : memref<80x128xi32, #tpu.memory_space<vmem>>, vector<1x16xi32>,
    %get3A_108 = vector.shape_cast %get3A_107 : vector<1x16xi32> to vector<16xi32>
    %and3A_109 = arith.constant 65535 : i32
    %and3A_110 = vector.broadcast %and3A_109 : i32 to vector<16xi32>
    %and3A_111 = arith.andi %get3A_108, %and3A_110 : vector<16xi32>
    %swap3A_112 = arith.constant 80 : index
    %swap3A_113 = tpu.vector_load %arg7[%swap3A_112] {strides = array<i32>} : memref<128xi32, #tpu.memory_space<vmem>>, vector<16xi32>,
    %swap3A_114 = vector.shape_cast %swap3A_113 : vector<16xi32> to vector<16xi32>
    %swap3A_115 = vector.shape_cast %and3A_111 : vector<16xi32> to vector<16xi32>
    tpu.vector_store %arg7[%swap3A_112], %swap3A_115 {strides = array<i32>} : memref<128xi32, #tpu.memory_space<vmem>>, vector<16xi32>,
    %shift_right_arithmetic3A_116 = arith.constant 16 : i32
    %shift_right_arithmetic3A_117 = vector.broadcast %shift_right_arithmetic3A_116 : i32 to vector<16xi32>
    %shift_right_arithmetic3A_118 = arith.shrsi %get3A_108, %shift_right_arithmetic3A_117 : vector<16xi32>
    %swap3A_119 = arith.constant 80 : index
    %swap3A_120 = tpu.vector_load %arg9[%swap3A_119] {strides = array<i32>} : memref<128xi32, #tpu.memory_space<vmem>>, vector<16xi32>,
    %swap3A_121 = vector.shape_cast %swap3A_120 : vector<16xi32> to vector<16xi32>
    %swap3A_122 = vector.shape_cast %shift_right_arithmetic3A_118 : vector<16xi32> to vector<16xi32>
    tpu.vector_store %arg9[%swap3A_119], %swap3A_122 {strides = array<i32>} : memref<128xi32, #tpu.memory_space<vmem>>, vector<16xi32>,
    %get3A_123 = arith.constant 0 : i32
    %get3A_124 = arith.index_cast %get3A_123 : i32 to index
    %get3A_125 = arith.constant 96 : index
    %get3A_126 = tpu.vector_load %arg6[%get3A_124, %get3A_125] {strides = array<i32>} : memref<80x128xi32, #tpu.memory_space<vmem>>, vector<1x16xi32>,
    %get3A_127 = vector.shape_cast %get3A_126 : vector<1x16xi32> to vector<16xi32>
    %and3A_128 = arith.constant 65535 : i32
    %and3A_129 = vector.broadcast %and3A_128 : i32 to vector<16xi32>
    %and3A_130 = arith.andi %get3A_127, %and3A_129 : vector<16xi32>
    %swap3A_131 = arith.constant 96 : index
    %swap3A_132 = tpu.vector_load %arg7[%swap3A_131] {strides = array<i32>} : memref<128xi32, #tpu.memory_space<vmem>>, vector<16xi32>,
    %swap3A_133 = vector.shape_cast %swap3A_132 : vector<16xi32> to vector<16xi32>
    %swap3A_134 = vector.shape_cast %and3A_130 : vector<16xi32> to vector<16xi32>
    tpu.vector_store %arg7[%swap3A_131], %swap3A_134 {strides = array<i32>} : memref<128xi32, #tpu.memory_space<vmem>>, vector<16xi32>,
    %shift_right_arithmetic3A_135 = arith.constant 16 : i32
    %shift_right_arithmetic3A_136 = vector.broadcast %shift_right_arithmetic3A_135 : i32 to vector<16xi32>
    %shift_right_arithmetic3A_137 = arith.shrsi %get3A_127, %shift_right_arithmetic3A_136 : vector<16xi32>
    %swap3A_138 = arith.constant 96 : index
    %swap3A_139 = tpu.vector_load %arg9[%swap3A_138] {strides = array<i32>} : memref<128xi32, #tpu.memory_space<vmem>>, vector<16xi32>,
    %swap3A_140 = vector.shape_cast %swap3A_139 : vector<16xi32> to vector<16xi32>
    %swap3A_141 = vector.shape_cast %shift_right_arithmetic3A_137 : vector<16xi32> to vector<16xi32>
    tpu.vector_store %arg9[%swap3A_138], %swap3A_141 {strides = array<i32>} : memref<128xi32, #tpu.memory_space<vmem>>, vector<16xi32>,
    %get3A_142 = arith.constant 0 : i32
    %get3A_143 = arith.index_cast %get3A_142 : i32 to index
    %get3A_144 = arith.constant 112 : index
    %get3A_145 = tpu.vector_load %arg6[%get3A_143, %get3A_144] {strides = array<i32>} : memref<80x128xi32, #tpu.memory_space<vmem>>, vector<1x16xi32>,
    %get3A_146 = vector.shape_cast %get3A_145 : vector<1x16xi32> to vector<16xi32>
    %and3A_147 = arith.constant 65535 : i32
    %and3A_148 = vector.broadcast %and3A_147 : i32 to vector<16xi32>
    %and3A_149 = arith.andi %get3A_146, %and3A_148 : vector<16xi32>
    %swap3A_150 = arith.constant 112 : index
    %swap3A_151 = tpu.vector_load %arg7[%swap3A_150] {strides = array<i32>} : memref<128xi32, #tpu.memory_space<vmem>>, vector<16xi32>,
    %swap3A_152 = vector.shape_cast %swap3A_151 : vector<16xi32> to vector<16xi32>
    %swap3A_153 = vector.shape_cast %and3A_149 : vector<16xi32> to vector<16xi32>
    tpu.vector_store %arg7[%swap3A_150], %swap3A_153 {strides = array<i32>} : memref<128xi32, #tpu.memory_space<vmem>>, vector<16xi32>,
    %shift_right_arithmetic3A_154 = arith.constant 16 : i32
    %shift_right_arithmetic3A_155 = vector.broadcast %shift_right_arithmetic3A_154 : i32 to vector<16xi32>
    %shift_right_arithmetic3A_156 = arith.shrsi %get3A_146, %shift_right_arithmetic3A_155 : vector<16xi32>
    %swap3A_157 = arith.constant 112 : index
    %swap3A_158 = tpu.vector_load %arg9[%swap3A_157] {strides = array<i32>} : memref<128xi32, #tpu.memory_space<vmem>>, vector<16xi32>,
    %swap3A_159 = vector.shape_cast %swap3A_158 : vector<16xi32> to vector<16xi32>
    %swap3A_160 = vector.shape_cast %shift_right_arithmetic3A_156 : vector<16xi32> to vector<16xi32>
    tpu.vector_store %arg9[%swap3A_157], %swap3A_160 {strides = array<i32>} : memref<128xi32, #tpu.memory_space<vmem>>, vector<16xi32>,
    %dma_start3A = arith.constant 0 : i32
    %dma_start3A_161 = arith.constant 0 : i32
    %dma_start3A_162 = tpu.memref_slice %arg13[%dma_start3A, %dma_start3A_161] : memref<10000x16xf32, #tpu.memory_space<vmem_shared>> -> memref<10000x16xf32, #tpu.memory_space<vmem_shared>>
    tpu.enqueue_indirect_dma source(%dma_start3A_162 : memref<10000x16xf32, #tpu.memory_space<vmem_shared>>) target(%arg11 : memref<128x16xf32, #tpu.memory_space<vmem>>) offsets(%arg7 : memref<128xi32, #tpu.memory_space<vmem>>) semaphore(%arg15 : memref<!tpu.dma_semaphore, #tpu.memory_space<semaphore_mem>>)
    %scan3A = arith.constant 0 : i32
    %scan3A_163 = arith.constant 0 : i32
    %scan3A_164 = arith.constant 40 : i32
    %scan3A_165 = arith.addi %scan3A_163, %scan3A_164 : i32
    %scan3A_166 = arith.constant 1 : i32
    scf.for %scan3A_181 = %scan3A_163 to %scan3A_165 step %scan3A_166  : i32 {
      %mul3A_182 = arith.constant 2 : i32
      %mul3A_183 = arith.muli %scan3A_181, %mul3A_182 : i32
      %add3A_184 = arith.constant 0 : i32
      %add3A_185 = arith.addi %mul3A_183, %add3A_184 : i32
      %add3A_186 = arith.constant 1 : i32
      %add3A_187 = arith.addi %add3A_185, %add3A_186 : i32
      %lt3A = arith.constant 80 : i32
      %lt3A_188 = arith.cmpi slt, %add3A_187, %lt3A : i32
      %add3A_189 = arith.constant 1 : i32
      %add3A_190 = arith.addi %add3A_185, %add3A_189 : i32
      %jit3A = arith.constant 0 : i32
      %select_n3A = arith.select %lt3A_188, %add3A_190, %jit3A : i32
      %gt3A = arith.constant 0 : i32
      %gt3A_191 = arith.cmpi sgt, %scan3A_181, %gt3A : i32
      %convert_element_type3A = arith.extui %gt3A_191 : i1 to i32
      %cond3A = arith.constant 0 : i32
      %cond3A_192 = arith.cmpi ne, %convert_element_type3A, %cond3A : i32
      scf.if %cond3A_192 {
        %dma_wait3A_514 = arith.constant 0 : i32
        %dma_wait3A_515 = arith.constant 0 : i32
        %dma_wait3A_516 = tpu.memref_slice %arg14[%dma_wait3A_514, %dma_wait3A_515] : memref<10112x16xf32, #tpu.memory_space<vmem_shared>> -> memref<10112x16xf32, #tpu.memory_space<vmem_shared>>
        tpu.wait_indirect_dma semaphore(%arg18 : memref<!tpu.dma_semaphore, #tpu.memory_space<semaphore_mem>>) src(%arg12 : memref<128x16xf32, #tpu.memory_space<vmem>>) dst(%dma_wait3A_516 : memref<10112x16xf32, #tpu.memory_space<vmem_shared>>)
      } else {
      }
      %get3A_193 = arith.index_cast %select_n3A : i32 to index
      %get3A_194 = arith.constant 0 : index
      %get3A_195 = tpu.vector_load %arg6[%get3A_193, %get3A_194] {strides = array<i32>} : memref<80x128xi32, #tpu.memory_space<vmem>>, vector<1x16xi32>,
      %get3A_196 = vector.shape_cast %get3A_195 : vector<1x16xi32> to vector<16xi32>
      %and3A_197 = arith.constant 65535 : i32
      %and3A_198 = vector.broadcast %and3A_197 : i32 to vector<16xi32>
      %and3A_199 = arith.andi %get3A_196, %and3A_198 : vector<16xi32>
      %swap3A_200 = arith.constant 0 : index
      %swap3A_201 = tpu.vector_load %arg8[%swap3A_200] {strides = array<i32>} : memref<128xi32, #tpu.memory_space<vmem>>, vector<16xi32>,
      %swap3A_202 = vector.shape_cast %swap3A_201 : vector<16xi32> to vector<16xi32>
      %swap3A_203 = vector.shape_cast %and3A_199 : vector<16xi32> to vector<16xi32>
      tpu.vector_store %arg8[%swap3A_200], %swap3A_203 {strides = array<i32>} : memref<128xi32, #tpu.memory_space<vmem>>, vector<16xi32>,
      %shift_right_arithmetic3A_204 = arith.constant 16 : i32
      %shift_right_arithmetic3A_205 = vector.broadcast %shift_right_arithmetic3A_204 : i32 to vector<16xi32>
      %shift_right_arithmetic3A_206 = arith.shrsi %get3A_196, %shift_right_arithmetic3A_205 : vector<16xi32>
      %swap3A_207 = arith.constant 0 : index
      %swap3A_208 = tpu.vector_load %arg10[%swap3A_207] {strides = array<i32>} : memref<128xi32, #tpu.memory_space<vmem>>, vector<16xi32>,
      %swap3A_209 = vector.shape_cast %swap3A_208 : vector<16xi32> to vector<16xi32>
      %swap3A_210 = vector.shape_cast %shift_right_arithmetic3A_206 : vector<16xi32> to vector<16xi32>
      tpu.vector_store %arg10[%swap3A_207], %swap3A_210 {strides = array<i32>} : memref<128xi32, #tpu.memory_space<vmem>>, vector<16xi32>,
      %get3A_211 = arith.index_cast %select_n3A : i32 to index
      %get3A_212 = arith.constant 16 : index
      %get3A_213 = tpu.vector_load %arg6[%get3A_211, %get3A_212] {strides = array<i32>} : memref<80x128xi32, #tpu.memory_space<vmem>>, vector<1x16xi32>,
      %get3A_214 = vector.shape_cast %get3A_213 : vector<1x16xi32> to vector<16xi32>
      %and3A_215 = arith.constant 65535 : i32
      %and3A_216 = vector.broadcast %and3A_215 : i32 to vector<16xi32>
      %and3A_217 = arith.andi %get3A_214, %and3A_216 : vector<16xi32>
      %swap3A_218 = arith.constant 16 : index
      %swap3A_219 = tpu.vector_load %arg8[%swap3A_218] {strides = array<i32>} : memref<128xi32, #tpu.memory_space<vmem>>, vector<16xi32>,
      %swap3A_220 = vector.shape_cast %swap3A_219 : vector<16xi32> to vector<16xi32>
      %swap3A_221 = vector.shape_cast %and3A_217 : vector<16xi32> to vector<16xi32>
      tpu.vector_store %arg8[%swap3A_218], %swap3A_221 {strides = array<i32>} : memref<128xi32, #tpu.memory_space<vmem>>, vector<16xi32>,
      %shift_right_arithmetic3A_222 = arith.constant 16 : i32
      %shift_right_arithmetic3A_223 = vector.broadcast %shift_right_arithmetic3A_222 : i32 to vector<16xi32>
      %shift_right_arithmetic3A_224 = arith.shrsi %get3A_214, %shift_right_arithmetic3A_223 : vector<16xi32>
      %swap3A_225 = arith.constant 16 : index
      %swap3A_226 = tpu.vector_load %arg10[%swap3A_225] {strides = array<i32>} : memref<128xi32, #tpu.memory_space<vmem>>, vector<16xi32>,
      %swap3A_227 = vector.shape_cast %swap3A_226 : vector<16xi32> to vector<16xi32>
      %swap3A_228 = vector.shape_cast %shift_right_arithmetic3A_224 : vector<16xi32> to vector<16xi32>
      tpu.vector_store %arg10[%swap3A_225], %swap3A_228 {strides = array<i32>} : memref<128xi32, #tpu.memory_space<vmem>>, vector<16xi32>,
      %get3A_229 = arith.index_cast %select_n3A : i32 to index
      %get3A_230 = arith.constant 32 : index
      %get3A_231 = tpu.vector_load %arg6[%get3A_229, %get3A_230] {strides = array<i32>} : memref<80x128xi32, #tpu.memory_space<vmem>>, vector<1x16xi32>,
      %get3A_232 = vector.shape_cast %get3A_231 : vector<1x16xi32> to vector<16xi32>
      %and3A_233 = arith.constant 65535 : i32
      %and3A_234 = vector.broadcast %and3A_233 : i32 to vector<16xi32>
      %and3A_235 = arith.andi %get3A_232, %and3A_234 : vector<16xi32>
      %swap3A_236 = arith.constant 32 : index
      %swap3A_237 = tpu.vector_load %arg8[%swap3A_236] {strides = array<i32>} : memref<128xi32, #tpu.memory_space<vmem>>, vector<16xi32>,
      %swap3A_238 = vector.shape_cast %swap3A_237 : vector<16xi32> to vector<16xi32>
      %swap3A_239 = vector.shape_cast %and3A_235 : vector<16xi32> to vector<16xi32>
      tpu.vector_store %arg8[%swap3A_236], %swap3A_239 {strides = array<i32>} : memref<128xi32, #tpu.memory_space<vmem>>, vector<16xi32>,
      %shift_right_arithmetic3A_240 = arith.constant 16 : i32
      %shift_right_arithmetic3A_241 = vector.broadcast %shift_right_arithmetic3A_240 : i32 to vector<16xi32>
      %shift_right_arithmetic3A_242 = arith.shrsi %get3A_232, %shift_right_arithmetic3A_241 : vector<16xi32>
      %swap3A_243 = arith.constant 32 : index
      %swap3A_244 = tpu.vector_load %arg10[%swap3A_243] {strides = array<i32>} : memref<128xi32, #tpu.memory_space<vmem>>, vector<16xi32>,
      %swap3A_245 = vector.shape_cast %swap3A_244 : vector<16xi32> to vector<16xi32>
      %swap3A_246 = vector.shape_cast %shift_right_arithmetic3A_242 : vector<16xi32> to vector<16xi32>
      tpu.vector_store %arg10[%swap3A_243], %swap3A_246 {strides = array<i32>} : memref<128xi32, #tpu.memory_space<vmem>>, vector<16xi32>,
      %get3A_247 = arith.index_cast %select_n3A : i32 to index
      %get3A_248 = arith.constant 48 : index
      %get3A_249 = tpu.vector_load %arg6[%get3A_247, %get3A_248] {strides = array<i32>} : memref<80x128xi32, #tpu.memory_space<vmem>>, vector<1x16xi32>,
      %get3A_250 = vector.shape_cast %get3A_249 : vector<1x16xi32> to vector<16xi32>
      %and3A_251 = arith.constant 65535 : i32
      %and3A_252 = vector.broadcast %and3A_251 : i32 to vector<16xi32>
      %and3A_253 = arith.andi %get3A_250, %and3A_252 : vector<16xi32>
      %swap3A_254 = arith.constant 48 : index
      %swap3A_255 = tpu.vector_load %arg8[%swap3A_254] {strides = array<i32>} : memref<128xi32, #tpu.memory_space<vmem>>, vector<16xi32>,
      %swap3A_256 = vector.shape_cast %swap3A_255 : vector<16xi32> to vector<16xi32>
      %swap3A_257 = vector.shape_cast %and3A_253 : vector<16xi32> to vector<16xi32>
      tpu.vector_store %arg8[%swap3A_254], %swap3A_257 {strides = array<i32>} : memref<128xi32, #tpu.memory_space<vmem>>, vector<16xi32>,
      %shift_right_arithmetic3A_258 = arith.constant 16 : i32
      %shift_right_arithmetic3A_259 = vector.broadcast %shift_right_arithmetic3A_258 : i32 to vector<16xi32>
      %shift_right_arithmetic3A_260 = arith.shrsi %get3A_250, %shift_right_arithmetic3A_259 : vector<16xi32>
      %swap3A_261 = arith.constant 48 : index
      %swap3A_262 = tpu.vector_load %arg10[%swap3A_261] {strides = array<i32>} : memref<128xi32, #tpu.memory_space<vmem>>, vector<16xi32>,
      %swap3A_263 = vector.shape_cast %swap3A_262 : vector<16xi32> to vector<16xi32>
      %swap3A_264 = vector.shape_cast %shift_right_arithmetic3A_260 : vector<16xi32> to vector<16xi32>
      tpu.vector_store %arg10[%swap3A_261], %swap3A_264 {strides = array<i32>} : memref<128xi32, #tpu.memory_space<vmem>>, vector<16xi32>,
      %get3A_265 = arith.index_cast %select_n3A : i32 to index
      %get3A_266 = arith.constant 64 : index
      %get3A_267 = tpu.vector_load %arg6[%get3A_265, %get3A_266] {strides = array<i32>} : memref<80x128xi32, #tpu.memory_space<vmem>>, vector<1x16xi32>,
      %get3A_268 = vector.shape_cast %get3A_267 : vector<1x16xi32> to vector<16xi32>
      %and3A_269 = arith.constant 65535 : i32
      %and3A_270 = vector.broadcast %and3A_269 : i32 to vector<16xi32>
      %and3A_271 = arith.andi %get3A_268, %and3A_270 : vector<16xi32>
      %swap3A_272 = arith.constant 64 : index
      %swap3A_273 = tpu.vector_load %arg8[%swap3A_272] {strides = array<i32>} : memref<128xi32, #tpu.memory_space<vmem>>, vector<16xi32>,
      %swap3A_274 = vector.shape_cast %swap3A_273 : vector<16xi32> to vector<16xi32>
      %swap3A_275 = vector.shape_cast %and3A_271 : vector<16xi32> to vector<16xi32>
      tpu.vector_store %arg8[%swap3A_272], %swap3A_275 {strides = array<i32>} : memref<128xi32, #tpu.memory_space<vmem>>, vector<16xi32>,
      %shift_right_arithmetic3A_276 = arith.constant 16 : i32
      %shift_right_arithmetic3A_277 = vector.broadcast %shift_right_arithmetic3A_276 : i32 to vector<16xi32>
      %shift_right_arithmetic3A_278 = arith.shrsi %get3A_268, %shift_right_arithmetic3A_277 : vector<16xi32>
      %swap3A_279 = arith.constant 64 : index
      %swap3A_280 = tpu.vector_load %arg10[%swap3A_279] {strides = array<i32>} : memref<128xi32, #tpu.memory_space<vmem>>, vector<16xi32>,
      %swap3A_281 = vector.shape_cast %swap3A_280 : vector<16xi32> to vector<16xi32>
      %swap3A_282 = vector.shape_cast %shift_right_arithmetic3A_278 : vector<16xi32> to vector<16xi32>
      tpu.vector_store %arg10[%swap3A_279], %swap3A_282 {strides = array<i32>} : memref<128xi32, #tpu.memory_space<vmem>>, vector<16xi32>,
      %get3A_283 = arith.index_cast %select_n3A : i32 to index
      %get3A_284 = arith.constant 80 : index
      %get3A_285 = tpu.vector_load %arg6[%get3A_283, %get3A_284] {strides = array<i32>} : memref<80x128xi32, #tpu.memory_space<vmem>>, vector<1x16xi32>,
      %get3A_286 = vector.shape_cast %get3A_285 : vector<1x16xi32> to vector<16xi32>
      %and3A_287 = arith.constant 65535 : i32
      %and3A_288 = vector.broadcast %and3A_287 : i32 to vector<16xi32>
      %and3A_289 = arith.andi %get3A_286, %and3A_288 : vector<16xi32>
      %swap3A_290 = arith.constant 80 : index
      %swap3A_291 = tpu.vector_load %arg8[%swap3A_290] {strides = array<i32>} : memref<128xi32, #tpu.memory_space<vmem>>, vector<16xi32>,
      %swap3A_292 = vector.shape_cast %swap3A_291 : vector<16xi32> to vector<16xi32>
      %swap3A_293 = vector.shape_cast %and3A_289 : vector<16xi32> to vector<16xi32>
      tpu.vector_store %arg8[%swap3A_290], %swap3A_293 {strides = array<i32>} : memref<128xi32, #tpu.memory_space<vmem>>, vector<16xi32>,
      %shift_right_arithmetic3A_294 = arith.constant 16 : i32
      %shift_right_arithmetic3A_295 = vector.broadcast %shift_right_arithmetic3A_294 : i32 to vector<16xi32>
      %shift_right_arithmetic3A_296 = arith.shrsi %get3A_286, %shift_right_arithmetic3A_295 : vector<16xi32>
      %swap3A_297 = arith.constant 80 : index
      %swap3A_298 = tpu.vector_load %arg10[%swap3A_297] {strides = array<i32>} : memref<128xi32, #tpu.memory_space<vmem>>, vector<16xi32>,
      %swap3A_299 = vector.shape_cast %swap3A_298 : vector<16xi32> to vector<16xi32>
      %swap3A_300 = vector.shape_cast %shift_right_arithmetic3A_296 : vector<16xi32> to vector<16xi32>
      tpu.vector_store %arg10[%swap3A_297], %swap3A_300 {strides = array<i32>} : memref<128xi32, #tpu.memory_space<vmem>>, vector<16xi32>,
      %get3A_301 = arith.index_cast %select_n3A : i32 to index
      %get3A_302 = arith.constant 96 : index
      %get3A_303 = tpu.vector_load %arg6[%get3A_301, %get3A_302] {strides = array<i32>} : memref<80x128xi32, #tpu.memory_space<vmem>>, vector<1x16xi32>,
      %get3A_304 = vector.shape_cast %get3A_303 : vector<1x16xi32> to vector<16xi32>
      %and3A_305 = arith.constant 65535 : i32
      %and3A_306 = vector.broadcast %and3A_305 : i32 to vector<16xi32>
      %and3A_307 = arith.andi %get3A_304, %and3A_306 : vector<16xi32>
      %swap3A_308 = arith.constant 96 : index
      %swap3A_309 = tpu.vector_load %arg8[%swap3A_308] {strides = array<i32>} : memref<128xi32, #tpu.memory_space<vmem>>, vector<16xi32>,
      %swap3A_310 = vector.shape_cast %swap3A_309 : vector<16xi32> to vector<16xi32>
      %swap3A_311 = vector.shape_cast %and3A_307 : vector<16xi32> to vector<16xi32>
      tpu.vector_store %arg8[%swap3A_308], %swap3A_311 {strides = array<i32>} : memref<128xi32, #tpu.memory_space<vmem>>, vector<16xi32>,
      %shift_right_arithmetic3A_312 = arith.constant 16 : i32
      %shift_right_arithmetic3A_313 = vector.broadcast %shift_right_arithmetic3A_312 : i32 to vector<16xi32>
      %shift_right_arithmetic3A_314 = arith.shrsi %get3A_304, %shift_right_arithmetic3A_313 : vector<16xi32>
      %swap3A_315 = arith.constant 96 : index
      %swap3A_316 = tpu.vector_load %arg10[%swap3A_315] {strides = array<i32>} : memref<128xi32, #tpu.memory_space<vmem>>, vector<16xi32>,
      %swap3A_317 = vector.shape_cast %swap3A_316 : vector<16xi32> to vector<16xi32>
      %swap3A_318 = vector.shape_cast %shift_right_arithmetic3A_314 : vector<16xi32> to vector<16xi32>
      tpu.vector_store %arg10[%swap3A_315], %swap3A_318 {strides = array<i32>} : memref<128xi32, #tpu.memory_space<vmem>>, vector<16xi32>,
      %get3A_319 = arith.index_cast %select_n3A : i32 to index
      %get3A_320 = arith.constant 112 : index
      %get3A_321 = tpu.vector_load %arg6[%get3A_319, %get3A_320] {strides = array<i32>} : memref<80x128xi32, #tpu.memory_space<vmem>>, vector<1x16xi32>,
      %get3A_322 = vector.shape_cast %get3A_321 : vector<1x16xi32> to vector<16xi32>
      %and3A_323 = arith.constant 65535 : i32
      %and3A_324 = vector.broadcast %and3A_323 : i32 to vector<16xi32>
      %and3A_325 = arith.andi %get3A_322, %and3A_324 : vector<16xi32>
      %swap3A_326 = arith.constant 112 : index
      %swap3A_327 = tpu.vector_load %arg8[%swap3A_326] {strides = array<i32>} : memref<128xi32, #tpu.memory_space<vmem>>, vector<16xi32>,
      %swap3A_328 = vector.shape_cast %swap3A_327 : vector<16xi32> to vector<16xi32>
      %swap3A_329 = vector.shape_cast %and3A_325 : vector<16xi32> to vector<16xi32>
      tpu.vector_store %arg8[%swap3A_326], %swap3A_329 {strides = array<i32>} : memref<128xi32, #tpu.memory_space<vmem>>, vector<16xi32>,
      %shift_right_arithmetic3A_330 = arith.constant 16 : i32
      %shift_right_arithmetic3A_331 = vector.broadcast %shift_right_arithmetic3A_330 : i32 to vector<16xi32>
      %shift_right_arithmetic3A_332 = arith.shrsi %get3A_322, %shift_right_arithmetic3A_331 : vector<16xi32>
      %swap3A_333 = arith.constant 112 : index
      %swap3A_334 = tpu.vector_load %arg10[%swap3A_333] {strides = array<i32>} : memref<128xi32, #tpu.memory_space<vmem>>, vector<16xi32>,
      %swap3A_335 = vector.shape_cast %swap3A_334 : vector<16xi32> to vector<16xi32>
      %swap3A_336 = vector.shape_cast %shift_right_arithmetic3A_332 : vector<16xi32> to vector<16xi32>
      tpu.vector_store %arg10[%swap3A_333], %swap3A_336 {strides = array<i32>} : memref<128xi32, #tpu.memory_space<vmem>>, vector<16xi32>,
      %dma_start3A_337 = arith.constant 0 : i32
      %dma_start3A_338 = arith.constant 0 : i32
      %dma_start3A_339 = tpu.memref_slice %arg13[%dma_start3A_337, %dma_start3A_338] : memref<10000x16xf32, #tpu.memory_space<vmem_shared>> -> memref<10000x16xf32, #tpu.memory_space<vmem_shared>>
      tpu.enqueue_indirect_dma source(%dma_start3A_339 : memref<10000x16xf32, #tpu.memory_space<vmem_shared>>) target(%arg12 : memref<128x16xf32, #tpu.memory_space<vmem>>) offsets(%arg8 : memref<128xi32, #tpu.memory_space<vmem>>) semaphore(%arg16 : memref<!tpu.dma_semaphore, #tpu.memory_space<semaphore_mem>>)
      %dma_wait3A_340 = arith.constant 0 : i32
      %dma_wait3A_341 = arith.constant 0 : i32
      %dma_wait3A_342 = tpu.memref_slice %arg13[%dma_wait3A_340, %dma_wait3A_341] : memref<10000x16xf32, #tpu.memory_space<vmem_shared>> -> memref<10000x16xf32, #tpu.memory_space<vmem_shared>>
      tpu.wait_indirect_dma semaphore(%arg15 : memref<!tpu.dma_semaphore, #tpu.memory_space<semaphore_mem>>) src(%dma_wait3A_342 : memref<10000x16xf32, #tpu.memory_space<vmem_shared>>) dst(%arg11 : memref<128x16xf32, #tpu.memory_space<vmem>>)
      %dma_start3A_343 = arith.constant 0 : i32
      %dma_start3A_344 = arith.constant 0 : i32
      %dma_start3A_345 = tpu.memref_slice %arg14[%dma_start3A_343, %dma_start3A_344] : memref<10112x16xf32, #tpu.memory_space<vmem_shared>> -> memref<10112x16xf32, #tpu.memory_space<vmem_shared>>
      tpu.enqueue_indirect_dma source(%arg11 : memref<128x16xf32, #tpu.memory_space<vmem>>) target(%dma_start3A_345 : memref<10112x16xf32, #tpu.memory_space<vmem_shared>>) offsets(%arg9 : memref<128xi32, #tpu.memory_space<vmem>>) semaphore(%arg17 : memref<!tpu.dma_semaphore, #tpu.memory_space<semaphore_mem>>) {add = true}
      %mul3A_346 = arith.constant 2 : i32
      %mul3A_347 = arith.muli %scan3A_181, %mul3A_346 : i32
      %add3A_348 = arith.constant 1 : i32
      %add3A_349 = arith.addi %mul3A_347, %add3A_348 : i32
      %add3A_350 = arith.constant 1 : i32
      %add3A_351 = arith.addi %add3A_349, %add3A_350 : i32
      %lt3A_352 = arith.constant 80 : i32
      %lt3A_353 = arith.cmpi slt, %add3A_351, %lt3A_352 : i32
      %add3A_354 = arith.constant 1 : i32
      %add3A_355 = arith.addi %add3A_349, %add3A_354 : i32
      %jit3A_356 = arith.constant 0 : i32
      %select_n3A_357 = arith.select %lt3A_353, %add3A_355, %jit3A_356 : i32
      %dma_wait3A_358 = arith.constant 0 : i32
      %dma_wait3A_359 = arith.constant 0 : i32
      %dma_wait3A_360 = tpu.memref_slice %arg14[%dma_wait3A_358, %dma_wait3A_359] : memref<10112x16xf32, #tpu.memory_space<vmem_shared>> -> memref<10112x16xf32, #tpu.memory_space<vmem_shared>>
      tpu.wait_indirect_dma semaphore(%arg17 : memref<!tpu.dma_semaphore, #tpu.memory_space<semaphore_mem>>) src(%arg11 : memref<128x16xf32, #tpu.memory_space<vmem>>) dst(%dma_wait3A_360 : memref<10112x16xf32, #tpu.memory_space<vmem_shared>>)
      %get3A_361 = arith.index_cast %select_n3A_357 : i32 to index
      %get3A_362 = arith.constant 0 : index
      %get3A_363 = tpu.vector_load %arg6[%get3A_361, %get3A_362] {strides = array<i32>} : memref<80x128xi32, #tpu.memory_space<vmem>>, vector<1x16xi32>,
      %get3A_364 = vector.shape_cast %get3A_363 : vector<1x16xi32> to vector<16xi32>
      %and3A_365 = arith.constant 65535 : i32
      %and3A_366 = vector.broadcast %and3A_365 : i32 to vector<16xi32>
      %and3A_367 = arith.andi %get3A_364, %and3A_366 : vector<16xi32>
      %swap3A_368 = arith.constant 0 : index
      %swap3A_369 = tpu.vector_load %arg7[%swap3A_368] {strides = array<i32>} : memref<128xi32, #tpu.memory_space<vmem>>, vector<16xi32>,
      %swap3A_370 = vector.shape_cast %swap3A_369 : vector<16xi32> to vector<16xi32>
      %swap3A_371 = vector.shape_cast %and3A_367 : vector<16xi32> to vector<16xi32>
      tpu.vector_store %arg7[%swap3A_368], %swap3A_371 {strides = array<i32>} : memref<128xi32, #tpu.memory_space<vmem>>, vector<16xi32>,
      %shift_right_arithmetic3A_372 = arith.constant 16 : i32
      %shift_right_arithmetic3A_373 = vector.broadcast %shift_right_arithmetic3A_372 : i32 to vector<16xi32>
      %shift_right_arithmetic3A_374 = arith.shrsi %get3A_364, %shift_right_arithmetic3A_373 : vector<16xi32>
      %swap3A_375 = arith.constant 0 : index
      %swap3A_376 = tpu.vector_load %arg9[%swap3A_375] {strides = array<i32>} : memref<128xi32, #tpu.memory_space<vmem>>, vector<16xi32>,
      %swap3A_377 = vector.shape_cast %swap3A_376 : vector<16xi32> to vector<16xi32>
      %swap3A_378 = vector.shape_cast %shift_right_arithmetic3A_374 : vector<16xi32> to vector<16xi32>
      tpu.vector_store %arg9[%swap3A_375], %swap3A_378 {strides = array<i32>} : memref<128xi32, #tpu.memory_space<vmem>>, vector<16xi32>,
      %get3A_379 = arith.index_cast %select_n3A_357 : i32 to index
      %get3A_380 = arith.constant 16 : index
      %get3A_381 = tpu.vector_load %arg6[%get3A_379, %get3A_380] {strides = array<i32>} : memref<80x128xi32, #tpu.memory_space<vmem>>, vector<1x16xi32>,
      %get3A_382 = vector.shape_cast %get3A_381 : vector<1x16xi32> to vector<16xi32>
      %and3A_383 = arith.constant 65535 : i32
      %and3A_384 = vector.broadcast %and3A_383 : i32 to vector<16xi32>
      %and3A_385 = arith.andi %get3A_382, %and3A_384 : vector<16xi32>
      %swap3A_386 = arith.constant 16 : index
      %swap3A_387 = tpu.vector_load %arg7[%swap3A_386] {strides = array<i32>} : memref<128xi32, #tpu.memory_space<vmem>>, vector<16xi32>,
      %swap3A_388 = vector.shape_cast %swap3A_387 : vector<16xi32> to vector<16xi32>
      %swap3A_389 = vector.shape_cast %and3A_385 : vector<16xi32> to vector<16xi32>
      tpu.vector_store %arg7[%swap3A_386], %swap3A_389 {strides = array<i32>} : memref<128xi32, #tpu.memory_space<vmem>>, vector<16xi32>,
      %shift_right_arithmetic3A_390 = arith.constant 16 : i32
      %shift_right_arithmetic3A_391 = vector.broadcast %shift_right_arithmetic3A_390 : i32 to vector<16xi32>
      %shift_right_arithmetic3A_392 = arith.shrsi %get3A_382, %shift_right_arithmetic3A_391 : vector<16xi32>
      %swap3A_393 = arith.constant 16 : index
      %swap3A_394 = tpu.vector_load %arg9[%swap3A_393] {strides = array<i32>} : memref<128xi32, #tpu.memory_space<vmem>>, vector<16xi32>,
      %swap3A_395 = vector.shape_cast %swap3A_394 : vector<16xi32> to vector<16xi32>
      %swap3A_396 = vector.shape_cast %shift_right_arithmetic3A_392 : vector<16xi32> to vector<16xi32>
      tpu.vector_store %arg9[%swap3A_393], %swap3A_396 {strides = array<i32>} : memref<128xi32, #tpu.memory_space<vmem>>, vector<16xi32>,
      %get3A_397 = arith.index_cast %select_n3A_357 : i32 to index
      %get3A_398 = arith.constant 32 : index
      %get3A_399 = tpu.vector_load %arg6[%get3A_397, %get3A_398] {strides = array<i32>} : memref<80x128xi32, #tpu.memory_space<vmem>>, vector<1x16xi32>,
      %get3A_400 = vector.shape_cast %get3A_399 : vector<1x16xi32> to vector<16xi32>
      %and3A_401 = arith.constant 65535 : i32
      %and3A_402 = vector.broadcast %and3A_401 : i32 to vector<16xi32>
      %and3A_403 = arith.andi %get3A_400, %and3A_402 : vector<16xi32>
      %swap3A_404 = arith.constant 32 : index
      %swap3A_405 = tpu.vector_load %arg7[%swap3A_404] {strides = array<i32>} : memref<128xi32, #tpu.memory_space<vmem>>, vector<16xi32>,
      %swap3A_406 = vector.shape_cast %swap3A_405 : vector<16xi32> to vector<16xi32>
      %swap3A_407 = vector.shape_cast %and3A_403 : vector<16xi32> to vector<16xi32>
      tpu.vector_store %arg7[%swap3A_404], %swap3A_407 {strides = array<i32>} : memref<128xi32, #tpu.memory_space<vmem>>, vector<16xi32>,
      %shift_right_arithmetic3A_408 = arith.constant 16 : i32
      %shift_right_arithmetic3A_409 = vector.broadcast %shift_right_arithmetic3A_408 : i32 to vector<16xi32>
      %shift_right_arithmetic3A_410 = arith.shrsi %get3A_400, %shift_right_arithmetic3A_409 : vector<16xi32>
      %swap3A_411 = arith.constant 32 : index
      %swap3A_412 = tpu.vector_load %arg9[%swap3A_411] {strides = array<i32>} : memref<128xi32, #tpu.memory_space<vmem>>, vector<16xi32>,
      %swap3A_413 = vector.shape_cast %swap3A_412 : vector<16xi32> to vector<16xi32>
      %swap3A_414 = vector.shape_cast %shift_right_arithmetic3A_410 : vector<16xi32> to vector<16xi32>
      tpu.vector_store %arg9[%swap3A_411], %swap3A_414 {strides = array<i32>} : memref<128xi32, #tpu.memory_space<vmem>>, vector<16xi32>,
      %get3A_415 = arith.index_cast %select_n3A_357 : i32 to index
      %get3A_416 = arith.constant 48 : index
      %get3A_417 = tpu.vector_load %arg6[%get3A_415, %get3A_416] {strides = array<i32>} : memref<80x128xi32, #tpu.memory_space<vmem>>, vector<1x16xi32>,
      %get3A_418 = vector.shape_cast %get3A_417 : vector<1x16xi32> to vector<16xi32>
      %and3A_419 = arith.constant 65535 : i32
      %and3A_420 = vector.broadcast %and3A_419 : i32 to vector<16xi32>
      %and3A_421 = arith.andi %get3A_418, %and3A_420 : vector<16xi32>
      %swap3A_422 = arith.constant 48 : index
      %swap3A_423 = tpu.vector_load %arg7[%swap3A_422] {strides = array<i32>} : memref<128xi32, #tpu.memory_space<vmem>>, vector<16xi32>,
      %swap3A_424 = vector.shape_cast %swap3A_423 : vector<16xi32> to vector<16xi32>
      %swap3A_425 = vector.shape_cast %and3A_421 : vector<16xi32> to vector<16xi32>
      tpu.vector_store %arg7[%swap3A_422], %swap3A_425 {strides = array<i32>} : memref<128xi32, #tpu.memory_space<vmem>>, vector<16xi32>,
      %shift_right_arithmetic3A_426 = arith.constant 16 : i32
      %shift_right_arithmetic3A_427 = vector.broadcast %shift_right_arithmetic3A_426 : i32 to vector<16xi32>
      %shift_right_arithmetic3A_428 = arith.shrsi %get3A_418, %shift_right_arithmetic3A_427 : vector<16xi32>
      %swap3A_429 = arith.constant 48 : index
      %swap3A_430 = tpu.vector_load %arg9[%swap3A_429] {strides = array<i32>} : memref<128xi32, #tpu.memory_space<vmem>>, vector<16xi32>,
      %swap3A_431 = vector.shape_cast %swap3A_430 : vector<16xi32> to vector<16xi32>
      %swap3A_432 = vector.shape_cast %shift_right_arithmetic3A_428 : vector<16xi32> to vector<16xi32>
      tpu.vector_store %arg9[%swap3A_429], %swap3A_432 {strides = array<i32>} : memref<128xi32, #tpu.memory_space<vmem>>, vector<16xi32>,
      %get3A_433 = arith.index_cast %select_n3A_357 : i32 to index
      %get3A_434 = arith.constant 64 : index
      %get3A_435 = tpu.vector_load %arg6[%get3A_433, %get3A_434] {strides = array<i32>} : memref<80x128xi32, #tpu.memory_space<vmem>>, vector<1x16xi32>,
      %get3A_436 = vector.shape_cast %get3A_435 : vector<1x16xi32> to vector<16xi32>
      %and3A_437 = arith.constant 65535 : i32
      %and3A_438 = vector.broadcast %and3A_437 : i32 to vector<16xi32>
      %and3A_439 = arith.andi %get3A_436, %and3A_438 : vector<16xi32>
      %swap3A_440 = arith.constant 64 : index
      %swap3A_441 = tpu.vector_load %arg7[%swap3A_440] {strides = array<i32>} : memref<128xi32, #tpu.memory_space<vmem>>, vector<16xi32>,
      %swap3A_442 = vector.shape_cast %swap3A_441 : vector<16xi32> to vector<16xi32>
      %swap3A_443 = vector.shape_cast %and3A_439 : vector<16xi32> to vector<16xi32>
      tpu.vector_store %arg7[%swap3A_440], %swap3A_443 {strides = array<i32>} : memref<128xi32, #tpu.memory_space<vmem>>, vector<16xi32>,
      %shift_right_arithmetic3A_444 = arith.constant 16 : i32
      %shift_right_arithmetic3A_445 = vector.broadcast %shift_right_arithmetic3A_444 : i32 to vector<16xi32>
      %shift_right_arithmetic3A_446 = arith.shrsi %get3A_436, %shift_right_arithmetic3A_445 : vector<16xi32>
      %swap3A_447 = arith.constant 64 : index
      %swap3A_448 = tpu.vector_load %arg9[%swap3A_447] {strides = array<i32>} : memref<128xi32, #tpu.memory_space<vmem>>, vector<16xi32>,
      %swap3A_449 = vector.shape_cast %swap3A_448 : vector<16xi32> to vector<16xi32>
      %swap3A_450 = vector.shape_cast %shift_right_arithmetic3A_446 : vector<16xi32> to vector<16xi32>
      tpu.vector_store %arg9[%swap3A_447], %swap3A_450 {strides = array<i32>} : memref<128xi32, #tpu.memory_space<vmem>>, vector<16xi32>,
      %get3A_451 = arith.index_cast %select_n3A_357 : i32 to index
      %get3A_452 = arith.constant 80 : index
      %get3A_453 = tpu.vector_load %arg6[%get3A_451, %get3A_452] {strides = array<i32>} : memref<80x128xi32, #tpu.memory_space<vmem>>, vector<1x16xi32>,
      %get3A_454 = vector.shape_cast %get3A_453 : vector<1x16xi32> to vector<16xi32>
      %and3A_455 = arith.constant 65535 : i32
      %and3A_456 = vector.broadcast %and3A_455 : i32 to vector<16xi32>
      %and3A_457 = arith.andi %get3A_454, %and3A_456 : vector<16xi32>
      %swap3A_458 = arith.constant 80 : index
      %swap3A_459 = tpu.vector_load %arg7[%swap3A_458] {strides = array<i32>} : memref<128xi32, #tpu.memory_space<vmem>>, vector<16xi32>,
      %swap3A_460 = vector.shape_cast %swap3A_459 : vector<16xi32> to vector<16xi32>
      %swap3A_461 = vector.shape_cast %and3A_457 : vector<16xi32> to vector<16xi32>
      tpu.vector_store %arg7[%swap3A_458], %swap3A_461 {strides = array<i32>} : memref<128xi32, #tpu.memory_space<vmem>>, vector<16xi32>,
      %shift_right_arithmetic3A_462 = arith.constant 16 : i32
      %shift_right_arithmetic3A_463 = vector.broadcast %shift_right_arithmetic3A_462 : i32 to vector<16xi32>
      %shift_right_arithmetic3A_464 = arith.shrsi %get3A_454, %shift_right_arithmetic3A_463 : vector<16xi32>
      %swap3A_465 = arith.constant 80 : index
      %swap3A_466 = tpu.vector_load %arg9[%swap3A_465] {strides = array<i32>} : memref<128xi32, #tpu.memory_space<vmem>>, vector<16xi32>,
      %swap3A_467 = vector.shape_cast %swap3A_466 : vector<16xi32> to vector<16xi32>
      %swap3A_468 = vector.shape_cast %shift_right_arithmetic3A_464 : vector<16xi32> to vector<16xi32>
      tpu.vector_store %arg9[%swap3A_465], %swap3A_468 {strides = array<i32>} : memref<128xi32, #tpu.memory_space<vmem>>, vector<16xi32>,
      %get3A_469 = arith.index_cast %select_n3A_357 : i32 to index
      %get3A_470 = arith.constant 96 : index
      %get3A_471 = tpu.vector_load %arg6[%get3A_469, %get3A_470] {strides = array<i32>} : memref<80x128xi32, #tpu.memory_space<vmem>>, vector<1x16xi32>,
      %get3A_472 = vector.shape_cast %get3A_471 : vector<1x16xi32> to vector<16xi32>
      %and3A_473 = arith.constant 65535 : i32
      %and3A_474 = vector.broadcast %and3A_473 : i32 to vector<16xi32>
      %and3A_475 = arith.andi %get3A_472, %and3A_474 : vector<16xi32>
      %swap3A_476 = arith.constant 96 : index
      %swap3A_477 = tpu.vector_load %arg7[%swap3A_476] {strides = array<i32>} : memref<128xi32, #tpu.memory_space<vmem>>, vector<16xi32>,
      %swap3A_478 = vector.shape_cast %swap3A_477 : vector<16xi32> to vector<16xi32>
      %swap3A_479 = vector.shape_cast %and3A_475 : vector<16xi32> to vector<16xi32>
      tpu.vector_store %arg7[%swap3A_476], %swap3A_479 {strides = array<i32>} : memref<128xi32, #tpu.memory_space<vmem>>, vector<16xi32>,
      %shift_right_arithmetic3A_480 = arith.constant 16 : i32
      %shift_right_arithmetic3A_481 = vector.broadcast %shift_right_arithmetic3A_480 : i32 to vector<16xi32>
      %shift_right_arithmetic3A_482 = arith.shrsi %get3A_472, %shift_right_arithmetic3A_481 : vector<16xi32>
      %swap3A_483 = arith.constant 96 : index
      %swap3A_484 = tpu.vector_load %arg9[%swap3A_483] {strides = array<i32>} : memref<128xi32, #tpu.memory_space<vmem>>, vector<16xi32>,
      %swap3A_485 = vector.shape_cast %swap3A_484 : vector<16xi32> to vector<16xi32>
      %swap3A_486 = vector.shape_cast %shift_right_arithmetic3A_482 : vector<16xi32> to vector<16xi32>
      tpu.vector_store %arg9[%swap3A_483], %swap3A_486 {strides = array<i32>} : memref<128xi32, #tpu.memory_space<vmem>>, vector<16xi32>,
      %get3A_487 = arith.index_cast %select_n3A_357 : i32 to index
      %get3A_488 = arith.constant 112 : index
      %get3A_489 = tpu.vector_load %arg6[%get3A_487, %get3A_488] {strides = array<i32>} : memref<80x128xi32, #tpu.memory_space<vmem>>, vector<1x16xi32>,
      %get3A_490 = vector.shape_cast %get3A_489 : vector<1x16xi32> to vector<16xi32>
      %and3A_491 = arith.constant 65535 : i32
      %and3A_492 = vector.broadcast %and3A_491 : i32 to vector<16xi32>
      %and3A_493 = arith.andi %get3A_490, %and3A_492 : vector<16xi32>
      %swap3A_494 = arith.constant 112 : index
      %swap3A_495 = tpu.vector_load %arg7[%swap3A_494] {strides = array<i32>} : memref<128xi32, #tpu.memory_space<vmem>>, vector<16xi32>,
      %swap3A_496 = vector.shape_cast %swap3A_495 : vector<16xi32> to vector<16xi32>
      %swap3A_497 = vector.shape_cast %and3A_493 : vector<16xi32> to vector<16xi32>
      tpu.vector_store %arg7[%swap3A_494], %swap3A_497 {strides = array<i32>} : memref<128xi32, #tpu.memory_space<vmem>>, vector<16xi32>,
      %shift_right_arithmetic3A_498 = arith.constant 16 : i32
      %shift_right_arithmetic3A_499 = vector.broadcast %shift_right_arithmetic3A_498 : i32 to vector<16xi32>
      %shift_right_arithmetic3A_500 = arith.shrsi %get3A_490, %shift_right_arithmetic3A_499 : vector<16xi32>
      %swap3A_501 = arith.constant 112 : index
      %swap3A_502 = tpu.vector_load %arg9[%swap3A_501] {strides = array<i32>} : memref<128xi32, #tpu.memory_space<vmem>>, vector<16xi32>,
      %swap3A_503 = vector.shape_cast %swap3A_502 : vector<16xi32> to vector<16xi32>
      %swap3A_504 = vector.shape_cast %shift_right_arithmetic3A_500 : vector<16xi32> to vector<16xi32>
      tpu.vector_store %arg9[%swap3A_501], %swap3A_504 {strides = array<i32>} : memref<128xi32, #tpu.memory_space<vmem>>, vector<16xi32>,
      %dma_start3A_505 = arith.constant 0 : i32
      %dma_start3A_506 = arith.constant 0 : i32
      %dma_start3A_507 = tpu.memref_slice %arg13[%dma_start3A_505, %dma_start3A_506] : memref<10000x16xf32, #tpu.memory_space<vmem_shared>> -> memref<10000x16xf32, #tpu.memory_space<vmem_shared>>
      tpu.enqueue_indirect_dma source(%dma_start3A_507 : memref<10000x16xf32, #tpu.memory_space<vmem_shared>>) target(%arg11 : memref<128x16xf32, #tpu.memory_space<vmem>>) offsets(%arg7 : memref<128xi32, #tpu.memory_space<vmem>>) semaphore(%arg15 : memref<!tpu.dma_semaphore, #tpu.memory_space<semaphore_mem>>)
      %dma_wait3A_508 = arith.constant 0 : i32
      %dma_wait3A_509 = arith.constant 0 : i32
      %dma_wait3A_510 = tpu.memref_slice %arg13[%dma_wait3A_508, %dma_wait3A_509] : memref<10000x16xf32, #tpu.memory_space<vmem_shared>> -> memref<10000x16xf32, #tpu.memory_space<vmem_shared>>
      tpu.wait_indirect_dma semaphore(%arg16 : memref<!tpu.dma_semaphore, #tpu.memory_space<semaphore_mem>>) src(%dma_wait3A_510 : memref<10000x16xf32, #tpu.memory_space<vmem_shared>>) dst(%arg12 : memref<128x16xf32, #tpu.memory_space<vmem>>)
      %dma_start3A_511 = arith.constant 0 : i32
      %dma_start3A_512 = arith.constant 0 : i32
      %dma_start3A_513 = tpu.memref_slice %arg14[%dma_start3A_511, %dma_start3A_512] : memref<10112x16xf32, #tpu.memory_space<vmem_shared>> -> memref<10112x16xf32, #tpu.memory_space<vmem_shared>>
      tpu.enqueue_indirect_dma source(%arg12 : memref<128x16xf32, #tpu.memory_space<vmem>>) target(%dma_start3A_513 : memref<10112x16xf32, #tpu.memory_space<vmem_shared>>) offsets(%arg10 : memref<128xi32, #tpu.memory_space<vmem>>) semaphore(%arg18 : memref<!tpu.dma_semaphore, #tpu.memory_space<semaphore_mem>>) {add = true}
    }
    %scan3A_167 = arith.constant 40 : i32
    %dma_wait3A = arith.constant 0 : i32
    %dma_wait3A_168 = arith.constant 0 : i32
    %dma_wait3A_169 = tpu.memref_slice %arg14[%dma_wait3A, %dma_wait3A_168] : memref<10112x16xf32, #tpu.memory_space<vmem_shared>> -> memref<10112x16xf32, #tpu.memory_space<vmem_shared>>
    tpu.wait_indirect_dma semaphore(%arg18 : memref<!tpu.dma_semaphore, #tpu.memory_space<semaphore_mem>>) src(%arg12 : memref<128x16xf32, #tpu.memory_space<vmem>>) dst(%dma_wait3A_169 : memref<10112x16xf32, #tpu.memory_space<vmem_shared>>)
    %dma_wait3A_170 = arith.constant 0 : i32
    %dma_wait3A_171 = arith.constant 0 : i32
    %dma_wait3A_172 = tpu.memref_slice %arg13[%dma_wait3A_170, %dma_wait3A_171] : memref<10000x16xf32, #tpu.memory_space<vmem_shared>> -> memref<10000x16xf32, #tpu.memory_space<vmem_shared>>
    tpu.wait_indirect_dma semaphore(%arg15 : memref<!tpu.dma_semaphore, #tpu.memory_space<semaphore_mem>>) src(%dma_wait3A_172 : memref<10000x16xf32, #tpu.memory_space<vmem_shared>>) dst(%arg11 : memref<128x16xf32, #tpu.memory_space<vmem>>)
    %barrier3A_173 = arith.constant 0 : index
    tpu.barrier barrier_id(%barrier3A_173)
    %mul3A_174 = arith.constant 632 : i32
    %mul3A_175 = arith.muli %arg1, %mul3A_174 : i32
    %mul3A_176 = arith.constant 10112 : i32
    %mul3A_177 = arith.muli %arg0, %mul3A_176 : i32
    %mul3A_178 = arith.constant 632 : i32
    %mul3A_179 = arith.muli %arg1, %mul3A_178 : i32
    %add3A_180 = arith.addi %mul3A_177, %mul3A_179 : i32
    "tpu.region"() ({
      %run_scoped3A = tpu.sem_alloc : memref<!tpu.dma_semaphore, #tpu.memory_space<semaphore_mem>>
      %dma_start3A_181 = arith.constant 0 : i32
      %dma_start3A_182 = tpu.memref_slice %arg5[%add3A_180, %dma_start3A_181] : memref<20224x16xf32, #tpu.memory_space<hbm>> -> memref<632x16xf32, #tpu.memory_space<hbm>>
      %dma_start3A_183 = arith.constant 0 : i32
      %dma_start3A_184 = tpu.memref_slice %arg14[%mul3A_175, %dma_start3A_183] : memref<10112x16xf32, #tpu.memory_space<vmem_shared>> -> memref<632x16xf32, #tpu.memory_space<vmem_shared>>
      tpu.enqueue_dma source(%dma_start3A_184 : memref<632x16xf32, #tpu.memory_space<vmem_shared>>) target(%dma_start3A_182 : memref<632x16xf32, #tpu.memory_space<hbm>>) target_semaphore(%run_scoped3A : memref<!tpu.dma_semaphore, #tpu.memory_space<semaphore_mem>>)
      %dma_wait3A_185 = arith.constant 0 : i32
      %dma_wait3A_186 = tpu.memref_slice %arg5[%add3A_180, %dma_wait3A_185] : memref<20224x16xf32, #tpu.memory_space<hbm>> -> memref<632x16xf32, #tpu.memory_space<hbm>>
      %dma_wait3A_187 = arith.constant 0 : i32
      %dma_wait3A_188 = tpu.memref_slice %arg14[%mul3A_175, %dma_wait3A_187] : memref<10112x16xf32, #tpu.memory_space<vmem_shared>> -> memref<632x16xf32, #tpu.memory_space<vmem_shared>>
      tpu.wait_dma2 semaphore(%run_scoped3A : memref<!tpu.dma_semaphore, #tpu.memory_space<semaphore_mem>>) src(%dma_wait3A_188 : memref<632x16xf32, #tpu.memory_space<vmem_shared>>) dst(%dma_wait3A_186 : memref<632x16xf32, #tpu.memory_space<hbm>>)
      tpu.yield
    }) : () -> ()
    return
  }
}

module attributes {stable_mosaic.version = 14 : i64} {
  func.func @_tc_scale_body(%arg0: memref<10000x128xf32, #tpu.memory_space<vmem>>, %arg1: memref<128x128xf32, #tpu.memory_space<vmem>>, %arg2: memref<10000x1xf32, #tpu.memory_space<vmem>>, %arg3: memref<10000x1xf32, #tpu.memory_space<vmem>>, %arg4: memref<20000x64xf32, #tpu.memory_space<vmem>>, %arg5: memref<10000x1xf32, #tpu.memory_space<vmem>>) attributes {dimension_semantics = [], scalar_prefetch = 0 : i64, scratch_operands = 0 : i64, tpu.core_type = #tpu.core_type<tc>} {
    %get3A = arith.constant 0 : index
    %get3A_0 = arith.constant 0 : index
    %get3A_1 = vector.load %arg2[%get3A, %get3A_0] : memref<10000x1xf32, #tpu.memory_space<vmem>>, vector<10000x1xf32>
    %get3A_2 = arith.constant 0 : index
    %get3A_3 = arith.constant 0 : index
    %get3A_4 = vector.load %arg3[%get3A_2, %get3A_3] : memref<10000x1xf32, #tpu.memory_space<vmem>>, vector<10000x1xf32>
    %add3A = arith.addf %get3A_1, %get3A_4 : vector<10000x1xf32>
    %add3A_5 = arith.constant 1.000000e+00 : f32
    %add3A_6 = vector.broadcast %add3A_5 : f32 to vector<10000x1xf32>
    %add3A_7 = arith.addf %add3A, %add3A_6 : vector<10000x1xf32>
    %rsqrt3A = math.rsqrt %add3A_7 : vector<10000x1xf32>
    %get3A_8 = arith.constant 0 : index
    %get3A_9 = arith.constant 0 : index
    %get3A_10 = vector.load %arg0[%get3A_8, %get3A_9] : memref<10000x128xf32, #tpu.memory_space<vmem>>, vector<10000x128xf32>
    %get3A_11 = arith.constant 0 : index
    %get3A_12 = arith.constant 0 : index
    %get3A_13 = vector.load %arg1[%get3A_11, %get3A_12] : memref<128x128xf32, #tpu.memory_space<vmem>>, vector<128x128xf32>
    %dot_general3A = arith.constant dense<0.000000e+00> : vector<10000x128xf32>
    %dot_general3A_14 = tpu.matmul %get3A_10, %get3A_13, %dot_general3A {dimension_numbers = #tpu.dot_dimension_numbers<[1], [0], [0], [1], [0, 0, 1, 1], [], []>, transpose_lhs_hint = false} : vector<10000x128xf32>, vector<128x128xf32>, vector<10000x128xf32> -> vector<10000x128xf32>
    %mul3A = vector.broadcast %rsqrt3A : vector<10000x1xf32> to vector<10000x128xf32>
    %mul3A_15 = arith.mulf %dot_general3A_14, %mul3A : vector<10000x128xf32>
    %slice3A = vector.extract_strided_slice %mul3A_15 {offsets = [0, 0], sizes = [10000, 64], strides = [1, 1]} : vector<10000x128xf32> to vector<10000x64xf32>
    %slice3A_16 = vector.extract_strided_slice %mul3A_15 {offsets = [0, 64], sizes = [10000, 64], strides = [1, 1]} : vector<10000x128xf32> to vector<10000x64xf32>
    %concatenate3A = tpu.concatenate %slice3A, %slice3A_16 in 0 : vector<10000x64xf32>, vector<10000x64xf32> -> vector<20000x64xf32>
    %swap3A = arith.constant 0 : index
    %swap3A_17 = arith.constant 0 : index
    %swap3A_18 = vector.load %arg4[%swap3A, %swap3A_17] : memref<20000x64xf32, #tpu.memory_space<vmem>>, vector<20000x64xf32>
    tpu.vector_store %arg4[%swap3A, %swap3A_17], %concatenate3A {strides = array<i32>} : memref<20000x64xf32, #tpu.memory_space<vmem>>, vector<20000x64xf32>,
    %swap3A_19 = arith.constant 0 : index
    %swap3A_20 = arith.constant 0 : index
    %swap3A_21 = vector.load %arg5[%swap3A_19, %swap3A_20] : memref<10000x1xf32, #tpu.memory_space<vmem>>, vector<10000x1xf32>
    tpu.vector_store %arg5[%swap3A_19, %swap3A_20], %rsqrt3A {strides = array<i32>} : memref<10000x1xf32, #tpu.memory_space<vmem>>, vector<10000x1xf32>,
    return
  }
}

module attributes {stable_mosaic.version = 14 : i64} {
  func.func @_tc_mid_body(%arg0: memref<10000x64xf32, #tpu.memory_space<vmem>>, %arg1: memref<10000x64xf32, #tpu.memory_space<vmem>>, %arg2: memref<10000x64xf32, #tpu.memory_space<vmem>>, %arg3: memref<10000x64xf32, #tpu.memory_space<vmem>>, %arg4: memref<10000x1xf32, #tpu.memory_space<vmem>>, %arg5: memref<1x128xf32, #tpu.memory_space<vmem>>, %arg6: memref<128x16xf32, #tpu.memory_space<vmem>>, %arg7: memref<10000x16xf32, #tpu.memory_space<vmem>>) attributes {dimension_semantics = [], scalar_prefetch = 0 : i64, scratch_operands = 0 : i64, tpu.core_type = #tpu.core_type<tc>} {
    %get3A = arith.constant 0 : index
    %get3A_0 = arith.constant 0 : index
    %get3A_1 = vector.load %arg4[%get3A, %get3A_0] : memref<10000x1xf32, #tpu.memory_space<vmem>>, vector<10000x1xf32>
    %get3A_2 = arith.constant 0 : index
    %get3A_3 = arith.constant 0 : index
    %get3A_4 = vector.load %arg0[%get3A_2, %get3A_3] : memref<10000x64xf32, #tpu.memory_space<vmem>>, vector<10000x64xf32>
    %get3A_5 = arith.constant 0 : index
    %get3A_6 = arith.constant 0 : index
    %get3A_7 = vector.load %arg1[%get3A_5, %get3A_6] : memref<10000x64xf32, #tpu.memory_space<vmem>>, vector<10000x64xf32>
    %concatenate3A = tpu.concatenate %get3A_4, %get3A_7 in 1 : vector<10000x64xf32>, vector<10000x64xf32> -> vector<10000x128xf32>
    %get3A_8 = arith.constant 0 : index
    %get3A_9 = arith.constant 0 : index
    %get3A_10 = vector.load %arg2[%get3A_8, %get3A_9] : memref<10000x64xf32, #tpu.memory_space<vmem>>, vector<10000x64xf32>
    %get3A_11 = arith.constant 0 : index
    %get3A_12 = arith.constant 0 : index
    %get3A_13 = vector.load %arg3[%get3A_11, %get3A_12] : memref<10000x64xf32, #tpu.memory_space<vmem>>, vector<10000x64xf32>
    %concatenate3A_14 = tpu.concatenate %get3A_10, %get3A_13 in 1 : vector<10000x64xf32>, vector<10000x64xf32> -> vector<10000x128xf32>
    %add3A = arith.addf %concatenate3A, %concatenate3A_14 : vector<10000x128xf32>
    %mul3A = vector.broadcast %get3A_1 : vector<10000x1xf32> to vector<10000x128xf32>
    %mul3A_15 = arith.mulf %add3A, %mul3A : vector<10000x128xf32>
    %get3A_16 = arith.constant 0 : index
    %get3A_17 = arith.constant 0 : index
    %get3A_18 = vector.load %arg5[%get3A_16, %get3A_17] : memref<1x128xf32, #tpu.memory_space<vmem>>, vector<1x128xf32>
    %add3A_19 = vector.broadcast %get3A_18 : vector<1x128xf32> to vector<10000x128xf32>
    %add3A_20 = arith.addf %mul3A_15, %add3A_19 : vector<10000x128xf32>
    %max3A = arith.constant 0.000000e+00 : f32
    %max3A_21 = vector.broadcast %max3A : f32 to vector<10000x128xf32>
    %max3A_22 = arith.maximumf %add3A_20, %max3A_21 : vector<10000x128xf32>
    %get3A_23 = arith.constant 0 : index
    %get3A_24 = arith.constant 0 : index
    %get3A_25 = vector.load %arg6[%get3A_23, %get3A_24] : memref<128x16xf32, #tpu.memory_space<vmem>>, vector<128x16xf32>
    %dot_general3A = arith.constant dense<0.000000e+00> : vector<10000x16xf32>
    %dot_general3A_26 = tpu.matmul %max3A_22, %get3A_25, %dot_general3A {dimension_numbers = #tpu.dot_dimension_numbers<[1], [0], [0], [1], [0, 0, 1, 1], [], []>, transpose_lhs_hint = false} : vector<10000x128xf32>, vector<128x16xf32>, vector<10000x16xf32> -> vector<10000x16xf32>
    %mul3A_27 = vector.broadcast %get3A_1 : vector<10000x1xf32> to vector<10000x16xf32>
    %mul3A_28 = arith.mulf %dot_general3A_26, %mul3A_27 : vector<10000x16xf32>
    %swap3A = arith.constant 0 : index
    %swap3A_29 = arith.constant 0 : index
    %swap3A_30 = vector.load %arg7[%swap3A, %swap3A_29] : memref<10000x16xf32, #tpu.memory_space<vmem>>, vector<10000x16xf32>
    tpu.vector_store %arg7[%swap3A, %swap3A_29], %mul3A_28 {strides = array<i32>} : memref<10000x16xf32, #tpu.memory_space<vmem>>, vector<10000x16xf32>,
    return
  }
}

module attributes {stable_mosaic.version = 14 : i64} {
  func.func @_tc_final_body(%arg0: memref<10000x16xf32, #tpu.memory_space<vmem>>, %arg1: memref<10000x16xf32, #tpu.memory_space<vmem>>, %arg2: memref<10000x16xf32, #tpu.memory_space<vmem>>, %arg3: memref<10000x1xf32, #tpu.memory_space<vmem>>, %arg4: memref<1x16xf32, #tpu.memory_space<vmem>>, %arg5: memref<10000x16xf32, #tpu.memory_space<vmem>>) attributes {dimension_semantics = [], scalar_prefetch = 0 : i64, scratch_operands = 0 : i64, tpu.core_type = #tpu.core_type<tc>} {
    %get3A = arith.constant 0 : index
    %get3A_0 = arith.constant 0 : index
    %get3A_1 = vector.load %arg0[%get3A, %get3A_0] : memref<10000x16xf32, #tpu.memory_space<vmem>>, vector<10000x16xf32>
    %get3A_2 = arith.constant 0 : index
    %get3A_3 = arith.constant 0 : index
    %get3A_4 = vector.load %arg1[%get3A_2, %get3A_3] : memref<10000x16xf32, #tpu.memory_space<vmem>>, vector<10000x16xf32>
    %add3A = arith.addf %get3A_1, %get3A_4 : vector<10000x16xf32>
    %get3A_5 = arith.constant 0 : index
    %get3A_6 = arith.constant 0 : index
    %get3A_7 = vector.load %arg2[%get3A_5, %get3A_6] : memref<10000x16xf32, #tpu.memory_space<vmem>>, vector<10000x16xf32>
    %add3A_8 = arith.addf %add3A, %get3A_7 : vector<10000x16xf32>
    %get3A_9 = arith.constant 0 : index
    %get3A_10 = arith.constant 0 : index
    %get3A_11 = vector.load %arg3[%get3A_9, %get3A_10] : memref<10000x1xf32, #tpu.memory_space<vmem>>, vector<10000x1xf32>
    %mul3A = vector.broadcast %get3A_11 : vector<10000x1xf32> to vector<10000x16xf32>
    %mul3A_12 = arith.mulf %add3A_8, %mul3A : vector<10000x16xf32>
    %get3A_13 = arith.constant 0 : index
    %get3A_14 = arith.constant 0 : index
    %get3A_15 = vector.load %arg4[%get3A_13, %get3A_14] : memref<1x16xf32, #tpu.memory_space<vmem>>, vector<1x16xf32>
    %add3A_16 = vector.broadcast %get3A_15 : vector<1x16xf32> to vector<10000x16xf32>
    %add3A_17 = arith.addf %mul3A_12, %add3A_16 : vector<10000x16xf32>
    %swap3A = arith.constant 0 : index
    %swap3A_18 = arith.constant 0 : index
    %swap3A_19 = vector.load %arg5[%swap3A, %swap3A_18] : memref<10000x16xf32, #tpu.memory_space<vmem>>, vector<10000x16xf32>
    tpu.vector_store %arg5[%swap3A, %swap3A_18], %add3A_17 {strides = array<i32>} : memref<10000x16xf32, #tpu.memory_space<vmem>>, vector<10000x16xf32>,
    return
  }
}

</mosaic_0001>

<sc_bundles>
// kernel: kernel.11.cloned.1.call-start
scs
__scs_entry_jumppad:
0x0: {  	(pc) =	sbr.rel $0x88, $3  }
0x1: {  	(tag) =	ssettag $0x0;
	lr =	simm.s32 $0x1  }
0x2: {  	[smem:$0x3F9B] =	sst lr;
	_ =	strace $0xD0000000  }
0x3: {  	_ = 	snop  }
0x4: {  	_ = 	snop  }
0x5: {  	_ = 	snop  }
0x6: {  	_ = 	snop  }
0x7: {  	_ = 	snop  }
__scs_overlays_trampoline_lowered:
0x8: {  	[smem:$0x3FAA] =	sst s0  }
0x9: {  	[smem:$0x3FAB] =	sst s1  }
0xa: {  	[smem:$0x3FAC] =	sst s2  }
0xb: {  	[smem:$0x3FAD] =	sst s3  }
0xc: {  	[smem:$0x3FAE] =	sst s4  }
0xd: {  	[smem:$0x3FAF] =	sst s5  }
0xe: {  	[smem:$0x3FB0] =	sst s6  }
0xf: {  	[smem:$0x3FB1] =	sst s7  }
0x10: {  	[smem:$0x3FB2] =	sst s8  }
0x11: {  	[smem:$0x3FB3] =	sst s9;
	s0 =	simm.s32 @!p0 $0x0  }
0x12: {  	s1 =	sld [smem:$0x3F99];
	s0 =	simm.s32 @p0 $0x1  }
0x13: {  	[smem:$0x3FB4] =	sst s0;
	s0 =	simm.s32 @!p1 $0x0  }
0x14: {  	s2 =	sld [smem:$0x3F98];
	s0 =	simm.s32 @p1 $0x1  }
0x15: {  	[smem:$0x3FB5] =	sst s0;
	s0 =	simm.s32 @!p2 $0x0  }
0x16: {  	s3 =	sld [smem:$0x3FDB];
	s0 =	simm.s32 @p2 $0x1  }
0x17: {  	s4 =	simm.s32 $0x1BF5;
	[smem:$0x3FB7] =	sst s0  }
0x18: {  	s0 =	sld [smem:$0x3F9A];
	_ =	swait.ge [sflag:s4], $0x0  }
0x19: {  	s7 =	sld [smem:$0x3F9B]  }
0x1a: {  	s8 =	sadd.s32 $0xFFFFE003, lr  }
0x1b: {  	s9 =	sadd.s32 $0xFFFFFEF7, lr;
	s5 =	simm.s32 $0xFFFFFFFF;
	p2 =	slt.u32 s8, $0xFFFFF086  }
0x1c: {  	p1 =	slt.u32 s9, $0xF7A;
	s5 =	simm.s32 @!p2 $0x0  }
0x1d: {  	s5 =	simm.s32 @p1 $0x1;
	p0 =	seq.s32 s7, s2  }
0x1e: {  	s7 =	smul.u32 @!p0 $0xF7A, s2;
	p2 =	seq.s32 @!p0 s5, $0x0  }
0x1f: {  	s9 =	smul.u32 $0xF7A, s1;
	s8 =	simm.s32 @!p0 $0x1BF5;
	p2 =	por !p2, p0  }
0x20: {  	[sflag:s8] =	ssyncset.s32 @!p0 $0xFFFFF086;
	s6 =	sadd.s32 @!p0 s3, s7;
	s7 =	simm.s32 @!p0 $0x108  }
0x21: {  	s3 =	sadd.s32 s3, s9;
	s6 =	sadd.s32 @!p0 $0x88, s6;
	s7 =	simm.s32 @p2 $0x1082  }
0x22: {  	[simem:s7], [sflag:s8] =	dma.local @!p0 [hbm:s6], $0xF7A  }
0x23: {  	s9 =	sor.u32 $0xD0000000, s2;
	s6 =	simm.s32 $0x108;
	_ =	swait.ge @!p0 [sflag:s8], $0x0  }
0x24: {  	s3 =	sadd.s32 $0x88, s3;
	s6 =	simm.s32 @!p1 $0x1082;
	[sflag:s4] =	ssyncset.s32 $0xFFFFF086  }
0x25: {  	[simem:s6], [sflag:s4] =	dma.local [hbm:s3], $0xF7A  }
0x26: {  	[smem:$0x3F9B] =	sst s1;
	(tag) =	ssettag s2;
	_ =	strace s9  }
0x27: {  	s1 =	sld [smem:$0x3FAB]  }
0x28: {  	s2 =	sld [smem:$0x3FAC]  }
0x29: {  	s4 =	sld [smem:$0x3FAE]  }
0x2a: {  	p0 =	seq.s32 s5, $0x0;
	s5 =	sld [smem:$0x3FAF]  }
0x2b: {  	s6 =	sld [smem:$0x3FB0]  }
0x2c: {  	s7 =	sld [smem:$0x3FB1]  }
0x2d: {  	s3 =	simm.s32 $0x108;
	s8 =	sld [smem:$0x3FB2]  }
0x2e: {  	s3 =	simm.s32 @!p0 $0x1082;
	s9 =	sld [smem:$0x3FB3]  }
0x2f: {  	lr =	sadd.s32 s0, s3;
	s0 =	sld [smem:$0x3FAA]  }
0x30: {  	s3 =	sld [smem:$0x3FAD]  }
0x31: {  	[smem:$0x3FB6] =	sst s10  }
0x32: {  	s10 =	sld [smem:$0x3FB4];
	_ =	sdelay $0x3  }
0x33: {  	p0 =	seq.s32 s10, $0x1;
	s10 =	sld [smem:$0x3FB6];
	_ =	sdelay $0x3  }
0x34: {  	[smem:$0x3FB6] =	sst s10  }
0x35: {  	s10 =	sld [smem:$0x3FB5];
	_ =	sdelay $0x3  }
0x36: {  	p1 =	seq.s32 s10, $0x1;
	s10 =	sld [smem:$0x3FB6];
	_ =	sdelay $0x3  }
0x37: {  	[smem:$0x3FB6] =	sst s10  }
0x38: {  	s10 =	sld [smem:$0x3FB7]  }
0x39: {  	_ = 	snop;
	(pc) =	sbr.ind lr, $3  }
0x3a: {  	_ = 	snop  }
0x3b: {  	_ = 	snop  }
0x3c: {  	p2 =	seq.s32 s10, $0x1;
	s10 =	sld [smem:$0x3FB6]  }
0x3d: {  	_ =	shalt  }
0x3e: {  	_ =	shalt  }
0x3f: {  	_ =	shalt  }
0x40: {  	_ =	shalt  }
0x41: {  	_ =	shalt  }
0x42: {  	_ =	shalt  }
0x43: {  	_ =	shalt  }
0x44: {  	_ =	shalt  }
0x45: {  	_ =	shalt  }
0x46: {  	_ =	shalt  }
0x47: {  	_ =	shalt  }
0x48: {  	_ =	shalt  }
0x49: {  	_ =	shalt  }
0x4a: {  	_ =	shalt  }
0x4b: {  	_ =	shalt  }
0x4c: {  	_ =	shalt  }
0x4d: {  	_ =	shalt  }
0x4e: {  	_ =	shalt  }
0x4f: {  	_ =	shalt  }
0x50: {  	_ =	shalt  }
0x51: {  	_ =	shalt  }
0x52: {  	_ =	shalt  }
0x53: {  	_ =	shalt  }
0x54: {  	_ =	shalt  }
0x55: {  	_ =	shalt  }
0x56: {  	_ =	shalt  }
0x57: {  	_ =	shalt  }
0x58: {  	_ =	shalt  }
0x59: {  	_ =	shalt  }
0x5a: {  	_ =	shalt  }
0x5b: {  	_ =	shalt  }
0x5c: {  	_ =	shalt  }
0x5d: {  	_ =	shalt  }
0x5e: {  	_ =	shalt  }
0x5f: {  	_ =	shalt  }
0x60: {  	_ =	shalt  }
0x61: {  	_ =	shalt  }
0x62: {  	_ =	shalt  }
0x63: {  	_ =	shalt  }
0x64: {  	_ =	shalt  }
0x65: {  	_ =	shalt  }
0x66: {  	_ =	shalt  }
0x67: {  	_ =	shalt  }
0x68: {  	_ =	shalt  }
0x69: {  	_ =	shalt  }
0x6a: {  	_ =	shalt  }
0x6b: {  	_ =	shalt  }
0x6c: {  	_ =	shalt  }
0x6d: {  	_ =	shalt  }
0x6e: {  	_ =	shalt  }
0x6f: {  	_ =	shalt  }
0x70: {  	_ =	shalt  }
0x71: {  	_ =	shalt  }
0x72: {  	_ =	shalt  }
0x73: {  	_ =	shalt  }
0x74: {  	_ =	shalt  }
0x75: {  	_ =	shalt  }
0x76: {  	_ =	shalt  }
0x77: {  	_ =	shalt  }
0x78: {  	_ =	shalt  }
0x79: {  	_ =	shalt  }
0x7a: {  	_ =	shalt  }
0x7b: {  	_ =	shalt  }
0x7c: {  	_ =	shalt  }
0x7d: {  	_ =	shalt  }
0x7e: {  	_ =	shalt  }
0x7f: {  	_ =	shalt  }
0x80: {  	_ =	shalt  }
0x81: {  	_ =	shalt  }
0x82: {  	_ =	shalt  }
0x83: {  	_ =	shalt  }
0x84: {  	_ =	shalt  }
0x85: {  	_ =	shalt  }
0x86: {  	_ =	shalt  }
0x87: {  	_ =	shalt  }
.Lfunc_end0:
.L_simem_size_0:
called_computation.1_lowered:
.L_overlay_start_0:
0x88: {  	s2 =	sld [smem:$0x3FD9]  }
0x89: {  	s3 =	sld [smem:$0x3FFE];
	_ =	sdelay $0x1  }
0x8a: {  	s1 =	srdreg.scid  }
0x8b: {  	s0 =	sand.u32 $0x1, s1  }
0x8c: {  	s16 =	sshll.u32 s0, $0xA;
	s2 =	sadd.s32 s3, s2  }
0x8d: {  	s2 =	sadd.s32 s2, s16  }
0x8e: {  	[smem:$0x3FC2] =	sst s2  }
0x8f: {  	_ = 	snop  }
0x90: {  	(tm) =	ssettm $0x1  }
0x91: {  	s17 =	sld [smem:$0x3FFB];
	_ =	sdelay $0x3  }
0x92: {  	_ =	strace s17  }
0x93: {  	s2 =	sld [smem:$0x3FFC];
	_ =	sdelay $0x3  }
0x94: {  	_ =	strace s2  }
0x95: {  	s2 =	sld [smem:$0x3FFD];
	_ =	sdelay $0x3  }
0x96: {  	_ =	strace s2  }
0x97: {  	_ =	strace $0x8FFFFFFF  }
0x98: {  	s18 =	sld [smem:$0x3FDB];
	_ =	sdelay $0x1  }
0x99: {  	s19 =	simm.s32 $_scs_section_size  }
0x9a: {  	s4 =	simm.s32 $_size__tile_overlayer_lowered;
	s5 =	simm.s32 $_tile_overlayer_lowered  }
0x9b: {  	s22 =	simm.s32 $0x1BFF;
	s21 =	sshll.u32 s5, $0x1;
	s2 =	sadd.s32 s19, s18  }
0x9c: {  	s6 =	simm.s32 $0x0;
	s20 =	sshll.u32 s4, $0x1;
	s4 =	sadd.s32 s21, s2  }
0x9d: {  	[timem:s6], [sflag:s22] =	dma.local [hbm:s4], s20  }
0x9e: {  	_ =	swait.ge [sflag:s22], s20  }
0x9f: {  	s3 =	ssub.s32 $0x0, s20;
	[sflag:s22] =	ssyncset.done $0x0  }
0xa0: {  	[sflag:s22] =	ssyncadd.s32 s3;
	_ =	sdelay $0x1  }
0xa1: {  	s23 =	simm.s32 $0x1B8B  }
0xa2: {  	_ =	swait.ge [sflag:s23], $0x1  }
0xa3: {  	[sflag:s23] =	ssyncset.done $0x0  }
0xa4: {  	s25 =	simm.s32 $0x1B8E;
	s24 =	sld [smem:$0x3FFE];
	[sflag:s23] =	ssyncadd.s32 $0xFFFFFFFF  }
0xa5: {  	s26 =	simm.s32 $execute0_lowered;
	[smem:$0x3FD2] =	sst s25  }
0xa6: {  	s4 =	sshll.u32 s26, $0x1;
	_ =	strace $0x80000049;
	[dreg:$0x1] =	wrdreg $0xFFFFFFFF  }
0xa7: {  	s28 =	simm.s32 $_size_execute0_lowered;
	s2 =	sadd.s32 s2, s4;
	[dreg:$0x0] =	wrdreg $0x0  }
0xa8: {  	s4 =	sshll.u32 s28, $0x1;
	[dreg:$0x2] =	wrdreg s2  }
0xa9: {  	[dreg:$0x3] =	wrdreg s4  }
0xaa: {  	[dreg:$0x4] =	wrdreg $0xC0  }
0xab: {  	_ =	task [dreg:s6], $0x5FFFF  }
0xac: {  	[dreg:$0x1] =	wrdreg $0xFFFFFFFF  }
0xad: {  	[dreg:$0x0] =	wrdreg $0x60  }
0xae: {  	[dreg:$0x2] =	wrdreg s24  }
0xaf: {  	[dreg:$0x3] =	wrdreg $0x92000  }
0xb0: {  	[dreg:$0x4] =	wrdreg $0x12E400  }
0xb1: {  	[dreg:$0x5] =	wrdreg $0x9  }
0xb2: {  	_ =	task.clear_ibuf [dreg:s6], $0x6FFFF;
	_ =	strace $0x90000049  }
0xb3: {  	s29 =	simm.s32 $0x9;
	_ =	strace $0x8000004B  }
0xb4: {  	_ =	swait.ge [sflag:s29], $0x1  }
0xb5: {  	[sflag:s29] =	ssyncadd.s32 $0xFFFFFFFF  }
0xb6: {  	_ =	strace $0x9000004B  }
0xb7: {  	_ =	sfence  }
0xb8: {  	s30 =	sld [smem:$0x0];
	_ =	sdelay $0x2  }
0xb9: {  	s31 =	sshll.u32 s1, $0xD;
	s1 =	sshrl.u32 s1, $0x2  }
0xba: {  	s3 =	sand.u32 $0x4000, s31;
	s1 =	sadd.s32 s1, s30  }
0xbb: {  	s0 =	sor.u32 s3, s0;
	s1 =	sshll.u32 s1, $0x11  }
0xbc: {  	s0 =	sor.u32 s1, s0  }
0xbd: {  	s0 =	sadd.s32 $0x8F2B, s0  }
0xbe: {  	[sflag:s0] =	ssyncadd.remote.s32 $0x1  }
0xbf: {  	_ =	sfence.sel $0xFFFF  }
0xc0: {  	[dreg:$0x0] =	wrdreg $0xFFFFFFFF;
	(pc) =	sbr.abs _section_cstart, $3  }
0xc1: {  	[dreg:$0x1] =	wrdreg $0xFFFFFFFF  }
0xc2: {  	_ =	task.clear_ibuf [dreg:s6], $0x2FFFF;
	_ =	strace $0x9FFFFFFF  }
0xc3: {  	(tm) =	ssettm $0x7FFFFFFF  }
tec
execute0_lowered:
.L_overlay_start_1:
0x0: {  	(tag) =	ssettag $0x1  }
0x1: {  	s5 =	rddreg [dreg:$0x0]  }
0x2: {  	s2 =	rddreg [dreg:$0x1]  }
0x3: {  	s0 =	srdreg.scid;
	s3 =	rddreg [dreg:$0x2]  }
0x4: {  	s1 =	rddreg [dreg:$0x3];
	s4 =	simm.s32 $0x0;
	s15 =	simm.s32 $0x5000  }
0x5: {  	s16 =	simm.s32 $0x5200;
	s17 =	simm.s32 $0x5080;
	s6 =	sand.u32 $0x1, s0  }
0x6: {  	s18 =	simm.s32 $0x7200;
	s0 =	stileid.u32;
	s7 =	smul.u32 $0x13880, s6  }
0x7: {  	s19 =	simm.s32 $0x1;
	s20 =	simm.s32 $0x5100;
	s8 =	smul.u32 $0x1388, s0  }
0x8: {  	s21 =	simm.s32 $0x3;
	s22 =	simm.s32 $0x2;
	s9 =	smul.u32 $0xA00, s0  }
0x9: {  	s23 =	simm.s32 $0x5180;
	s24 =	simm.s32 $0x4;
	s10 =	smul.u32 $0x9E00, s0  }
0xa: {  	s25 =	simm.s32 $0x0;
	[smem:$0x7FF] =	sst s4;
	s28 =	smul.u32 $0x13C0, s0  }
0xb: {  	_ =	strace $0x8000004A;
	s11 =	smul.u32 $0x13C00, s6;
	s6 =	ssub.s32 $0x2, s6  }
0xc: {  	s13 =	smul.u32 $0x27100, s0;
	s31 =	sshll.u32 s0, $0x6;
	s29 =	sshrl.u32 s6, $0x1  }
0xd: {  	s7 =	sadd.s32 s8, s7;
	s9 =	sadd.s32 s9, s5;
	s12 =	sshrl.u32 s10, $0x3  }
0xe: {  	s8 =	sadd.s32 s28, s11;
	s11 =	ssub.s32 s6, s29;
	s30 =	sshrl.u32 s13, $0x2  }
0xf: {  	s14 =	sadd.s32 s10, s3;
	s10 =	simm.s32 $0x5;
	s7 =	sadd.s32 s7, s5  }
0x10: {  	s12 =	sadd.s32 s12, s5;
	s8 =	sadd.s32 s8, s5;
	s5 =	sadd.s32 $0x1A600, s9  }
0x11: {  	s13 =	sadd.s32 s30, s2;
	s9 =	smax.u32 s11, $0x1;
	s11 =	sor.u32 $0x1C05, s31  }
0x12: {  	s6 =	sadd.s32 $0x99A00, s7;
	s7 =	sadd.s32 $0xC0C00, s12;
	s8 =	sadd.s32 $0xD4800, s8  }
0x13: {  	s12 =	sshrl.u32 s13, $0x3;
	s13 =	sshrl.u32 s14, $0x3;
	s14 =	simm.s32 $0x80  }
.LBB2_1:
0x14: {  	[tilespmem:s4], [sflag:$0x5] =	stream.linear.gather [hbm4b:s5+s4], $0x5000, $0x38;
	[tilespmem:$0x1CC40] =	vst v63  }
0x15: {  	_ =	swait.ge [sflag:s10], $0x5000  }
0x16: {  	[sflag:s10] =	ssyncset.done $0x0  }
0x17: {  	[sflag:s10] =	ssyncadd.s32 $0xFFFFB000  }
0x18: {  	[spmem:s12], [sflag:s11] =	dma.local [hbm:s6], $0x1388  }
0x19: {  	_ =	swait.ge [sflag:s10], $0x1388  }
0x1a: {  	[sflag:s10] =	ssyncset.done $0x0  }
0x1b: {  	[sflag:s10] =	ssyncadd.s32 $0xFFFFEC78  }
0x1c: {  	[spmem:s13], [sflag:s11] =	dma.local [hbm:s7], $0x13C0  }
0x1d: {  	_ =	swait.ge [sflag:s10], $0x13C0  }
0x1e: {  	[sflag:s10] =	ssyncset.done $0x0  }
0x1f: {  	[sflag:s10] =	ssyncadd.s32 $0xFFFFEC40  }
0x20: {  	[bflag:$0x0] =	sbarrier.arrive $0xFFFF  }
0x21: {  	v0 =	vld [tilespmem:$0x0];
	_ =	sdelay $0x1  }
0x22: {  	v1 =	vld [tilespmem:$0x10];
	_ =	sdelay $0x1  }
0x23: {  	v2 =	vld [tilespmem:$0x20]  }
0x24: {  	v3 =	vand.u32 $0xFFFF, v0  }
0x25: {  	v0 =	vshra.s32 v0, $0x10;
	[tilespmem:$0x5000] =	vst v3;
	v3 =	vld [tilespmem:$0x30]  }
0x26: {  	[tilespmem:$0x5100] =	vst v0;
	v0 =	vand.u32 $0xFFFF, v1  }
0x27: {  	[tilespmem:$0x5010] =	vst v0;
	v0 =	vshra.s32 v1, $0x10;
	v1 =	vld [tilespmem:$0x40]  }
0x28: {  	[tilespmem:$0x5110] =	vst v0;
	v0 =	vand.u32 $0xFFFF, v2  }
0x29: {  	[tilespmem:$0x5020] =	vst v0;
	v0 =	vshra.s32 v2, $0x10;
	v2 =	vld [tilespmem:$0x50]  }
0x2a: {  	[tilespmem:$0x5120] =	vst v0;
	v0 =	vand.u32 $0xFFFF, v3  }
0x2b: {  	[tilespmem:$0x5030] =	vst v0;
	v0 =	vshra.s32 v3, $0x10;
	v3 =	vld [tilespmem:$0x60]  }
0x2c: {  	[tilespmem:$0x5130] =	vst v0;
	v0 =	vand.u32 $0xFFFF, v1  }
0x2d: {  	[tilespmem:$0x5040] =	vst v0;
	v0 =	vshra.s32 v1, $0x10;
	v1 =	vld [tilespmem:$0x70]  }
0x2e: {  	[tilespmem:$0x5140] =	vst v0;
	v0 =	vand.u32 $0xFFFF, v2  }
0x2f: {  	[tilespmem:$0x5050] =	vst v0;
	v0 =	vshra.s32 v2, $0x10  }
0x30: {  	[tilespmem:$0x5150] =	vst v0;
	v0 =	vand.u32 $0xFFFF, v3  }
0x31: {  	[tilespmem:$0x5060] =	vst v0;
	v0 =	vshra.s32 v3, $0x10  }
0x32: {  	[tilespmem:$0x5160] =	vst v0;
	v0 =	vand.u32 $0xFFFF, v1  }
0x33: {  	p0 =	por $0x1, $0x1;
	[tilespmem:$0x5070] =	vst v0;
	v0 =	vshra.s32 v1, $0x10  }
0x34: {  	s28 =	simm.s32 @!p0 $0x4;
	[tilespmem:$0x5170] =	vst v0  }
0x35: {  	[tilespmem:s16], [sflag:$0x1] =	stream.indirect.gather [spmem:s2], $0x40, s15, s14, $0xb8;
	[tilespmem:$0x1CC40] =	vst v63  }
0x36: {  	_ =	swait.ge @!p0 [sflag:s28], $0x2000  }
0x37: {  	[sflag:s28] =	ssyncset.done @!p0 $0x0  }
0x38: {  	s26 =	simm.s32 $0xF0;
	[sflag:s28] =	ssyncadd.s32 @!p0 $0xFFFFE000  }
0x39: {  	v0 =	vld [tilespmem:s26+$0xFFFFFF90];
	_ =	sdelay $0x4  }
0x3a: {  	v1 =	vand.u32 $0xFFFF, v0  }
0x3b: {  	v0 =	vshra.s32 v0, $0x10;
	[tilespmem:$0x5080] =	vst v1  }
0x3c: {  	[tilespmem:$0x5180] =	vst v0  }
0x3d: {  	v0 =	vld [tilespmem:s26+$0xFFFFFFA0];
	_ =	sdelay $0x4  }
0x3e: {  	v1 =	vand.u32 $0xFFFF, v0  }
0x3f: {  	v0 =	vshra.s32 v0, $0x10;
	[tilespmem:$0x5090] =	vst v1  }
0x40: {  	[tilespmem:$0x5190] =	vst v0  }
0x41: {  	v0 =	vld [tilespmem:s26+$0xFFFFFFB0];
	_ =	sdelay $0x4  }
0x42: {  	v1 =	vand.u32 $0xFFFF, v0  }
0x43: {  	v0 =	vshra.s32 v0, $0x10;
	[tilespmem:$0x50A0] =	vst v1  }
0x44: {  	[tilespmem:$0x51A0] =	vst v0  }
0x45: {  	v0 =	vld [tilespmem:s26+$0xFFFFFFC0];
	_ =	sdelay $0x4  }
0x46: {  	v1 =	vand.u32 $0xFFFF, v0  }
0x47: {  	v0 =	vshra.s32 v0, $0x10;
	[tilespmem:$0x50B0] =	vst v1  }
0x48: {  	[tilespmem:$0x51B0] =	vst v0  }
0x49: {  	v0 =	vld [tilespmem:s26+$0xFFFFFFD0];
	_ =	sdelay $0x4  }
0x4a: {  	v1 =	vand.u32 $0xFFFF, v0  }
0x4b: {  	v0 =	vshra.s32 v0, $0x10;
	[tilespmem:$0x50C0] =	vst v1  }
0x4c: {  	[tilespmem:$0x51C0] =	vst v0  }
0x4d: {  	v0 =	vld [tilespmem:s26+$0xFFFFFFE0];
	_ =	sdelay $0x4  }
0x4e: {  	v1 =	vand.u32 $0xFFFF, v0  }
0x4f: {  	v0 =	vshra.s32 v0, $0x10;
	[tilespmem:$0x50D0] =	vst v1  }
0x50: {  	[tilespmem:$0x51D0] =	vst v0  }
0x51: {  	v0 =	vld [tilespmem:s26+$0xFFFFFFF0];
	_ =	sdelay $0x4  }
0x52: {  	v1 =	vand.u32 $0xFFFF, v0  }
0x53: {  	v0 =	vshra.s32 v0, $0x10;
	[tilespmem:$0x50E0] =	vst v1  }
0x54: {  	[tilespmem:$0x51E0] =	vst v0  }
0x55: {  	v0 =	vld [tilespmem:s26+$0x0];
	_ =	sdelay $0x4  }
0x56: {  	v1 =	vand.u32 $0xFFFF, v0  }
0x57: {  	v0 =	vshra.s32 v0, $0x10;
	[tilespmem:$0x50F0] =	vst v1  }
0x58: {  	[tilespmem:$0x51F0] =	vst v0  }
0x59: {  	[tilespmem:s18], [sflag:$0x2] =	stream.indirect.gather [spmem:s2], $0x40, s17, s14, $0xb8;
	[tilespmem:$0x1CC40] =	vst v63  }
0x5a: {  	_ =	swait.ge [sflag:s19], $0x2000  }
0x5b: {  	[sflag:s19] =	ssyncset.done $0x0  }
0x5c: {  	[sflag:s19] =	ssyncadd.s32 $0xFFFFE000  }
0x5d: {  	[spmem:s3] =	stream.indirect.scatter.add.f32 [tilespmem:s16], [sflag:$0x3], $0x40, s20, s14, $0xb8;
	[tilespmem:$0x1CC40] =	vst v63  }
0x5e: {  	_ =	swait.ge [sflag:s21], $0x2000  }
0x5f: {  	s30 =	simm.s32 $0x100;
	p0 =	por $0x0, $0x0;
	[sflag:s21] =	ssyncset.done $0x0  }
0x60: {  	s30 =	simm.s32 @p0 $0x0;
	[sflag:s21] =	ssyncadd.s32 $0xFFFFE000  }
0x61: {  	v0 =	vld [tilespmem:s30+$0x0];
	_ =	sdelay $0x4  }
0x62: {  	v1 =	vand.u32 $0xFFFF, v0  }
0x63: {  	v0 =	vshra.s32 v0, $0x10;
	[tilespmem:$0x5000] =	vst v1  }
0x64: {  	[tilespmem:$0x5100] =	vst v0  }
0x65: {  	v0 =	vld [tilespmem:s30+$0x10];
	_ =	sdelay $0x4  }
0x66: {  	v1 =	vand.u32 $0xFFFF, v0  }
0x67: {  	v0 =	vshra.s32 v0, $0x10;
	[tilespmem:$0x5010] =	vst v1  }
0x68: {  	[tilespmem:$0x5110] =	vst v0  }
0x69: {  	v0 =	vld [tilespmem:s30+$0x20];
	_ =	sdelay $0x4  }
0x6a: {  	v1 =	vand.u32 $0xFFFF, v0  }
0x6b: {  	v0 =	vshra.s32 v0, $0x10;
	[tilespmem:$0x5020] =	vst v1  }
0x6c: {  	[tilespmem:$0x5120] =	vst v0  }
0x6d: {  	v0 =	vld [tilespmem:s30+$0x30];
	_ =	sdelay $0x4  }
0x6e: {  	v1 =	vand.u32 $0xFFFF, v0  }
0x6f: {  	v0 =	vshra.s32 v0, $0x10;
	[tilespmem:$0x5030] =	vst v1  }
0x70: {  	[tilespmem:$0x5130] =	vst v0  }
0x71: {  	v0 =	vld [tilespmem:s30+$0x40];
	_ =	sdelay $0x4  }
0x72: {  	v1 =	vand.u32 $0xFFFF, v0  }
0x73: {  	v0 =	vshra.s32 v0, $0x10;
	[tilespmem:$0x5040] =	vst v1  }
0x74: {  	[tilespmem:$0x5140] =	vst v0  }
0x75: {  	v0 =	vld [tilespmem:s30+$0x50];
	_ =	sdelay $0x4  }
0x76: {  	v1 =	vand.u32 $0xFFFF, v0  }
0x77: {  	v0 =	vshra.s32 v0, $0x10;
	[tilespmem:$0x5050] =	vst v1  }
0x78: {  	[tilespmem:$0x5150] =	vst v0  }
0x79: {  	s28 =	simm.s32 $0x200;
	v0 =	vld [tilespmem:s30+$0x60]  }
.LBB2_2:
0x7a: {  	_ =	sdelay $0x1  }
0x7b: {  	s26 =	sadd.s32 $0x100, s26;
	s29 =	smov.u32 s28;
	s28 =	sadd.s32 $0x100, s28  }
0x7c: {  	p0 =	sne.s32 s28, $0x5100  }
0x7d: {  	v1 =	vand.u32 $0xFFFF, v0;
	v0 =	vshra.s32 v0, $0x10  }
0x7e: {  	[tilespmem:$0x5060] =	vst v1  }
0x7f: {  	[tilespmem:$0x5160] =	vst v0  }
0x80: {  	v0 =	vld [tilespmem:s30+$0x70];
	_ =	sdelay $0x4  }
0x81: {  	v1 =	vand.u32 $0xFFFF, v0;
	v0 =	vshra.s32 v0, $0x10  }
0x82: {  	[tilespmem:$0x5070] =	vst v1  }
0x83: {  	[tilespmem:$0x5170] =	vst v0  }
0x84: {  	[tilespmem:s16], [sflag:$0x1] =	stream.indirect.gather [spmem:s2], $0x40, s15, s14, $0xb8;
	[tilespmem:$0x1CC40] =	vst v63  }
0x85: {  	_ =	swait.ge [sflag:s22], $0x2000  }
0x86: {  	p1 =	seq.s32 s29, $0x100;
	[sflag:s22] =	ssyncset.done $0x0  }
0x87: {  	s30 =	simm.s32 @!p1 $0x4;
	[sflag:s22] =	ssyncadd.s32 $0xFFFFE000  }
0x88: {  	[spmem:s3] =	stream.indirect.scatter.add.f32 [tilespmem:s18], [sflag:$0x4], $0x40, s23, s14, $0xb8;
	[tilespmem:$0x1CC40] =	vst v63  }
0x89: {  	_ =	swait.ge @!p1 [sflag:s30], $0x2000  }
0x8a: {  	[sflag:s30] =	ssyncset.done @!p1 $0x0  }
0x8b: {  	[sflag:s30] =	ssyncadd.s32 @!p1 $0xFFFFE000  }
0x8c: {  	v0 =	vld [tilespmem:s26+$0xFFFFFF90];
	_ =	sdelay $0x4  }
0x8d: {  	v1 =	vand.u32 $0xFFFF, v0;
	v0 =	vshra.s32 v0, $0x10  }
0x8e: {  	[tilespmem:$0x5080] =	vst v1  }
0x8f: {  	[tilespmem:$0x5180] =	vst v0  }
0x90: {  	v0 =	vld [tilespmem:s26+$0xFFFFFFA0];
	_ =	sdelay $0x4  }
0x91: {  	v1 =	vand.u32 $0xFFFF, v0;
	v0 =	vshra.s32 v0, $0x10  }
0x92: {  	[tilespmem:$0x5090] =	vst v1  }
0x93: {  	[tilespmem:$0x5190] =	vst v0  }
0x94: {  	v0 =	vld [tilespmem:s26+$0xFFFFFFB0];
	_ =	sdelay $0x4  }
0x95: {  	v1 =	vand.u32 $0xFFFF, v0;
	v0 =	vshra.s32 v0, $0x10  }
0x96: {  	[tilespmem:$0x50A0] =	vst v1  }
0x97: {  	[tilespmem:$0x51A0] =	vst v0  }
0x98: {  	v0 =	vld [tilespmem:s26+$0xFFFFFFC0];
	_ =	sdelay $0x4  }
0x99: {  	v1 =	vand.u32 $0xFFFF, v0;
	v0 =	vshra.s32 v0, $0x10  }
0x9a: {  	[tilespmem:$0x50B0] =	vst v1  }
0x9b: {  	[tilespmem:$0x51B0] =	vst v0  }
0x9c: {  	v0 =	vld [tilespmem:s26+$0xFFFFFFD0];
	_ =	sdelay $0x4  }
0x9d: {  	v1 =	vand.u32 $0xFFFF, v0;
	v0 =	vshra.s32 v0, $0x10  }
0x9e: {  	[tilespmem:$0x50C0] =	vst v1  }
0x9f: {  	[tilespmem:$0x51C0] =	vst v0  }
0xa0: {  	v0 =	vld [tilespmem:s26+$0xFFFFFFE0];
	_ =	sdelay $0x4  }
0xa1: {  	v1 =	vand.u32 $0xFFFF, v0;
	v0 =	vshra.s32 v0, $0x10  }
0xa2: {  	[tilespmem:$0x50D0] =	vst v1  }
0xa3: {  	[tilespmem:$0x51D0] =	vst v0  }
0xa4: {  	v0 =	vld [tilespmem:s26+$0xFFFFFFF0];
	_ =	sdelay $0x4  }
0xa5: {  	v1 =	vand.u32 $0xFFFF, v0;
	v0 =	vshra.s32 v0, $0x10  }
0xa6: {  	[tilespmem:$0x50E0] =	vst v1  }
0xa7: {  	[tilespmem:$0x51E0] =	vst v0  }
0xa8: {  	v0 =	vld [tilespmem:s26+$0x0];
	_ =	sdelay $0x4  }
0xa9: {  	v1 =	vand.u32 $0xFFFF, v0;
	v0 =	vshra.s32 v0, $0x10  }
0xaa: {  	[tilespmem:$0x50F0] =	vst v1  }
0xab: {  	[tilespmem:$0x51F0] =	vst v0  }
0xac: {  	[tilespmem:s18], [sflag:$0x2] =	stream.indirect.gather [spmem:s2], $0x40, s17, s14, $0xb8;
	[tilespmem:$0x1CC40] =	vst v63  }
0xad: {  	_ =	swait.ge [sflag:s19], $0x2000  }
0xae: {  	[sflag:s19] =	ssyncset.done $0x0  }
0xaf: {  	[sflag:s19] =	ssyncadd.s32 $0xFFFFE000  }
0xb0: {  	[spmem:s3] =	stream.indirect.scatter.add.f32 [tilespmem:s16], [sflag:$0x3], $0x40, s20, s14, $0xb8;
	[tilespmem:$0x1CC40] =	vst v63  }
0xb1: {  	_ =	swait.ge [sflag:s21], $0x2000  }
0xb2: {  	p1 =	seq.s32 s29, $0x5000;
	s30 =	smov.u32 s29;
	[sflag:s21] =	ssyncset.done $0x0  }
0xb3: {  	s30 =	simm.s32 @p1 $0x0;
	[sflag:s21] =	ssyncadd.s32 $0xFFFFE000  }
0xb4: {  	v0 =	vld [tilespmem:s30+$0x0];
	_ =	sdelay $0x4  }
0xb5: {  	v1 =	vand.u32 $0xFFFF, v0;
	v0 =	vshra.s32 v0, $0x10  }
0xb6: {  	[tilespmem:$0x5000] =	vst v1  }
0xb7: {  	[tilespmem:$0x5100] =	vst v0  }
0xb8: {  	v0 =	vld [tilespmem:s30+$0x10];
	_ =	sdelay $0x4  }
0xb9: {  	v1 =	vand.u32 $0xFFFF, v0;
	v0 =	vshra.s32 v0, $0x10  }
0xba: {  	[tilespmem:$0x5010] =	vst v1  }
0xbb: {  	[tilespmem:$0x5110] =	vst v0  }
0xbc: {  	v0 =	vld [tilespmem:s30+$0x20];
	_ =	sdelay $0x4  }
0xbd: {  	v1 =	vand.u32 $0xFFFF, v0;
	v0 =	vshra.s32 v0, $0x10  }
0xbe: {  	[tilespmem:$0x5020] =	vst v1  }
0xbf: {  	[tilespmem:$0x5120] =	vst v0  }
0xc0: {  	v0 =	vld [tilespmem:s30+$0x30];
	_ =	sdelay $0x4  }
0xc1: {  	v1 =	vand.u32 $0xFFFF, v0;
	v0 =	vshra.s32 v0, $0x10  }
0xc2: {  	[tilespmem:$0x5030] =	vst v1  }
0xc3: {  	[tilespmem:$0x5130] =	vst v0  }
0xc4: {  	v0 =	vld [tilespmem:s30+$0x40];
	_ =	sdelay $0x4  }
0xc5: {  	v1 =	vand.u32 $0xFFFF, v0;
	v0 =	vshra.s32 v0, $0x10  }
0xc6: {  	[tilespmem:$0x5040] =	vst v1  }
0xc7: {  	[tilespmem:$0x5140] =	vst v0  }
0xc8: {  	v0 =	vld [tilespmem:s30+$0x50];
	_ =	sdelay $0x3  }
.Ltmp0:
0xc9: {  	(pc) =	sbr.rel @p0 .LBB2_2-.Ltmp0, $4  }
0xca: {  	v1 =	vand.u32 $0xFFFF, v0;
	v0 =	vshra.s32 v0, $0x10  }
0xcb: {  	[tilespmem:$0x5050] =	vst v1  }
0xcc: {  	[tilespmem:$0x5150] =	vst v0  }
0xcd: {  	v0 =	vld [tilespmem:s30+$0x60]  }
0xce: {  	_ =	sdelay $0x3  }
0xcf: {  	v1 =	vand.u32 $0xFFFF, v0  }
0xd0: {  	v62 =	vshra.s32 v0, $0x10;
	[tilespmem:$0x5060] =	vst v1  }
0xd1: {  	[tilespmem:$0x5160] =	vst v62  }
0xd2: {  	v0 =	vld [tilespmem:s30+$0x70];
	_ =	sdelay $0x4  }
0xd3: {  	v63 =	vand.u32 $0xFFFF, v0  }
0xd4: {  	v0 =	vshra.s32 v0, $0x10;
	[tilespmem:$0x5070] =	vst v63  }
0xd5: {  	[tilespmem:$0x5170] =	vst v0  }
0xd6: {  	[tilespmem:s16], [sflag:$0x1] =	stream.indirect.gather [spmem:s2], $0x40, s15, s14, $0xb8;
	[tilespmem:$0x1CC40] =	vst v63  }
0xd7: {  	_ =	swait.ge [sflag:s22], $0x2000  }
0xd8: {  	[sflag:s22] =	ssyncset.done $0x0  }
0xd9: {  	[sflag:s22] =	ssyncadd.s32 $0xFFFFE000  }
0xda: {  	[spmem:s3] =	stream.indirect.scatter.add.f32 [tilespmem:s18], [sflag:$0x4], $0x40, s23, s14, $0xb8;
	[tilespmem:$0x1CC40] =	vst v63  }
0xdb: {  	_ =	swait.ge [sflag:s24], $0x2000  }
0xdc: {  	[sflag:s24] =	ssyncset.done $0x0  }
0xdd: {  	[sflag:s24] =	ssyncadd.s32 $0xFFFFE000  }
0xde: {  	_ =	swait.ge [sflag:s19], $0x2000  }
0xdf: {  	s25 =	sadd.s32 $0x1, s25;
	[sflag:s19] =	ssyncset.done $0x0  }
0xe0: {  	p0 =	sne.s32 s25, s9;
	[sflag:s19] =	ssyncadd.s32 $0xFFFFE000  }
.Ltmp1:
0xe1: {  	[bflag:$0x0] =	sbarrier.arrive $0xFFFF;
	(pc) =	sbr.rel @p0 .LBB2_1-.Ltmp1, $4  }
0xe2: {  	[hbm:s8], [sflag:s11] =	dma.local [spmem:s13], $0x13C0  }
0xe3: {  	_ =	swait.ge [sflag:s10], $0x13C0  }
0xe4: {  	[sflag:s10] =	ssyncset.done $0x0  }
0xe5: {  	[sflag:s10] =	ssyncadd.s32 $0xFFFFEC40  }
0xe6: {  	_ =	sfence.sel $0x180000  }
0xe7: {  	[bflag:$0x0] =	sbarrier.arrive $0xFFFF  }
0xe8: {  	p0 =	sne.s32 s0, $0x0;
	_ =	strace $0x9000004A  }
0xe9: {  	s0 =	sadd.s32 @!p0 $0x100000, s1;
	[bflag:$0x2] =	sbarrier.arrive $0xFFFF  }
0xea: {  	[sflag:s0] =	ssyncadd.tile.s32 @!p0 $0x1;
	_ =	shalt  }
.Lfunc_end2:
_tile_overlayer_lowered:
.L_overlay_start_2:
0xeb: {  	(tag) =	ssettag $0x2  }
0xec: {  	s0 =	rddreg [dreg:$0x0];
	s2 =	stileid.u32  }
0xed: {  	s1 =	rddreg [dreg:$0x1];
	p0 =	sne.s32 s2, $0x0  }
0xee: {  	s3 =	rddreg [dreg:$0x2];
	[bflag:$0x3] =	sbarrier.arrive $0xFFFF;
	s2 =	simm.s32 @!p0 $0x1C05  }
0xef: {  	[timem:s3], [sflag:s2] =	dma.local @!p0 [hbm:s0], s1  }
0xf0: {  	s0 =	simm.s32 @!p0 $0x5  }
0xf1: {  	_ =	swait.ge @!p0 [sflag:s0], s1  }
0xf2: {  	s1 =	ssub.s32 @!p0 $0x0, s1;
	[sflag:s0] =	ssyncset.done @!p0 $0x0  }
0xf3: {  	[sflag:s0] =	ssyncadd.s32 @!p0 s1  }
0xf4: {  	[bflag:$0x3] =	sbarrier.arrive $0xFFFF  }
0xf5: {  	_ =	shalt  }

// kernel: kernel.14.cloned.1.call-start
scs
__scs_entry_jumppad:
0x0: {  	(pc) =	sbr.rel $0x88, $3  }
0x1: {  	(tag) =	ssettag $0x0;
	lr =	simm.s32 $0x1  }
0x2: {  	[smem:$0x3F9B] =	sst lr;
	_ =	strace $0xD0000000  }
0x3: {  	_ = 	snop  }
0x4: {  	_ = 	snop  }
0x5: {  	_ = 	snop  }
0x6: {  	_ = 	snop  }
0x7: {  	_ = 	snop  }
__scs_overlays_trampoline_lowered:
0x8: {  	[smem:$0x3FAA] =	sst s0  }
0x9: {  	[smem:$0x3FAB] =	sst s1  }
0xa: {  	[smem:$0x3FAC] =	sst s2  }
0xb: {  	[smem:$0x3FAD] =	sst s3  }
0xc: {  	[smem:$0x3FAE] =	sst s4  }
0xd: {  	[smem:$0x3FAF] =	sst s5  }
0xe: {  	[smem:$0x3FB0] =	sst s6  }
0xf: {  	[smem:$0x3FB1] =	sst s7  }
0x10: {  	[smem:$0x3FB2] =	sst s8  }
0x11: {  	[smem:$0x3FB3] =	sst s9;
	s0 =	simm.s32 @!p0 $0x0  }
0x12: {  	s1 =	sld [smem:$0x3F99];
	s0 =	simm.s32 @p0 $0x1  }
0x13: {  	[smem:$0x3FB4] =	sst s0;
	s0 =	simm.s32 @!p1 $0x0  }
0x14: {  	s2 =	sld [smem:$0x3F98];
	s0 =	simm.s32 @p1 $0x1  }
0x15: {  	[smem:$0x3FB5] =	sst s0;
	s0 =	simm.s32 @!p2 $0x0  }
0x16: {  	s3 =	sld [smem:$0x3FDB];
	s0 =	simm.s32 @p2 $0x1  }
0x17: {  	s4 =	simm.s32 $0x1BF5;
	[smem:$0x3FB7] =	sst s0  }
0x18: {  	s0 =	sld [smem:$0x3F9A];
	_ =	swait.ge [sflag:s4], $0x0  }
0x19: {  	s7 =	sld [smem:$0x3F9B]  }
0x1a: {  	s8 =	sadd.s32 $0xFFFFE003, lr  }
0x1b: {  	s9 =	sadd.s32 $0xFFFFFEF7, lr;
	s5 =	simm.s32 $0xFFFFFFFF;
	p2 =	slt.u32 s8, $0xFFFFF086  }
0x1c: {  	p1 =	slt.u32 s9, $0xF7A;
	s5 =	simm.s32 @!p2 $0x0  }
0x1d: {  	s5 =	simm.s32 @p1 $0x1;
	p0 =	seq.s32 s7, s2  }
0x1e: {  	s7 =	smul.u32 @!p0 $0xF7A, s2;
	p2 =	seq.s32 @!p0 s5, $0x0  }
0x1f: {  	s9 =	smul.u32 $0xF7A, s1;
	s8 =	simm.s32 @!p0 $0x1BF5;
	p2 =	por !p2, p0  }
0x20: {  	[sflag:s8] =	ssyncset.s32 @!p0 $0xFFFFF086;
	s6 =	sadd.s32 @!p0 s3, s7;
	s7 =	simm.s32 @!p0 $0x108  }
0x21: {  	s3 =	sadd.s32 s3, s9;
	s6 =	sadd.s32 @!p0 $0x88, s6;
	s7 =	simm.s32 @p2 $0x1082  }
0x22: {  	[simem:s7], [sflag:s8] =	dma.local @!p0 [hbm:s6], $0xF7A  }
0x23: {  	s9 =	sor.u32 $0xD0000000, s2;
	s6 =	simm.s32 $0x108;
	_ =	swait.ge @!p0 [sflag:s8], $0x0  }
0x24: {  	s3 =	sadd.s32 $0x88, s3;
	s6 =	simm.s32 @!p1 $0x1082;
	[sflag:s4] =	ssyncset.s32 $0xFFFFF086  }
0x25: {  	[simem:s6], [sflag:s4] =	dma.local [hbm:s3], $0xF7A  }
0x26: {  	[smem:$0x3F9B] =	sst s1;
	(tag) =	ssettag s2;
	_ =	strace s9  }
0x27: {  	s1 =	sld [smem:$0x3FAB]  }
0x28: {  	s2 =	sld [smem:$0x3FAC]  }
0x29: {  	s4 =	sld [smem:$0x3FAE]  }
0x2a: {  	p0 =	seq.s32 s5, $0x0;
	s5 =	sld [smem:$0x3FAF]  }
0x2b: {  	s6 =	sld [smem:$0x3FB0]  }
0x2c: {  	s7 =	sld [smem:$0x3FB1]  }
0x2d: {  	s3 =	simm.s32 $0x108;
	s8 =	sld [smem:$0x3FB2]  }
0x2e: {  	s3 =	simm.s32 @!p0 $0x1082;
	s9 =	sld [smem:$0x3FB3]  }
0x2f: {  	lr =	sadd.s32 s0, s3;
	s0 =	sld [smem:$0x3FAA]  }
0x30: {  	s3 =	sld [smem:$0x3FAD]  }
0x31: {  	[smem:$0x3FB6] =	sst s10  }
0x32: {  	s10 =	sld [smem:$0x3FB4];
	_ =	sdelay $0x3  }
0x33: {  	p0 =	seq.s32 s10, $0x1;
	s10 =	sld [smem:$0x3FB6];
	_ =	sdelay $0x3  }
0x34: {  	[smem:$0x3FB6] =	sst s10  }
0x35: {  	s10 =	sld [smem:$0x3FB5];
	_ =	sdelay $0x3  }
0x36: {  	p1 =	seq.s32 s10, $0x1;
	s10 =	sld [smem:$0x3FB6];
	_ =	sdelay $0x3  }
0x37: {  	[smem:$0x3FB6] =	sst s10  }
0x38: {  	s10 =	sld [smem:$0x3FB7]  }
0x39: {  	_ = 	snop;
	(pc) =	sbr.ind lr, $3  }
0x3a: {  	_ = 	snop  }
0x3b: {  	_ = 	snop  }
0x3c: {  	p2 =	seq.s32 s10, $0x1;
	s10 =	sld [smem:$0x3FB6]  }
0x3d: {  	_ =	shalt  }
0x3e: {  	_ =	shalt  }
0x3f: {  	_ =	shalt  }
0x40: {  	_ =	shalt  }
0x41: {  	_ =	shalt  }
0x42: {  	_ =	shalt  }
0x43: {  	_ =	shalt  }
0x44: {  	_ =	shalt  }
0x45: {  	_ =	shalt  }
0x46: {  	_ =	shalt  }
0x47: {  	_ =	shalt  }
0x48: {  	_ =	shalt  }
0x49: {  	_ =	shalt  }
0x4a: {  	_ =	shalt  }
0x4b: {  	_ =	shalt  }
0x4c: {  	_ =	shalt  }
0x4d: {  	_ =	shalt  }
0x4e: {  	_ =	shalt  }
0x4f: {  	_ =	shalt  }
0x50: {  	_ =	shalt  }
0x51: {  	_ =	shalt  }
0x52: {  	_ =	shalt  }
0x53: {  	_ =	shalt  }
0x54: {  	_ =	shalt  }
0x55: {  	_ =	shalt  }
0x56: {  	_ =	shalt  }
0x57: {  	_ =	shalt  }
0x58: {  	_ =	shalt  }
0x59: {  	_ =	shalt  }
0x5a: {  	_ =	shalt  }
0x5b: {  	_ =	shalt  }
0x5c: {  	_ =	shalt  }
0x5d: {  	_ =	shalt  }
0x5e: {  	_ =	shalt  }
0x5f: {  	_ =	shalt  }
0x60: {  	_ =	shalt  }
0x61: {  	_ =	shalt  }
0x62: {  	_ =	shalt  }
0x63: {  	_ =	shalt  }
0x64: {  	_ =	shalt  }
0x65: {  	_ =	shalt  }
0x66: {  	_ =	shalt  }
0x67: {  	_ =	shalt  }
0x68: {  	_ =	shalt  }
0x69: {  	_ =	shalt  }
0x6a: {  	_ =	shalt  }
0x6b: {  	_ =	shalt  }
0x6c: {  	_ =	shalt  }
0x6d: {  	_ =	shalt  }
0x6e: {  	_ =	shalt  }
0x6f: {  	_ =	shalt  }
0x70: {  	_ =	shalt  }
0x71: {  	_ =	shalt  }
0x72: {  	_ =	shalt  }
0x73: {  	_ =	shalt  }
0x74: {  	_ =	shalt  }
0x75: {  	_ =	shalt  }
0x76: {  	_ =	shalt  }
0x77: {  	_ =	shalt  }
0x78: {  	_ =	shalt  }
0x79: {  	_ =	shalt  }
0x7a: {  	_ =	shalt  }
0x7b: {  	_ =	shalt  }
0x7c: {  	_ =	shalt  }
0x7d: {  	_ =	shalt  }
0x7e: {  	_ =	shalt  }
0x7f: {  	_ =	shalt  }
0x80: {  	_ =	shalt  }
0x81: {  	_ =	shalt  }
0x82: {  	_ =	shalt  }
0x83: {  	_ =	shalt  }
0x84: {  	_ =	shalt  }
0x85: {  	_ =	shalt  }
0x86: {  	_ =	shalt  }
0x87: {  	_ =	shalt  }
.Lfunc_end0:
.L_simem_size_0:
called_computation.2_lowered:
.L_overlay_start_0:
0x88: {  	s2 =	sld [smem:$0x3FD9]  }
0x89: {  	s3 =	sld [smem:$0x3FFE];
	_ =	sdelay $0x1  }
0x8a: {  	s1 =	srdreg.scid  }
0x8b: {  	s0 =	sand.u32 $0x1, s1  }
0x8c: {  	s16 =	sshll.u32 s0, $0xA;
	s2 =	sadd.s32 s3, s2  }
0x8d: {  	s2 =	sadd.s32 s2, s16  }
0x8e: {  	[smem:$0x3FC2] =	sst s2  }
0x8f: {  	_ = 	snop  }
0x90: {  	(tm) =	ssettm $0x1  }
0x91: {  	s17 =	sld [smem:$0x3FFB];
	_ =	sdelay $0x3  }
0x92: {  	_ =	strace s17  }
0x93: {  	s2 =	sld [smem:$0x3FFC];
	_ =	sdelay $0x3  }
0x94: {  	_ =	strace s2  }
0x95: {  	s2 =	sld [smem:$0x3FFD];
	_ =	sdelay $0x3  }
0x96: {  	_ =	strace s2  }
0x97: {  	_ =	strace $0x8FFFFFFF  }
0x98: {  	s18 =	sld [smem:$0x3FDB];
	_ =	sdelay $0x1  }
0x99: {  	s19 =	simm.s32 $_scs_section_size  }
0x9a: {  	s4 =	simm.s32 $_size__tile_overlayer_lowered;
	s5 =	simm.s32 $_tile_overlayer_lowered  }
0x9b: {  	s22 =	simm.s32 $0x1BFF;
	s21 =	sshll.u32 s5, $0x1;
	s2 =	sadd.s32 s19, s18  }
0x9c: {  	s6 =	simm.s32 $0x0;
	s20 =	sshll.u32 s4, $0x1;
	s4 =	sadd.s32 s21, s2  }
0x9d: {  	[timem:s6], [sflag:s22] =	dma.local [hbm:s4], s20  }
0x9e: {  	_ =	swait.ge [sflag:s22], s20  }
0x9f: {  	s3 =	ssub.s32 $0x0, s20;
	[sflag:s22] =	ssyncset.done $0x0  }
0xa0: {  	[sflag:s22] =	ssyncadd.s32 s3;
	_ =	sdelay $0x1  }
0xa1: {  	s23 =	simm.s32 $0x1B8B  }
0xa2: {  	_ =	swait.ge [sflag:s23], $0x1  }
0xa3: {  	[sflag:s23] =	ssyncset.done $0x0  }
0xa4: {  	s25 =	simm.s32 $0x1B8E;
	s24 =	sld [smem:$0x3FFE];
	[sflag:s23] =	ssyncadd.s32 $0xFFFFFFFF  }
0xa5: {  	s26 =	simm.s32 $execute0_lowered;
	[smem:$0x3FD2] =	sst s25  }
0xa6: {  	s4 =	sshll.u32 s26, $0x1;
	_ =	strace $0x8000004C;
	[dreg:$0x1] =	wrdreg $0xFFFFFFFF  }
0xa7: {  	s28 =	simm.s32 $_size_execute0_lowered;
	s2 =	sadd.s32 s2, s4;
	[dreg:$0x0] =	wrdreg $0x0  }
0xa8: {  	s4 =	sshll.u32 s28, $0x1;
	[dreg:$0x2] =	wrdreg s2  }
0xa9: {  	[dreg:$0x3] =	wrdreg s4  }
0xaa: {  	[dreg:$0x4] =	wrdreg $0xC0  }
0xab: {  	_ =	task [dreg:s6], $0x5FFFF  }
0xac: {  	[dreg:$0x1] =	wrdreg $0xFFFFFFFF  }
0xad: {  	[dreg:$0x0] =	wrdreg $0x60  }
0xae: {  	[dreg:$0x2] =	wrdreg s24  }
0xaf: {  	[dreg:$0x3] =	wrdreg $0x3A000  }
0xb0: {  	[dreg:$0x4] =	wrdreg $0x61100  }
0xb1: {  	[dreg:$0x5] =	wrdreg $0x9  }
0xb2: {  	_ =	task.clear_ibuf [dreg:s6], $0x6FFFF;
	_ =	strace $0x9000004C  }
0xb3: {  	s29 =	simm.s32 $0x9;
	_ =	strace $0x8000004E  }
0xb4: {  	_ =	swait.ge [sflag:s29], $0x1  }
0xb5: {  	[sflag:s29] =	ssyncadd.s32 $0xFFFFFFFF  }
0xb6: {  	_ =	strace $0x9000004E  }
0xb7: {  	_ =	sfence  }
0xb8: {  	s30 =	sld [smem:$0x0];
	_ =	sdelay $0x2  }
0xb9: {  	s31 =	sshll.u32 s1, $0xD;
	s1 =	sshrl.u32 s1, $0x2  }
0xba: {  	s3 =	sand.u32 $0x4000, s31;
	s1 =	sadd.s32 s1, s30  }
0xbb: {  	s0 =	sor.u32 s3, s0;
	s1 =	sshll.u32 s1, $0x11  }
0xbc: {  	s0 =	sor.u32 s1, s0  }
0xbd: {  	s0 =	sadd.s32 $0x8F2B, s0  }
0xbe: {  	[sflag:s0] =	ssyncadd.remote.s32 $0x1  }
0xbf: {  	_ =	sfence.sel $0xFFFF  }
0xc0: {  	[dreg:$0x0] =	wrdreg $0xFFFFFFFF;
	(pc) =	sbr.abs _section_cstart, $3  }
0xc1: {  	[dreg:$0x1] =	wrdreg $0xFFFFFFFF  }
0xc2: {  	_ =	task.clear_ibuf [dreg:s6], $0x2FFFF;
	_ =	strace $0x9FFFFFFF  }
0xc3: {  	(tm) =	ssettm $0x7FFFFFFF  }
tec
execute0_lowered:
.L_overlay_start_1:
0x0: {  	(tag) =	ssettag $0x1  }
0x1: {  	s6 =	rddreg [dreg:$0x0]  }
0x2: {  	s0 =	srdreg.scid;
	s2 =	rddreg [dreg:$0x1]  }
0x3: {  	s3 =	rddreg [dreg:$0x2];
	s4 =	simm.s32 $0x0;
	s16 =	simm.s32 $0x2A00  }
0x4: {  	s17 =	simm.s32 $0x2880;
	s18 =	simm.s32 $0x3200;
	s19 =	simm.s32 $0x1  }
0x5: {  	s20 =	simm.s32 $0x2900;
	s5 =	sand.u32 $0x1, s0;
	s0 =	stileid.u32  }
0x6: {  	s21 =	simm.s32 $0x3;
	s22 =	simm.s32 $0x2;
	s7 =	smul.u32 $0x2710, s0  }
0x7: {  	s23 =	simm.s32 $0x2980;
	s24 =	simm.s32 $0x4;
	s9 =	smul.u32 $0x2780, s0  }
0x8: {  	s25 =	simm.s32 $0x0;
	[smem:$0x7FF] =	sst s4;
	s10 =	smul.u32 $0x4F0, s0  }
0x9: {  	s1 =	sshll.u32 s5, $0x4;
	s12 =	smul.u32 $0x4F00, s5;
	s5 =	ssub.s32 $0x2, s5  }
0xa: {  	s31 =	sshll.u32 s0, $0x6;
	s1 =	sor.u32 s0, s1;
	s30 =	sshrl.u32 s5, $0x1  }
0xb: {  	s8 =	smul.u32 $0x500, s1;
	s1 =	rddreg [dreg:$0x3];
	_ =	strace $0x8000004D  }
0xc: {  	s11 =	sshrl.u32 s7, $0x3;
	s13 =	sshrl.u32 s9, $0x3;
	s10 =	sadd.s32 s10, s12  }
0xd: {  	s12 =	ssub.s32 s5, s30;
	s14 =	sadd.s32 s7, s2;
	s15 =	sadd.s32 s9, s3  }
0xe: {  	s11 =	sadd.s32 s11, s6;
	s13 =	sadd.s32 s13, s6;
	s10 =	sadd.s32 s10, s6  }
0xf: {  	s9 =	smax.u32 s12, $0x1;
	s12 =	sshrl.u32 s14, $0x3;
	s14 =	simm.s32 $0x80  }
0x10: {  	s8 =	sadd.s32 s8, s6;
	s6 =	sadd.s32 $0x10800, s11;
	s7 =	sadd.s32 $0xB800, s13  }
0x11: {  	s11 =	sor.u32 $0x1C05, s31;
	s13 =	sshrl.u32 s15, $0x3;
	s15 =	simm.s32 $0x2800  }
0x12: {  	s5 =	sadd.s32 $0x1A600, s8;
	s8 =	sadd.s32 $0x1800, s10;
	s10 =	simm.s32 $0x5  }
.LBB2_1:
0x13: {  	[tilespmem:s4], [sflag:$0x5] =	stream.linear.gather [hbm4b:s5+s4], $0x2800, $0x38;
	[tilespmem:$0x8890] =	vst v63  }
0x14: {  	_ =	swait.ge [sflag:s10], $0x2800  }
0x15: {  	[sflag:s10] =	ssyncset.done $0x0  }
0x16: {  	[sflag:s10] =	ssyncadd.s32 $0xFFFFD800  }
0x17: {  	[spmem:s12], [sflag:s11] =	dma.local [hbm:s6], $0x4E2  }
0x18: {  	_ =	swait.ge [sflag:s10], $0x4E2  }
0x19: {  	[sflag:s10] =	ssyncset.done $0x0  }
0x1a: {  	[sflag:s10] =	ssyncadd.s32 $0xFFFFFB1E  }
0x1b: {  	[spmem:s13], [sflag:s11] =	dma.local [hbm:s7], $0x4F0  }
0x1c: {  	_ =	swait.ge [sflag:s10], $0x4F0  }
0x1d: {  	[sflag:s10] =	ssyncset.done $0x0  }
0x1e: {  	[sflag:s10] =	ssyncadd.s32 $0xFFFFFB10  }
0x1f: {  	[bflag:$0x0] =	sbarrier.arrive $0xFFFF  }
0x20: {  	v0 =	vld [tilespmem:$0x0];
	_ =	sdelay $0x1  }
0x21: {  	v1 =	vld [tilespmem:$0x10];
	_ =	sdelay $0x1  }
0x22: {  	v2 =	vld [tilespmem:$0x20]  }
0x23: {  	v3 =	vand.u32 $0xFFFF, v0  }
0x24: {  	v0 =	vshra.s32 v0, $0x10;
	[tilespmem:$0x2800] =	vst v3;
	v3 =	vld [tilespmem:$0x30]  }
0x25: {  	[tilespmem:$0x2900] =	vst v0;
	v0 =	vand.u32 $0xFFFF, v1  }
0x26: {  	[tilespmem:$0x2810] =	vst v0;
	v0 =	vshra.s32 v1, $0x10;
	v1 =	vld [tilespmem:$0x40]  }
0x27: {  	[tilespmem:$0x2910] =	vst v0;
	v0 =	vand.u32 $0xFFFF, v2  }
0x28: {  	[tilespmem:$0x2820] =	vst v0;
	v0 =	vshra.s32 v2, $0x10;
	v2 =	vld [tilespmem:$0x50]  }
0x29: {  	[tilespmem:$0x2920] =	vst v0;
	v0 =	vand.u32 $0xFFFF, v3  }
0x2a: {  	[tilespmem:$0x2830] =	vst v0;
	v0 =	vshra.s32 v3, $0x10;
	v3 =	vld [tilespmem:$0x60]  }
0x2b: {  	[tilespmem:$0x2930] =	vst v0;
	v0 =	vand.u32 $0xFFFF, v1  }
0x2c: {  	[tilespmem:$0x2840] =	vst v0;
	v0 =	vshra.s32 v1, $0x10;
	v1 =	vld [tilespmem:$0x70]  }
0x2d: {  	[tilespmem:$0x2940] =	vst v0;
	v0 =	vand.u32 $0xFFFF, v2  }
0x2e: {  	[tilespmem:$0x2850] =	vst v0;
	v0 =	vshra.s32 v2, $0x10  }
0x2f: {  	[tilespmem:$0x2950] =	vst v0;
	v0 =	vand.u32 $0xFFFF, v3  }
0x30: {  	[tilespmem:$0x2860] =	vst v0;
	v0 =	vshra.s32 v3, $0x10  }
0x31: {  	[tilespmem:$0x2960] =	vst v0;
	v0 =	vand.u32 $0xFFFF, v1  }
0x32: {  	p0 =	por $0x1, $0x1;
	[tilespmem:$0x2870] =	vst v0;
	v0 =	vshra.s32 v1, $0x10  }
0x33: {  	s28 =	simm.s32 @!p0 $0x4;
	[tilespmem:$0x2970] =	vst v0  }
0x34: {  	[tilespmem:s16], [sflag:$0x1] =	stream.indirect.gather [spmem:s2], $0x10, s15, s14, $0xb8;
	[tilespmem:$0x8890] =	vst v63  }
0x35: {  	_ =	swait.ge @!p0 [sflag:s28], $0x800  }
0x36: {  	[sflag:s28] =	ssyncset.done @!p0 $0x0  }
0x37: {  	s26 =	simm.s32 $0xF0;
	[sflag:s28] =	ssyncadd.s32 @!p0 $0xFFFFF800  }
0x38: {  	v0 =	vld [tilespmem:s26+$0xFFFFFF90];
	_ =	sdelay $0x4  }
0x39: {  	v1 =	vand.u32 $0xFFFF, v0  }
0x3a: {  	v0 =	vshra.s32 v0, $0x10;
	[tilespmem:$0x2880] =	vst v1  }
0x3b: {  	[tilespmem:$0x2980] =	vst v0  }
0x3c: {  	v0 =	vld [tilespmem:s26+$0xFFFFFFA0];
	_ =	sdelay $0x4  }
0x3d: {  	v1 =	vand.u32 $0xFFFF, v0  }
0x3e: {  	v0 =	vshra.s32 v0, $0x10;
	[tilespmem:$0x2890] =	vst v1  }
0x3f: {  	[tilespmem:$0x2990] =	vst v0  }
0x40: {  	v0 =	vld [tilespmem:s26+$0xFFFFFFB0];
	_ =	sdelay $0x4  }
0x41: {  	v1 =	vand.u32 $0xFFFF, v0  }
0x42: {  	v0 =	vshra.s32 v0, $0x10;
	[tilespmem:$0x28A0] =	vst v1  }
0x43: {  	[tilespmem:$0x29A0] =	vst v0  }
0x44: {  	v0 =	vld [tilespmem:s26+$0xFFFFFFC0];
	_ =	sdelay $0x4  }
0x45: {  	v1 =	vand.u32 $0xFFFF, v0  }
0x46: {  	v0 =	vshra.s32 v0, $0x10;
	[tilespmem:$0x28B0] =	vst v1  }
0x47: {  	[tilespmem:$0x29B0] =	vst v0  }
0x48: {  	v0 =	vld [tilespmem:s26+$0xFFFFFFD0];
	_ =	sdelay $0x4  }
0x49: {  	v1 =	vand.u32 $0xFFFF, v0  }
0x4a: {  	v0 =	vshra.s32 v0, $0x10;
	[tilespmem:$0x28C0] =	vst v1  }
0x4b: {  	[tilespmem:$0x29C0] =	vst v0  }
0x4c: {  	v0 =	vld [tilespmem:s26+$0xFFFFFFE0];
	_ =	sdelay $0x4  }
0x4d: {  	v1 =	vand.u32 $0xFFFF, v0  }
0x4e: {  	v0 =	vshra.s32 v0, $0x10;
	[tilespmem:$0x28D0] =	vst v1  }
0x4f: {  	[tilespmem:$0x29D0] =	vst v0  }
0x50: {  	v0 =	vld [tilespmem:s26+$0xFFFFFFF0];
	_ =	sdelay $0x4  }
0x51: {  	v1 =	vand.u32 $0xFFFF, v0  }
0x52: {  	v0 =	vshra.s32 v0, $0x10;
	[tilespmem:$0x28E0] =	vst v1  }
0x53: {  	[tilespmem:$0x29E0] =	vst v0  }
0x54: {  	v0 =	vld [tilespmem:s26+$0x0];
	_ =	sdelay $0x4  }
0x55: {  	v1 =	vand.u32 $0xFFFF, v0  }
0x56: {  	v0 =	vshra.s32 v0, $0x10;
	[tilespmem:$0x28F0] =	vst v1  }
0x57: {  	[tilespmem:$0x29F0] =	vst v0  }
0x58: {  	[tilespmem:s18], [sflag:$0x2] =	stream.indirect.gather [spmem:s2], $0x10, s17, s14, $0xb8;
	[tilespmem:$0x8890] =	vst v63  }
0x59: {  	_ =	swait.ge [sflag:s19], $0x800  }
0x5a: {  	[sflag:s19] =	ssyncset.done $0x0  }
0x5b: {  	[sflag:s19] =	ssyncadd.s32 $0xFFFFF800  }
0x5c: {  	[spmem:s3] =	stream.indirect.scatter.add.f32 [tilespmem:s16], [sflag:$0x3], $0x10, s20, s14, $0xb8;
	[tilespmem:$0x8890] =	vst v63  }
0x5d: {  	_ =	swait.ge [sflag:s21], $0x800  }
0x5e: {  	s30 =	simm.s32 $0x100;
	p0 =	por $0x0, $0x0;
	[sflag:s21] =	ssyncset.done $0x0  }
0x5f: {  	s30 =	simm.s32 @p0 $0x0;
	[sflag:s21] =	ssyncadd.s32 $0xFFFFF800  }
0x60: {  	v0 =	vld [tilespmem:s30+$0x0];
	_ =	sdelay $0x4  }
0x61: {  	v1 =	vand.u32 $0xFFFF, v0  }
0x62: {  	v0 =	vshra.s32 v0, $0x10;
	[tilespmem:$0x2800] =	vst v1  }
0x63: {  	[tilespmem:$0x2900] =	vst v0  }
0x64: {  	v0 =	vld [tilespmem:s30+$0x10];
	_ =	sdelay $0x4  }
0x65: {  	v1 =	vand.u32 $0xFFFF, v0  }
0x66: {  	v0 =	vshra.s32 v0, $0x10;
	[tilespmem:$0x2810] =	vst v1  }
0x67: {  	[tilespmem:$0x2910] =	vst v0  }
0x68: {  	v0 =	vld [tilespmem:s30+$0x20];
	_ =	sdelay $0x4  }
0x69: {  	v1 =	vand.u32 $0xFFFF, v0  }
0x6a: {  	v0 =	vshra.s32 v0, $0x10;
	[tilespmem:$0x2820] =	vst v1  }
0x6b: {  	[tilespmem:$0x2920] =	vst v0  }
0x6c: {  	v0 =	vld [tilespmem:s30+$0x30];
	_ =	sdelay $0x4  }
0x6d: {  	v1 =	vand.u32 $0xFFFF, v0  }
0x6e: {  	v0 =	vshra.s32 v0, $0x10;
	[tilespmem:$0x2830] =	vst v1  }
0x6f: {  	[tilespmem:$0x2930] =	vst v0  }
0x70: {  	v0 =	vld [tilespmem:s30+$0x40];
	_ =	sdelay $0x4  }
0x71: {  	v1 =	vand.u32 $0xFFFF, v0  }
0x72: {  	v0 =	vshra.s32 v0, $0x10;
	[tilespmem:$0x2840] =	vst v1  }
0x73: {  	[tilespmem:$0x2940] =	vst v0  }
0x74: {  	v0 =	vld [tilespmem:s30+$0x50];
	_ =	sdelay $0x4  }
0x75: {  	v1 =	vand.u32 $0xFFFF, v0  }
0x76: {  	v0 =	vshra.s32 v0, $0x10;
	[tilespmem:$0x2850] =	vst v1  }
0x77: {  	[tilespmem:$0x2950] =	vst v0  }
0x78: {  	s28 =	simm.s32 $0x200;
	v0 =	vld [tilespmem:s30+$0x60]  }
.LBB2_2:
0x79: {  	_ =	sdelay $0x1  }
0x7a: {  	s26 =	sadd.s32 $0x100, s26;
	s29 =	smov.u32 s28;
	s28 =	sadd.s32 $0x100, s28  }
0x7b: {  	p0 =	sne.s32 s28, $0x2900  }
0x7c: {  	v1 =	vand.u32 $0xFFFF, v0;
	v0 =	vshra.s32 v0, $0x10  }
0x7d: {  	[tilespmem:$0x2860] =	vst v1  }
0x7e: {  	[tilespmem:$0x2960] =	vst v0  }
0x7f: {  	v0 =	vld [tilespmem:s30+$0x70];
	_ =	sdelay $0x4  }
0x80: {  	v1 =	vand.u32 $0xFFFF, v0;
	v0 =	vshra.s32 v0, $0x10  }
0x81: {  	[tilespmem:$0x2870] =	vst v1  }
0x82: {  	[tilespmem:$0x2970] =	vst v0  }
0x83: {  	[tilespmem:s16], [sflag:$0x1] =	stream.indirect.gather [spmem:s2], $0x10, s15, s14, $0xb8;
	[tilespmem:$0x8890] =	vst v63  }
0x84: {  	_ =	swait.ge [sflag:s22], $0x800  }
0x85: {  	p1 =	seq.s32 s29, $0x100;
	[sflag:s22] =	ssyncset.done $0x0  }
0x86: {  	s30 =	simm.s32 @!p1 $0x4;
	[sflag:s22] =	ssyncadd.s32 $0xFFFFF800  }
0x87: {  	[spmem:s3] =	stream.indirect.scatter.add.f32 [tilespmem:s18], [sflag:$0x4], $0x10, s23, s14, $0xb8;
	[tilespmem:$0x8890] =	vst v63  }
0x88: {  	_ =	swait.ge @!p1 [sflag:s30], $0x800  }
0x89: {  	[sflag:s30] =	ssyncset.done @!p1 $0x0  }
0x8a: {  	[sflag:s30] =	ssyncadd.s32 @!p1 $0xFFFFF800  }
0x8b: {  	v0 =	vld [tilespmem:s26+$0xFFFFFF90];
	_ =	sdelay $0x4  }
0x8c: {  	v1 =	vand.u32 $0xFFFF, v0;
	v0 =	vshra.s32 v0, $0x10  }
0x8d: {  	[tilespmem:$0x2880] =	vst v1  }
0x8e: {  	[tilespmem:$0x2980] =	vst v0  }
0x8f: {  	v0 =	vld [tilespmem:s26+$0xFFFFFFA0];
	_ =	sdelay $0x4  }
0x90: {  	v1 =	vand.u32 $0xFFFF, v0;
	v0 =	vshra.s32 v0, $0x10  }
0x91: {  	[tilespmem:$0x2890] =	vst v1  }
0x92: {  	[tilespmem:$0x2990] =	vst v0  }
0x93: {  	v0 =	vld [tilespmem:s26+$0xFFFFFFB0];
	_ =	sdelay $0x4  }
0x94: {  	v1 =	vand.u32 $0xFFFF, v0;
	v0 =	vshra.s32 v0, $0x10  }
0x95: {  	[tilespmem:$0x28A0] =	vst v1  }
0x96: {  	[tilespmem:$0x29A0] =	vst v0  }
0x97: {  	v0 =	vld [tilespmem:s26+$0xFFFFFFC0];
	_ =	sdelay $0x4  }
0x98: {  	v1 =	vand.u32 $0xFFFF, v0;
	v0 =	vshra.s32 v0, $0x10  }
0x99: {  	[tilespmem:$0x28B0] =	vst v1  }
0x9a: {  	[tilespmem:$0x29B0] =	vst v0  }
0x9b: {  	v0 =	vld [tilespmem:s26+$0xFFFFFFD0];
	_ =	sdelay $0x4  }
0x9c: {  	v1 =	vand.u32 $0xFFFF, v0;
	v0 =	vshra.s32 v0, $0x10  }
0x9d: {  	[tilespmem:$0x28C0] =	vst v1  }
0x9e: {  	[tilespmem:$0x29C0] =	vst v0  }
0x9f: {  	v0 =	vld [tilespmem:s26+$0xFFFFFFE0];
	_ =	sdelay $0x4  }
0xa0: {  	v1 =	vand.u32 $0xFFFF, v0;
	v0 =	vshra.s32 v0, $0x10  }
0xa1: {  	[tilespmem:$0x28D0] =	vst v1  }
0xa2: {  	[tilespmem:$0x29D0] =	vst v0  }
0xa3: {  	v0 =	vld [tilespmem:s26+$0xFFFFFFF0];
	_ =	sdelay $0x4  }
0xa4: {  	v1 =	vand.u32 $0xFFFF, v0;
	v0 =	vshra.s32 v0, $0x10  }
0xa5: {  	[tilespmem:$0x28E0] =	vst v1  }
0xa6: {  	[tilespmem:$0x29E0] =	vst v0  }
0xa7: {  	v0 =	vld [tilespmem:s26+$0x0];
	_ =	sdelay $0x4  }
0xa8: {  	v1 =	vand.u32 $0xFFFF, v0;
	v0 =	vshra.s32 v0, $0x10  }
0xa9: {  	[tilespmem:$0x28F0] =	vst v1  }
0xaa: {  	[tilespmem:$0x29F0] =	vst v0  }
0xab: {  	[tilespmem:s18], [sflag:$0x2] =	stream.indirect.gather [spmem:s2], $0x10, s17, s14, $0xb8;
	[tilespmem:$0x8890] =	vst v63  }
0xac: {  	_ =	swait.ge [sflag:s19], $0x800  }
0xad: {  	[sflag:s19] =	ssyncset.done $0x0  }
0xae: {  	[sflag:s19] =	ssyncadd.s32 $0xFFFFF800  }
0xaf: {  	[spmem:s3] =	stream.indirect.scatter.add.f32 [tilespmem:s16], [sflag:$0x3], $0x10, s20, s14, $0xb8;
	[tilespmem:$0x8890] =	vst v63  }
0xb0: {  	_ =	swait.ge [sflag:s21], $0x800  }
0xb1: {  	p1 =	seq.s32 s29, $0x2800;
	s30 =	smov.u32 s29;
	[sflag:s21] =	ssyncset.done $0x0  }
0xb2: {  	s30 =	simm.s32 @p1 $0x0;
	[sflag:s21] =	ssyncadd.s32 $0xFFFFF800  }
0xb3: {  	v0 =	vld [tilespmem:s30+$0x0];
	_ =	sdelay $0x4  }
0xb4: {  	v1 =	vand.u32 $0xFFFF, v0;
	v0 =	vshra.s32 v0, $0x10  }
0xb5: {  	[tilespmem:$0x2800] =	vst v1  }
0xb6: {  	[tilespmem:$0x2900] =	vst v0  }
0xb7: {  	v0 =	vld [tilespmem:s30+$0x10];
	_ =	sdelay $0x4  }
0xb8: {  	v1 =	vand.u32 $0xFFFF, v0;
	v0 =	vshra.s32 v0, $0x10  }
0xb9: {  	[tilespmem:$0x2810] =	vst v1  }
0xba: {  	[tilespmem:$0x2910] =	vst v0  }
0xbb: {  	v0 =	vld [tilespmem:s30+$0x20];
	_ =	sdelay $0x4  }
0xbc: {  	v1 =	vand.u32 $0xFFFF, v0;
	v0 =	vshra.s32 v0, $0x10  }
0xbd: {  	[tilespmem:$0x2820] =	vst v1  }
0xbe: {  	[tilespmem:$0x2920] =	vst v0  }
0xbf: {  	v0 =	vld [tilespmem:s30+$0x30];
	_ =	sdelay $0x4  }
0xc0: {  	v1 =	vand.u32 $0xFFFF, v0;
	v0 =	vshra.s32 v0, $0x10  }
0xc1: {  	[tilespmem:$0x2830] =	vst v1  }
0xc2: {  	[tilespmem:$0x2930] =	vst v0  }
0xc3: {  	v0 =	vld [tilespmem:s30+$0x40];
	_ =	sdelay $0x4  }
0xc4: {  	v1 =	vand.u32 $0xFFFF, v0;
	v0 =	vshra.s32 v0, $0x10  }
0xc5: {  	[tilespmem:$0x2840] =	vst v1  }
0xc6: {  	[tilespmem:$0x2940] =	vst v0  }
0xc7: {  	v0 =	vld [tilespmem:s30+$0x50];
	_ =	sdelay $0x3  }
.Ltmp0:
0xc8: {  	(pc) =	sbr.rel @p0 .LBB2_2-.Ltmp0, $4  }
0xc9: {  	v1 =	vand.u32 $0xFFFF, v0;
	v0 =	vshra.s32 v0, $0x10  }
0xca: {  	[tilespmem:$0x2850] =	vst v1  }
0xcb: {  	[tilespmem:$0x2950] =	vst v0  }
0xcc: {  	v0 =	vld [tilespmem:s30+$0x60]  }
0xcd: {  	_ =	sdelay $0x3  }
0xce: {  	v1 =	vand.u32 $0xFFFF, v0  }
0xcf: {  	v62 =	vshra.s32 v0, $0x10;
	[tilespmem:$0x2860] =	vst v1  }
0xd0: {  	[tilespmem:$0x2960] =	vst v62  }
0xd1: {  	v0 =	vld [tilespmem:s30+$0x70];
	_ =	sdelay $0x4  }
0xd2: {  	v63 =	vand.u32 $0xFFFF, v0  }
0xd3: {  	v0 =	vshra.s32 v0, $0x10;
	[tilespmem:$0x2870] =	vst v63  }
0xd4: {  	[tilespmem:$0x2970] =	vst v0  }
0xd5: {  	[tilespmem:s16], [sflag:$0x1] =	stream.indirect.gather [spmem:s2], $0x10, s15, s14, $0xb8;
	[tilespmem:$0x8890] =	vst v63  }
0xd6: {  	_ =	swait.ge [sflag:s22], $0x800  }
0xd7: {  	[sflag:s22] =	ssyncset.done $0x0  }
0xd8: {  	[sflag:s22] =	ssyncadd.s32 $0xFFFFF800  }
0xd9: {  	[spmem:s3] =	stream.indirect.scatter.add.f32 [tilespmem:s18], [sflag:$0x4], $0x10, s23, s14, $0xb8;
	[tilespmem:$0x8890] =	vst v63  }
0xda: {  	_ =	swait.ge [sflag:s24], $0x800  }
0xdb: {  	[sflag:s24] =	ssyncset.done $0x0  }
0xdc: {  	[sflag:s24] =	ssyncadd.s32 $0xFFFFF800  }
0xdd: {  	_ =	swait.ge [sflag:s19], $0x800  }
0xde: {  	s25 =	sadd.s32 $0x1, s25;
	[sflag:s19] =	ssyncset.done $0x0  }
0xdf: {  	p0 =	sne.s32 s25, s9;
	[sflag:s19] =	ssyncadd.s32 $0xFFFFF800  }
.Ltmp1:
0xe0: {  	[bflag:$0x0] =	sbarrier.arrive $0xFFFF;
	(pc) =	sbr.rel @p0 .LBB2_1-.Ltmp1, $4  }
0xe1: {  	[hbm:s8], [sflag:s11] =	dma.local [spmem:s13], $0x4F0  }
0xe2: {  	_ =	swait.ge [sflag:s10], $0x4F0  }
0xe3: {  	[sflag:s10] =	ssyncset.done $0x0  }
0xe4: {  	[sflag:s10] =	ssyncadd.s32 $0xFFFFFB10  }
0xe5: {  	_ =	sfence.sel $0x180000  }
0xe6: {  	[bflag:$0x0] =	sbarrier.arrive $0xFFFF  }
0xe7: {  	p0 =	sne.s32 s0, $0x0;
	_ =	strace $0x9000004D  }
0xe8: {  	s0 =	sadd.s32 @!p0 $0x100000, s1;
	[bflag:$0x2] =	sbarrier.arrive $0xFFFF  }
0xe9: {  	[sflag:s0] =	ssyncadd.tile.s32 @!p0 $0x1;
	_ =	shalt  }
.Lfunc_end2:
_tile_overlayer_lowered:
.L_overlay_start_2:
0xea: {  	(tag) =	ssettag $0x2  }
0xeb: {  	s0 =	rddreg [dreg:$0x0];
	s2 =	stileid.u32  }
0xec: {  	s1 =	rddreg [dreg:$0x1];
	p0 =	sne.s32 s2, $0x0  }
0xed: {  	s3 =	rddreg [dreg:$0x2];
	[bflag:$0x3] =	sbarrier.arrive $0xFFFF;
	s2 =	simm.s32 @!p0 $0x1C05  }
0xee: {  	[timem:s3], [sflag:s2] =	dma.local @!p0 [hbm:s0], s1  }
0xef: {  	s0 =	simm.s32 @!p0 $0x5  }
0xf0: {  	_ =	swait.ge @!p0 [sflag:s0], s1  }
0xf1: {  	s1 =	ssub.s32 @!p0 $0x0, s1;
	[sflag:s0] =	ssyncset.done @!p0 $0x0  }
0xf2: {  	[sflag:s0] =	ssyncadd.s32 @!p0 s1  }
0xf3: {  	[bflag:$0x3] =	sbarrier.arrive $0xFFFF  }
0xf4: {  	_ =	shalt  }

// kernel: kernel.8.cloned.1.call-start
scs
__scs_entry_jumppad:
0x0: {  	(pc) =	sbr.rel $0x88, $3  }
0x1: {  	(tag) =	ssettag $0x0;
	lr =	simm.s32 $0x1  }
0x2: {  	[smem:$0x3F9B] =	sst lr;
	_ =	strace $0xD0000000  }
0x3: {  	_ = 	snop  }
0x4: {  	_ = 	snop  }
0x5: {  	_ = 	snop  }
0x6: {  	_ = 	snop  }
0x7: {  	_ = 	snop  }
__scs_overlays_trampoline_lowered:
0x8: {  	[smem:$0x3FAA] =	sst s0  }
0x9: {  	[smem:$0x3FAB] =	sst s1  }
0xa: {  	[smem:$0x3FAC] =	sst s2  }
0xb: {  	[smem:$0x3FAD] =	sst s3  }
0xc: {  	[smem:$0x3FAE] =	sst s4  }
0xd: {  	[smem:$0x3FAF] =	sst s5  }
0xe: {  	[smem:$0x3FB0] =	sst s6  }
0xf: {  	[smem:$0x3FB1] =	sst s7  }
0x10: {  	[smem:$0x3FB2] =	sst s8  }
0x11: {  	[smem:$0x3FB3] =	sst s9;
	s0 =	simm.s32 @!p0 $0x0  }
0x12: {  	s1 =	sld [smem:$0x3F99];
	s0 =	simm.s32 @p0 $0x1  }
0x13: {  	[smem:$0x3FB4] =	sst s0;
	s0 =	simm.s32 @!p1 $0x0  }
0x14: {  	s2 =	sld [smem:$0x3F98];
	s0 =	simm.s32 @p1 $0x1  }
0x15: {  	[smem:$0x3FB5] =	sst s0;
	s0 =	simm.s32 @!p2 $0x0  }
0x16: {  	s3 =	sld [smem:$0x3FDB];
	s0 =	simm.s32 @p2 $0x1  }
0x17: {  	s4 =	simm.s32 $0x1BF5;
	[smem:$0x3FB7] =	sst s0  }
0x18: {  	s0 =	sld [smem:$0x3F9A];
	_ =	swait.ge [sflag:s4], $0x0  }
0x19: {  	s7 =	sld [smem:$0x3F9B]  }
0x1a: {  	s8 =	sadd.s32 $0xFFFFE003, lr  }
0x1b: {  	s9 =	sadd.s32 $0xFFFFFEF7, lr;
	s5 =	simm.s32 $0xFFFFFFFF;
	p2 =	slt.u32 s8, $0xFFFFF086  }
0x1c: {  	p1 =	slt.u32 s9, $0xF7A;
	s5 =	simm.s32 @!p2 $0x0  }
0x1d: {  	s5 =	simm.s32 @p1 $0x1;
	p0 =	seq.s32 s7, s2  }
0x1e: {  	s7 =	smul.u32 @!p0 $0xF7A, s2;
	p2 =	seq.s32 @!p0 s5, $0x0  }
0x1f: {  	s9 =	smul.u32 $0xF7A, s1;
	s8 =	simm.s32 @!p0 $0x1BF5;
	p2 =	por !p2, p0  }
0x20: {  	[sflag:s8] =	ssyncset.s32 @!p0 $0xFFFFF086;
	s6 =	sadd.s32 @!p0 s3, s7;
	s7 =	simm.s32 @!p0 $0x108  }
0x21: {  	s3 =	sadd.s32 s3, s9;
	s6 =	sadd.s32 @!p0 $0x88, s6;
	s7 =	simm.s32 @p2 $0x1082  }
0x22: {  	[simem:s7], [sflag:s8] =	dma.local @!p0 [hbm:s6], $0xF7A  }
0x23: {  	s9 =	sor.u32 $0xD0000000, s2;
	s6 =	simm.s32 $0x108;
	_ =	swait.ge @!p0 [sflag:s8], $0x0  }
0x24: {  	s3 =	sadd.s32 $0x88, s3;
	s6 =	simm.s32 @!p1 $0x1082;
	[sflag:s4] =	ssyncset.s32 $0xFFFFF086  }
0x25: {  	[simem:s6], [sflag:s4] =	dma.local [hbm:s3], $0xF7A  }
0x26: {  	[smem:$0x3F9B] =	sst s1;
	(tag) =	ssettag s2;
	_ =	strace s9  }
0x27: {  	s1 =	sld [smem:$0x3FAB]  }
0x28: {  	s2 =	sld [smem:$0x3FAC]  }
0x29: {  	s4 =	sld [smem:$0x3FAE]  }
0x2a: {  	p0 =	seq.s32 s5, $0x0;
	s5 =	sld [smem:$0x3FAF]  }
0x2b: {  	s6 =	sld [smem:$0x3FB0]  }
0x2c: {  	s7 =	sld [smem:$0x3FB1]  }
0x2d: {  	s3 =	simm.s32 $0x108;
	s8 =	sld [smem:$0x3FB2]  }
0x2e: {  	s3 =	simm.s32 @!p0 $0x1082;
	s9 =	sld [smem:$0x3FB3]  }
0x2f: {  	lr =	sadd.s32 s0, s3;
	s0 =	sld [smem:$0x3FAA]  }
0x30: {  	s3 =	sld [smem:$0x3FAD]  }
0x31: {  	[smem:$0x3FB6] =	sst s10  }
0x32: {  	s10 =	sld [smem:$0x3FB4];
	_ =	sdelay $0x3  }
0x33: {  	p0 =	seq.s32 s10, $0x1;
	s10 =	sld [smem:$0x3FB6];
	_ =	sdelay $0x3  }
0x34: {  	[smem:$0x3FB6] =	sst s10  }
0x35: {  	s10 =	sld [smem:$0x3FB5];
	_ =	sdelay $0x3  }
0x36: {  	p1 =	seq.s32 s10, $0x1;
	s10 =	sld [smem:$0x3FB6];
	_ =	sdelay $0x3  }
0x37: {  	[smem:$0x3FB6] =	sst s10  }
0x38: {  	s10 =	sld [smem:$0x3FB7]  }
0x39: {  	_ = 	snop;
	(pc) =	sbr.ind lr, $3  }
0x3a: {  	_ = 	snop  }
0x3b: {  	_ = 	snop  }
0x3c: {  	p2 =	seq.s32 s10, $0x1;
	s10 =	sld [smem:$0x3FB6]  }
0x3d: {  	_ =	shalt  }
0x3e: {  	_ =	shalt  }
0x3f: {  	_ =	shalt  }
0x40: {  	_ =	shalt  }
0x41: {  	_ =	shalt  }
0x42: {  	_ =	shalt  }
0x43: {  	_ =	shalt  }
0x44: {  	_ =	shalt  }
0x45: {  	_ =	shalt  }
0x46: {  	_ =	shalt  }
0x47: {  	_ =	shalt  }
0x48: {  	_ =	shalt  }
0x49: {  	_ =	shalt  }
0x4a: {  	_ =	shalt  }
0x4b: {  	_ =	shalt  }
0x4c: {  	_ =	shalt  }
0x4d: {  	_ =	shalt  }
0x4e: {  	_ =	shalt  }
0x4f: {  	_ =	shalt  }
0x50: {  	_ =	shalt  }
0x51: {  	_ =	shalt  }
0x52: {  	_ =	shalt  }
0x53: {  	_ =	shalt  }
0x54: {  	_ =	shalt  }
0x55: {  	_ =	shalt  }
0x56: {  	_ =	shalt  }
0x57: {  	_ =	shalt  }
0x58: {  	_ =	shalt  }
0x59: {  	_ =	shalt  }
0x5a: {  	_ =	shalt  }
0x5b: {  	_ =	shalt  }
0x5c: {  	_ =	shalt  }
0x5d: {  	_ =	shalt  }
0x5e: {  	_ =	shalt  }
0x5f: {  	_ =	shalt  }
0x60: {  	_ =	shalt  }
0x61: {  	_ =	shalt  }
0x62: {  	_ =	shalt  }
0x63: {  	_ =	shalt  }
0x64: {  	_ =	shalt  }
0x65: {  	_ =	shalt  }
0x66: {  	_ =	shalt  }
0x67: {  	_ =	shalt  }
0x68: {  	_ =	shalt  }
0x69: {  	_ =	shalt  }
0x6a: {  	_ =	shalt  }
0x6b: {  	_ =	shalt  }
0x6c: {  	_ =	shalt  }
0x6d: {  	_ =	shalt  }
0x6e: {  	_ =	shalt  }
0x6f: {  	_ =	shalt  }
0x70: {  	_ =	shalt  }
0x71: {  	_ =	shalt  }
0x72: {  	_ =	shalt  }
0x73: {  	_ =	shalt  }
0x74: {  	_ =	shalt  }
0x75: {  	_ =	shalt  }
0x76: {  	_ =	shalt  }
0x77: {  	_ =	shalt  }
0x78: {  	_ =	shalt  }
0x79: {  	_ =	shalt  }
0x7a: {  	_ =	shalt  }
0x7b: {  	_ =	shalt  }
0x7c: {  	_ =	shalt  }
0x7d: {  	_ =	shalt  }
0x7e: {  	_ =	shalt  }
0x7f: {  	_ =	shalt  }
0x80: {  	_ =	shalt  }
0x81: {  	_ =	shalt  }
0x82: {  	_ =	shalt  }
0x83: {  	_ =	shalt  }
0x84: {  	_ =	shalt  }
0x85: {  	_ =	shalt  }
0x86: {  	_ =	shalt  }
0x87: {  	_ =	shalt  }
.Lfunc_end0:
.L_simem_size_0:
called_computation_lowered:
.L_overlay_start_0:
0x88: {  	s2 =	sld [smem:$0x3FD9]  }
0x89: {  	s3 =	sld [smem:$0x3FFE];
	_ =	sdelay $0x1  }
0x8a: {  	s1 =	srdreg.scid  }
0x8b: {  	s0 =	sand.u32 $0x1, s1  }
0x8c: {  	s17 =	sshll.u32 s0, $0xA;
	s2 =	sadd.s32 s3, s2  }
0x8d: {  	s2 =	sadd.s32 s2, s17  }
0x8e: {  	[smem:$0x3FC2] =	sst s2  }
0x8f: {  	_ = 	snop  }
0x90: {  	s2 =	sld [smem:$0x3FD0];
	(tm) =	ssettm $0x1  }
0x91: {  	s18 =	sld [smem:$0x3FFB];
	_ =	sdelay $0x3  }
0x92: {  	_ =	strace s18  }
0x93: {  	s3 =	sld [smem:$0x3FFC];
	_ =	sdelay $0x3  }
0x94: {  	_ =	strace s3  }
0x95: {  	s3 =	sld [smem:$0x3FFD];
	_ =	sdelay $0x3  }
0x96: {  	_ =	strace s3  }
0x97: {  	_ =	strace $0x8FFFFFFF  }
0x98: {  	s19 =	sld [smem:$0x3FDB];
	_ =	sdelay $0x1  }
0x99: {  	s4 =	simm.s32 $_scs_section_size  }
0x9a: {  	s5 =	simm.s32 $_size__tile_overlayer_lowered;
	s6 =	simm.s32 $_tile_overlayer_lowered  }
0x9b: {  	s22 =	simm.s32 $0x1BFF;
	s21 =	sshll.u32 s6, $0x1;
	s3 =	sadd.s32 s4, s19  }
0x9c: {  	s7 =	simm.s32 $0x0;
	s20 =	sshll.u32 s5, $0x1;
	s5 =	sadd.s32 s21, s3  }
0x9d: {  	[timem:s7], [sflag:s22] =	dma.local [hbm:s5], s20  }
0x9e: {  	_ =	swait.ge [sflag:s22], s20  }
0x9f: {  	s4 =	ssub.s32 $0x0, s20;
	[sflag:s22] =	ssyncset.done $0x0  }
0xa0: {  	[sflag:s22] =	ssyncadd.s32 s4;
	_ =	sdelay $0x1  }
0xa1: {  	s23 =	simm.s32 $0x1B8B  }
0xa2: {  	_ =	swait.ge [sflag:s23], $0x1  }
0xa3: {  	[sflag:s23] =	ssyncset.done $0x0  }
0xa4: {  	s25 =	simm.s32 $0x1B8E;
	s24 =	sld [smem:$0x3FFE];
	[sflag:s23] =	ssyncadd.s32 $0xFFFFFFFF  }
0xa5: {  	s26 =	simm.s32 $execute0_lowered;
	[smem:$0x3FD2] =	sst s25  }
0xa6: {  	s5 =	sshll.u32 s26, $0x1;
	_ =	strace $0x80000046;
	[dreg:$0x1] =	wrdreg $0xFFFFFFFF  }
0xa7: {  	s28 =	simm.s32 $_size_execute0_lowered;
	s3 =	sadd.s32 s3, s5;
	[dreg:$0x0] =	wrdreg $0x0  }
0xa8: {  	s5 =	sshll.u32 s28, $0x1;
	[dreg:$0x2] =	wrdreg s3  }
0xa9: {  	[dreg:$0x3] =	wrdreg s5  }
0xaa: {  	[dreg:$0x4] =	wrdreg $0xC0  }
0xab: {  	_ =	task [dreg:s7], $0x5FFFF  }
0xac: {  	[dreg:$0x1] =	wrdreg $0xFFFFFFFF  }
0xad: {  	[dreg:$0x0] =	wrdreg $0x60  }
0xae: {  	[dreg:$0x2] =	wrdreg s24  }
0xaf: {  	[dreg:$0x3] =	wrdreg s2  }
0xb0: {  	[dreg:$0x4] =	wrdreg $0x30000  }
0xb1: {  	[dreg:$0x5] =	wrdreg $0x9  }
0xb2: {  	_ =	task.clear_ibuf [dreg:s7], $0x6FFFF;
	_ =	strace $0x90000046  }
0xb3: {  	s29 =	simm.s32 $0x9;
	_ =	strace $0x80000048  }
0xb4: {  	_ =	swait.ge [sflag:s29], $0x1  }
0xb5: {  	[sflag:s29] =	ssyncadd.s32 $0xFFFFFFFF  }
0xb6: {  	_ =	strace $0x90000048  }
0xb7: {  	_ =	sfence  }
0xb8: {  	s30 =	sld [smem:$0x0];
	_ =	sdelay $0x2  }
0xb9: {  	s31 =	sshll.u32 s1, $0xD;
	s1 =	sshrl.u32 s1, $0x2  }
0xba: {  	s3 =	sand.u32 $0x4000, s31;
	s1 =	sadd.s32 s1, s30  }
0xbb: {  	s0 =	sor.u32 s3, s0;
	s1 =	sshll.u32 s1, $0x11  }
0xbc: {  	s0 =	sor.u32 s1, s0  }
0xbd: {  	s0 =	sadd.s32 $0x8F2B, s0  }
0xbe: {  	[sflag:s0] =	ssyncadd.remote.s32 $0x1  }
0xbf: {  	_ =	sfence.sel $0xFFFF  }
0xc0: {  	[dreg:$0x0] =	wrdreg $0xFFFFFFFF;
	(pc) =	sbr.abs _section_cstart, $3  }
0xc1: {  	[dreg:$0x1] =	wrdreg $0xFFFFFFFF  }
0xc2: {  	_ =	task.clear_ibuf [dreg:s7], $0x2FFFF;
	_ =	strace $0x9FFFFFFF  }
0xc3: {  	(tm) =	ssettm $0x7FFFFFFF  }
tec
execute0_lowered:
.L_overlay_start_1:
0x0: {  	(tag) =	ssettag $0x1  }
0x1: {  	s6 =	rddreg [dreg:$0x0]  }
0x2: {  	s2 =	rddreg [dreg:$0x1]  }
0x3: {  	s0 =	srdreg.scid;
	s3 =	rddreg [dreg:$0x2]  }
0x4: {  	s4 =	simm.s32 $0x0;
	s5 =	sand.u32 $0x1, s0;
	s0 =	stileid.u32  }
0x5: {  	s13 =	simm.s32 $0x80;
	s14 =	simm.s32 $0x1;
	s8 =	smul.u32 $0x2780, s0  }
0x6: {  	s15 =	simm.s32 $0x0;
	[smem:$0x7FF] =	sst s4;
	s9 =	smul.u32 $0x4F0, s0  }
0x7: {  	s1 =	sshll.u32 s5, $0x4;
	s10 =	smul.u32 $0x4F00, s5;
	s5 =	ssub.s32 $0x2, s5  }
0x8: {  	s31 =	sshll.u32 s0, $0x6;
	s1 =	sor.u32 s0, s1;
	s30 =	sshrl.u32 s5, $0x1  }
0x9: {  	s7 =	smul.u32 $0x500, s1;
	s1 =	rddreg [dreg:$0x3];
	_ =	strace $0x80000047  }
0xa: {  	s11 =	sshrl.u32 s8, $0x3;
	s9 =	sadd.s32 s9, s10;
	s10 =	ssub.s32 s5, s30  }
0xb: {  	s12 =	sadd.s32 s8, s3;
	s11 =	sadd.s32 s11, s6;
	s9 =	sadd.s32 s9, s6  }
0xc: {  	s8 =	smax.u32 s10, $0x1;
	s10 =	simm.s32 $0x800;
	s12 =	sshrl.u32 s12, $0x3  }
0xd: {  	s7 =	sadd.s32 s7, s6;
	s6 =	sadd.s32 $0xB800, s11;
	s11 =	sor.u32 $0x1C02, s31  }
0xe: {  	s5 =	sadd.s32 $0x1800, s7;
	s7 =	sadd.s32 $0x10800, s9;
	s9 =	simm.s32 $0x2  }
.LBB2_1:
0xf: {  	[tilespmem:s4], [sflag:$0x2] =	stream.linear.gather [hbm4b:s2+s4], $0x800, $0x38;
	[tilespmem:$0x5780] =	vst v63  }
0x10: {  	_ =	swait.ge [sflag:s9], $0x800  }
0x11: {  	[sflag:s9] =	ssyncset.done $0x0  }
0x12: {  	[sflag:s9] =	ssyncadd.s32 $0xFFFFF800  }
0x13: {  	[tilespmem:s10], [sflag:$0x2] =	stream.linear.gather [hbm4b:s5+s4], $0x2800, $0x38;
	[tilespmem:$0x5780] =	vst v63  }
0x14: {  	_ =	swait.ge [sflag:s9], $0x2800  }
0x15: {  	[sflag:s9] =	ssyncset.done $0x0  }
0x16: {  	[sflag:s9] =	ssyncadd.s32 $0xFFFFD800  }
0x17: {  	[spmem:s12], [sflag:s11] =	dma.local [hbm:s6], $0x4F0  }
0x18: {  	_ =	swait.ge [sflag:s9], $0x4F0  }
0x19: {  	[sflag:s9] =	ssyncset.done $0x0  }
0x1a: {  	[sflag:s9] =	ssyncadd.s32 $0xFFFFFB10  }
0x1b: {  	s16 =	simm.s32 $0x800;
	[bflag:$0x0] =	sbarrier.arrive $0xFFFF  }
0x1c: {  	[spmem:s3] =	stream.indirect.scatter.add.f32 [tilespmem:s4], [sflag:$0x1], $0x10, s16, s13, $0xb8;
	[tilespmem:$0x5780] =	vst v63  }
0x1d: {  	s29 =	simm.s32 $0x880  }
0x1e: {  	[spmem:s3] =	stream.indirect.scatter.add.f32 [tilespmem:s4], [sflag:$0x1], $0x10, s29, s13, $0xb8;
	[tilespmem:$0x5780] =	vst v63  }
0x1f: {  	s30 =	simm.s32 $0x900  }
0x20: {  	[spmem:s3] =	stream.indirect.scatter.add.f32 [tilespmem:s4], [sflag:$0x1], $0x10, s30, s13, $0xb8;
	[tilespmem:$0x5780] =	vst v63  }
0x21: {  	s31 =	simm.s32 $0x980  }
0x22: {  	[spmem:s3] =	stream.indirect.scatter.add.f32 [tilespmem:s4], [sflag:$0x1], $0x10, s31, s13, $0xb8;
	[tilespmem:$0x5780] =	vst v63  }
0x23: {  	_ =	swait.ge [sflag:s14], $0x800  }
0x24: {  	[sflag:s14] =	ssyncset.done $0x0  }
0x25: {  	[sflag:s14] =	ssyncadd.s32 $0xFFFFF800  }
0x26: {  	_ =	swait.ge [sflag:s14], $0x800  }
0x27: {  	[sflag:s14] =	ssyncset.done $0x0  }
0x28: {  	[sflag:s14] =	ssyncadd.s32 $0xFFFFF800  }
0x29: {  	_ =	swait.ge [sflag:s14], $0x800  }
0x2a: {  	[sflag:s14] =	ssyncset.done $0x0  }
0x2b: {  	[sflag:s14] =	ssyncadd.s32 $0xFFFFF800  }
0x2c: {  	_ =	swait.ge [sflag:s14], $0x800  }
0x2d: {  	s17 =	simm.s32 $0x1000;
	s16 =	simm.s32 $0x200;
	[sflag:s14] =	ssyncset.done $0x0  }
.LBB2_2:
0x2e: {  	s18 =	sadd.s32 $0x800, s16  }
0x2f: {  	[sflag:s14] =	ssyncadd.s32 $0xFFFFF800;
	s19 =	smov.u32 s17;
	s20 =	sadd.s32 $0x800, s17  }
0x30: {  	[spmem:s3] =	stream.indirect.scatter.add.f32 [tilespmem:s4], [sflag:$0x1], $0x10, s18, s13, $0xb8;
	[tilespmem:$0x5780] =	vst v63  }
0x31: {  	p0 =	sne.s32 s17, $0x9800;
	s17 =	sadd.s32 $0x880, s16  }
0x32: {  	[spmem:s3] =	stream.indirect.scatter.add.f32 [tilespmem:s4], [sflag:$0x1], $0x10, s17, s13, $0xb8;
	[tilespmem:$0x5780] =	vst v63  }
0x33: {  	s17 =	sadd.s32 $0x900, s16  }
0x34: {  	[spmem:s3] =	stream.indirect.scatter.add.f32 [tilespmem:s4], [sflag:$0x1], $0x10, s17, s13, $0xb8;
	[tilespmem:$0x5780] =	vst v63  }
0x35: {  	s16 =	sadd.s32 $0x980, s16  }
0x36: {  	[spmem:s3] =	stream.indirect.scatter.add.f32 [tilespmem:s4], [sflag:$0x1], $0x10, s16, s13, $0xb8;
	[tilespmem:$0x5780] =	vst v63  }
0x37: {  	_ =	swait.ge [sflag:s14], $0x800  }
0x38: {  	[sflag:s14] =	ssyncset.done $0x0  }
0x39: {  	[sflag:s14] =	ssyncadd.s32 $0xFFFFF800  }
0x3a: {  	_ =	swait.ge [sflag:s14], $0x800  }
0x3b: {  	[sflag:s14] =	ssyncset.done $0x0  }
0x3c: {  	[sflag:s14] =	ssyncadd.s32 $0xFFFFF800  }
.Ltmp0:
0x3d: {  	_ =	swait.ge [sflag:s14], $0x800;
	(pc) =	sbr.rel @p0 .LBB2_2-.Ltmp0, $4  }
0x3e: {  	[sflag:s14] =	ssyncset.done $0x0  }
0x3f: {  	[sflag:s14] =	ssyncadd.s32 $0xFFFFF800  }
0x40: {  	_ =	swait.ge [sflag:s14], $0x800  }
0x41: {  	s17 =	smov.u32 s20;
	s16 =	sshra.s32 s19, $0x2;
	[sflag:s14] =	ssyncset.done $0x0  }
0x42: {  	s17 =	sadd.s32 $0x800, s16;
	[sflag:s14] =	ssyncadd.s32 $0xFFFFF800  }
0x43: {  	[spmem:s3] =	stream.indirect.scatter.add.f32 [tilespmem:s4], [sflag:$0x1], $0x10, s17, s13, $0xb8;
	[tilespmem:$0x5780] =	vst v63  }
0x44: {  	s29 =	sadd.s32 $0x880, s16  }
0x45: {  	[spmem:s3] =	stream.indirect.scatter.add.f32 [tilespmem:s4], [sflag:$0x1], $0x10, s29, s13, $0xb8;
	[tilespmem:$0x5780] =	vst v63  }
0x46: {  	s30 =	sadd.s32 $0x900, s16  }
0x47: {  	[spmem:s3] =	stream.indirect.scatter.add.f32 [tilespmem:s4], [sflag:$0x1], $0x10, s30, s13, $0xb8;
	[tilespmem:$0x5780] =	vst v63  }
0x48: {  	s31 =	sadd.s32 $0x980, s16  }
0x49: {  	[spmem:s3] =	stream.indirect.scatter.add.f32 [tilespmem:s4], [sflag:$0x1], $0x10, s31, s13, $0xb8;
	[tilespmem:$0x5780] =	vst v63  }
0x4a: {  	_ =	swait.ge [sflag:s14], $0x800  }
0x4b: {  	[sflag:s14] =	ssyncset.done $0x0  }
0x4c: {  	[sflag:s14] =	ssyncadd.s32 $0xFFFFF800  }
0x4d: {  	_ =	swait.ge [sflag:s14], $0x800  }
0x4e: {  	[sflag:s14] =	ssyncset.done $0x0  }
0x4f: {  	[sflag:s14] =	ssyncadd.s32 $0xFFFFF800  }
0x50: {  	_ =	swait.ge [sflag:s14], $0x800  }
0x51: {  	[sflag:s14] =	ssyncset.done $0x0  }
0x52: {  	[sflag:s14] =	ssyncadd.s32 $0xFFFFF800  }
0x53: {  	_ =	swait.ge [sflag:s14], $0x800  }
0x54: {  	s15 =	sadd.s32 $0x1, s15;
	[sflag:s14] =	ssyncset.done $0x0  }
0x55: {  	p0 =	sne.s32 s15, s8;
	[sflag:s14] =	ssyncadd.s32 $0xFFFFF800  }
.Ltmp1:
0x56: {  	[bflag:$0x0] =	sbarrier.arrive $0xFFFF;
	(pc) =	sbr.rel @p0 .LBB2_1-.Ltmp1, $4  }
0x57: {  	[hbm:s7], [sflag:s11] =	dma.local [spmem:s12], $0x4F0  }
0x58: {  	_ =	swait.ge [sflag:s9], $0x4F0  }
0x59: {  	[sflag:s9] =	ssyncset.done $0x0  }
0x5a: {  	[sflag:s9] =	ssyncadd.s32 $0xFFFFFB10  }
0x5b: {  	_ =	sfence.sel $0x180000  }
0x5c: {  	[bflag:$0x0] =	sbarrier.arrive $0xFFFF  }
0x5d: {  	p0 =	sne.s32 s0, $0x0;
	_ =	strace $0x90000047  }
0x5e: {  	s0 =	sadd.s32 @!p0 $0x100000, s1;
	[bflag:$0x2] =	sbarrier.arrive $0xFFFF  }
0x5f: {  	[sflag:s0] =	ssyncadd.tile.s32 @!p0 $0x1;
	_ =	shalt  }
.Lfunc_end2:
_tile_overlayer_lowered:
.L_overlay_start_2:
0x60: {  	(tag) =	ssettag $0x2  }
0x61: {  	s0 =	rddreg [dreg:$0x0];
	s2 =	stileid.u32  }
0x62: {  	s1 =	rddreg [dreg:$0x1];
	p0 =	sne.s32 s2, $0x0  }
0x63: {  	s3 =	rddreg [dreg:$0x2];
	[bflag:$0x3] =	sbarrier.arrive $0xFFFF;
	s2 =	simm.s32 @!p0 $0x1C02  }
0x64: {  	[timem:s3], [sflag:s2] =	dma.local @!p0 [hbm:s0], s1  }
0x65: {  	s0 =	simm.s32 @!p0 $0x2  }
0x66: {  	_ =	swait.ge @!p0 [sflag:s0], s1  }
0x67: {  	s1 =	ssub.s32 @!p0 $0x0, s1;
	[sflag:s0] =	ssyncset.done @!p0 $0x0  }
0x68: {  	[sflag:s0] =	ssyncadd.s32 @!p0 s1  }
0x69: {  	[bflag:$0x3] =	sbarrier.arrive $0xFFFF  }
0x6a: {  	_ =	shalt  }

</sc_bundles>
